<compile_context>
chip_gen: v7x
topology: tpu7x:2x2x1
jax: 0.10.2.dev20260603
libtpu: 0.0.44.dev20260713+nightly
codegen_flags: <defaults>
</compile_context>

<pallas_src>
import functools

import jax
import jax.numpy as jnp
from jax import lax
from jax.experimental import pallas as pl
from jax.experimental.pallas import tpu as pltpu
from jax.experimental.pallas import tpu_sc as plsc

_MARGIN = 0.2
_NC, _NS, _L = 2, 16, 16
_NW = _NC * _NS
_RB = 4

_NEG_INF = float("-inf")
_BIG = 1 << 30


@functools.cache
def _gumbel_consts(b):
    kp, kn = jax.random.split(jax.random.key(42))
    gp = jax.random.gumbel(kp, (b, b), jnp.float32)
    gn = jax.random.gumbel(kn, (b, b), jnp.float32)
    return gp, gn


def _row_sample(pids_v, cd_t, gp_t, gn_t, r, i, b):
    lane = lax.broadcasted_iota(jnp.int32, (_L,), 0)
    pidvec = plsc.load_gather(pids_v, [jnp.full((_L,), i, jnp.int32)])
    ninf = jnp.full((_L,), _NEG_INF, jnp.float32)

    @plsc.parallel_loop(0, b // _L, unroll=8,
                        carry=(ninf, lane, ninf, lane, lane))
    def chunk(c, carry):
        cmaxp, cidxp, cmaxn, cidxn, idxv = carry
        sl = pl.ds(c * _L, _L)
        cd = cd_t[r, sl]
        m = pids_v[sl] == pidvec
        p = jnp.where(m, cd + gp_t[r, sl], ninf)
        n = jnp.where(m, ninf, gn_t[r, sl] - cd)
        up = p > cmaxp
        cmaxp = jnp.where(up, p, cmaxp)
        cidxp = jnp.where(up, idxv, cidxp)
        un = n > cmaxn
        cmaxn = jnp.where(un, n, cmaxn)
        cidxn = jnp.where(un, idxv, cidxn)
        return cmaxp, cidxp, cmaxn, cidxn, idxv + _L

    cmaxp, cidxp, cmaxn, cidxn, _ = chunk
    rvec = jnp.full((_L,), r, jnp.int32)
    gip = jnp.min(jnp.where(cmaxp == jnp.max(cmaxp), cidxp, _BIG))
    gin = jnp.min(jnp.where(cmaxn == jnp.max(cmaxn), cidxn, _BIG))
    vpos = plsc.load_gather(cd_t, [rvec, jnp.full((_L,), gip, jnp.int32)])
    vneg = plsc.load_gather(cd_t, [rvec, jnp.full((_L,), gin, jnp.int32)])
    return jnp.maximum(vpos - vneg + jnp.float32(_MARGIN), 0.0)


def _make_sc_kernel(b):
    rows_per_w = b // _NW
    nbatch = rows_per_w // _RB
    mesh = plsc.VectorSubcoreMesh(core_axis_name="c", subcore_axis_name="s")

    @functools.partial(
        pl.kernel,
        out_type=jax.ShapeDtypeStruct((b,), jnp.float32),
        mesh=mesh,
        compiler_params=pltpu.CompilerParams(needs_layout_passes=False),
        scratch_types=[
            pltpu.VMEM((b,), jnp.int32),
            pltpu.VMEM((_RB, b), jnp.float32),
            pltpu.VMEM((_RB, b), jnp.float32),
            pltpu.VMEM((_RB, b), jnp.float32),
            pltpu.VMEM((_RB, b), jnp.float32),
            pltpu.VMEM((_RB, b), jnp.float32),
            pltpu.VMEM((_RB, b), jnp.float32),
            pltpu.VMEM((rows_per_w,), jnp.float32),
            pltpu.SemaphoreType.DMA,
            pltpu.SemaphoreType.DMA,
        ],
    )
    def sc_kernel(cdist_hbm, pids_hbm, gp_hbm, gn_hbm, out_hbm,
                  pids_v, cd_a, cd_b, gp_a, gp_b, gn_a, gn_b, out_v,
                  sem_a, sem_b):
        wid = lax.axis_index("s") * _NC + lax.axis_index("c")
        base = wid * rows_per_w
        pltpu.sync_copy(pids_hbm, pids_v)

        def issue(i, cd_t, gp_t, gn_t, sem):
            sl = pl.ds(i, _RB)
            pltpu.async_copy(cdist_hbm.at[sl], cd_t, sem)
            pltpu.async_copy(gp_hbm.at[sl], gp_t, sem)
            pltpu.async_copy(gn_hbm.at[sl], gn_t, sem)

        def wait(cd_t, gp_t, gn_t, sem):
            pltpu.make_async_copy(cdist_hbm.at[pl.ds(0, _RB)], cd_t, sem).wait()
            pltpu.make_async_copy(gp_hbm.at[pl.ds(0, _RB)], gp_t, sem).wait()
            pltpu.make_async_copy(gn_hbm.at[pl.ds(0, _RB)], gn_t, sem).wait()

        lane = lax.broadcasted_iota(jnp.int32, (_L,), 0)
        mask0 = lane == 0

        def rows(i0, r0, cd_t, gp_t, gn_t):
            for r in range(_RB):
                dv = _row_sample(pids_v, cd_t, gp_t, gn_t, r, i0 + r, b)
                plsc.store_scatter(out_v, [jnp.full((_L,), r0 + r, jnp.int32)],
                                   dv, mask=mask0)

        issue(base, cd_a, gp_a, gn_a, sem_a)

        def two_batches(t, _):
            r0 = 2 * t * _RB
            i0 = base + r0
            issue(i0 + _RB, cd_b, gp_b, gn_b, sem_b)
            wait(cd_a, gp_a, gn_a, sem_a)
            rows(i0, r0, cd_a, gp_a, gn_a)
            inext = jnp.minimum(i0 + 2 * _RB, base + rows_per_w - _RB)
            issue(inext, cd_a, gp_a, gn_a, sem_a)
            wait(cd_b, gp_b, gn_b, sem_b)
            rows(i0 + _RB, r0 + _RB, cd_b, gp_b, gn_b)
            return 0

        lax.fori_loop(0, nbatch // 2, two_batches, 0)
        wait(cd_a, gp_a, gn_a, sem_a)
        pltpu.sync_copy(out_v, out_hbm.at[pl.ds(base, rows_per_w)])

    return sc_kernel


@functools.cache
def _sc_kernel_cached(b):
    return _make_sc_kernel(b)


def kernel(cdist, pids):
    b = cdist.shape[0]
    gp, gn = _gumbel_consts(b)
    return _sc_kernel_cached(b)(cdist, pids, gp, gn)

# --- scband reference (transcript-rebuilt; emitter-appended) ---
"""Pipeline reference for scband-batch-soft-48421461295698 (READ-ONLY COPY).

The authoritative reference and input builder live on the scoring server;
editing this copy changes nothing except your own understanding.
"""

import jax, jax.numpy as jnp
import numpy as np

M = 0.2
T = 1.0
B = 4096
NUM_IDS = 1000


def setup_inputs(seed: int = 0) -> dict:
    key = jax.random.key(seed)
    k1, k2 = jax.random.split(key)
    cdist = jax.random.uniform(k1, (B, B), dtype=jnp.float32)
    pids = jax.random.randint(k2, (B,), 0, NUM_IDS, dtype=jnp.int32)
    return {"cdist": cdist, "pids": pids}


def reference(cdist, pids):
    # mask_pos[i, j] = pids[i] == pids[j] (diagonal included, as in torch code)
    mask_pos = pids[None, :] == pids[:, None]
    # cdist_max[mask_neg] = -inf  -> only positives survive
    cdist_max = jnp.where(mask_pos, cdist, -jnp.inf)
    # cdist_min[mask_pos] = +inf  -> only negatives survive
    cdist_min = jnp.where(mask_pos, jnp.inf, cdist)
    # softmax(cdist_max / T) over dim=1; softmin(x) = softmax(-x)
    logits_pos = cdist_max / T
    logits_neg = -cdist_min / T
    skey = jax.random.key(42)
    kp, kn = jax.random.split(skey)
    # pyro categorical sample per row (one-hot select == index gather per row)
    idx_pos = jax.random.categorical(kp, logits_pos, axis=-1)
    idx_neg = jax.random.categorical(kn, logits_neg, axis=-1)
    max_pos = jnp.take_along_axis(cdist, idx_pos[:, None], axis=1)[:, 0]
    min_neg = jnp.take_along_axis(cdist, idx_neg[:, None], axis=1)[:, 0]
    diff = max_pos - min_neg
    # m is a float -> (diff + m).clamp(min=0)
    diff = jnp.maximum(diff + M, 0.0)
    return diff

if __name__ == "__main__":
    import jax
    _d = setup_inputs()
    print(jax.jit(kernel)(*tuple(_d.values())))

</pallas_src>

<mosaic_0001>
#map = affine_map<(d0, d1) -> (0, 0)>
#map1 = affine_map<(d0, d1) -> (0)>
module attributes {stable_mosaic.version = 14 : i64} {
  func.func @sc_kernel(%arg0: i32, %arg1: i32, %arg2: memref<4096x4096xf32, #tpu.memory_space<hbm>>, %arg3: memref<4096xi32, #tpu.memory_space<hbm>>, %arg4: memref<4096x4096xf32, #tpu.memory_space<hbm>>, %arg5: memref<4096x4096xf32, #tpu.memory_space<hbm>>, %arg6: memref<4096xf32, #tpu.memory_space<hbm>>, %arg7: memref<4096xi32, #tpu.memory_space<vmem>>, %arg8: memref<4x4096xf32, #tpu.memory_space<vmem>>, %arg9: memref<4x4096xf32, #tpu.memory_space<vmem>>, %arg10: memref<4x4096xf32, #tpu.memory_space<vmem>>, %arg11: memref<4x4096xf32, #tpu.memory_space<vmem>>, %arg12: memref<4x4096xf32, #tpu.memory_space<vmem>>, %arg13: memref<4x4096xf32, #tpu.memory_space<vmem>>, %arg14: memref<128xf32, #tpu.memory_space<vmem>>, %arg15: memref<!tpu.dma_semaphore, #tpu.memory_space<semaphore_mem>>, %arg16: memref<!tpu.dma_semaphore, #tpu.memory_space<semaphore_mem>>) attributes {dimension_semantics = [#tpu.dimension_semantics<core_parallel>, #tpu.dimension_semantics<subcore_parallel>], iteration_bounds = array<i64: 2, 16>, scalar_prefetch = 0 : i64, scratch_operands = 10 : i64, tpu.core_type = #tpu.core_type<sc_vector_subcore>, window_params = [{transform_indices = #map}, {transform_indices = #map1}, {transform_indices = #map}, {transform_indices = #map}, {transform_indices = #map1}]} {
    %mul3A = arith.constant 2 : i32
    %mul3A_0 = arith.muli %arg1, %mul3A : i32
    %add3A = arith.addi %mul3A_0, %arg0 : i32
    %mul3A_1 = arith.constant 128 : i32
    %mul3A_2 = arith.muli %add3A, %mul3A_1 : i32
    "tpu.region"() ({
      %run_scoped3A = tpu.sem_alloc : memref<!tpu.dma_semaphore, #tpu.memory_space<semaphore_mem>>
      tpu.enqueue_dma source(%arg3 : memref<4096xi32, #tpu.memory_space<hbm>>) target(%arg7 : memref<4096xi32, #tpu.memory_space<vmem>>) target_semaphore(%run_scoped3A : memref<!tpu.dma_semaphore, #tpu.memory_space<semaphore_mem>>)
      tpu.wait_dma2 semaphore(%run_scoped3A : memref<!tpu.dma_semaphore, #tpu.memory_space<semaphore_mem>>) src(%arg3 : memref<4096xi32, #tpu.memory_space<hbm>>) dst(%arg7 : memref<4096xi32, #tpu.memory_space<vmem>>)
      tpu.yield
    }) : () -> ()
    %iota3A = tpu.iota {dimensions = array<i32: 0>} : vector<16xi32>
    %eq3A = arith.constant 0 : i32
    %eq3A_3 = vector.broadcast %eq3A : i32 to vector<16xi32>
    %eq3A_4 = arith.cmpi eq, %iota3A, %eq3A_3 : vector<16xi32>
    %dma_start3A = arith.constant 0 : i32
    %dma_start3A_5 = tpu.memref_slice %arg2[%mul3A_2, %dma_start3A] : memref<4096x4096xf32, #tpu.memory_space<hbm>> -> memref<4x4096xf32, #tpu.memory_space<hbm>>
    %dma_start3A_6 = arith.constant 0 : i32
    %dma_start3A_7 = tpu.memref_slice %arg2[%mul3A_2, %dma_start3A_6] : memref<4096x4096xf32, #tpu.memory_space<hbm>> -> memref<4x4096xf32, #tpu.memory_space<hbm>>
    tpu.enqueue_dma source(%dma_start3A_7 : memref<4x4096xf32, #tpu.memory_space<hbm>>) target(%arg8 : memref<4x4096xf32, #tpu.memory_space<vmem>>) target_semaphore(%arg15 : memref<!tpu.dma_semaphore, #tpu.memory_space<semaphore_mem>>)
    %dma_start3A_8 = arith.constant 0 : i32
    %dma_start3A_9 = tpu.memref_slice %arg4[%mul3A_2, %dma_start3A_8] : memref<4096x4096xf32, #tpu.memory_space<hbm>> -> memref<4x4096xf32, #tpu.memory_space<hbm>>
    %dma_start3A_10 = arith.constant 0 : i32
    %dma_start3A_11 = tpu.memref_slice %arg4[%mul3A_2, %dma_start3A_10] : memref<4096x4096xf32, #tpu.memory_space<hbm>> -> memref<4x4096xf32, #tpu.memory_space<hbm>>
    tpu.enqueue_dma source(%dma_start3A_11 : memref<4x4096xf32, #tpu.memory_space<hbm>>) target(%arg10 : memref<4x4096xf32, #tpu.memory_space<vmem>>) target_semaphore(%arg15 : memref<!tpu.dma_semaphore, #tpu.memory_space<semaphore_mem>>)
    %dma_start3A_12 = arith.constant 0 : i32
    %dma_start3A_13 = tpu.memref_slice %arg5[%mul3A_2, %dma_start3A_12] : memref<4096x4096xf32, #tpu.memory_space<hbm>> -> memref<4x4096xf32, #tpu.memory_space<hbm>>
    %dma_start3A_14 = arith.constant 0 : i32
    %dma_start3A_15 = tpu.memref_slice %arg5[%mul3A_2, %dma_start3A_14] : memref<4096x4096xf32, #tpu.memory_space<hbm>> -> memref<4x4096xf32, #tpu.memory_space<hbm>>
    tpu.enqueue_dma source(%dma_start3A_15 : memref<4x4096xf32, #tpu.memory_space<hbm>>) target(%arg12 : memref<4x4096xf32, #tpu.memory_space<vmem>>) target_semaphore(%arg15 : memref<!tpu.dma_semaphore, #tpu.memory_space<semaphore_mem>>)
    %scan3A = arith.constant 0 : i32
    %scan3A_16 = arith.constant 0 : i32
    %scan3A_17 = arith.constant 16 : i32
    %scan3A_18 = arith.addi %scan3A_16, %scan3A_17 : i32
    %scan3A_19 = arith.constant 1 : i32
    %scan3A_20 = scf.for %scan3A_39 = %scan3A_16 to %scan3A_18 step %scan3A_19 iter_args(%scan3A_40 = %scan3A) -> (i32)  : i32 {
      %mul3A_41 = arith.constant 2 : i32
      %mul3A_42 = arith.muli %mul3A_41, %scan3A_39 : i32
      %mul3A_43 = arith.constant 4 : i32
      %mul3A_44 = arith.muli %mul3A_42, %mul3A_43 : i32
      %add3A_45 = arith.addi %mul3A_2, %mul3A_44 : i32
      %add3A_46 = arith.constant 4 : i32
      %add3A_47 = arith.addi %add3A_45, %add3A_46 : i32
      %dma_start3A_48 = arith.constant 0 : i32
      %dma_start3A_49 = tpu.memref_slice %arg2[%add3A_47, %dma_start3A_48] : memref<4096x4096xf32, #tpu.memory_space<hbm>> -> memref<4x4096xf32, #tpu.memory_space<hbm>>
      %dma_start3A_50 = arith.constant 0 : i32
      %dma_start3A_51 = tpu.memref_slice %arg2[%add3A_47, %dma_start3A_50] : memref<4096x4096xf32, #tpu.memory_space<hbm>> -> memref<4x4096xf32, #tpu.memory_space<hbm>>
      tpu.enqueue_dma source(%dma_start3A_51 : memref<4x4096xf32, #tpu.memory_space<hbm>>) target(%arg9 : memref<4x4096xf32, #tpu.memory_space<vmem>>) target_semaphore(%arg16 : memref<!tpu.dma_semaphore, #tpu.memory_space<semaphore_mem>>)
      %dma_start3A_52 = arith.constant 0 : i32
      %dma_start3A_53 = tpu.memref_slice %arg4[%add3A_47, %dma_start3A_52] : memref<4096x4096xf32, #tpu.memory_space<hbm>> -> memref<4x4096xf32, #tpu.memory_space<hbm>>
      %dma_start3A_54 = arith.constant 0 : i32
      %dma_start3A_55 = tpu.memref_slice %arg4[%add3A_47, %dma_start3A_54] : memref<4096x4096xf32, #tpu.memory_space<hbm>> -> memref<4x4096xf32, #tpu.memory_space<hbm>>
      tpu.enqueue_dma source(%dma_start3A_55 : memref<4x4096xf32, #tpu.memory_space<hbm>>) target(%arg11 : memref<4x4096xf32, #tpu.memory_space<vmem>>) target_semaphore(%arg16 : memref<!tpu.dma_semaphore, #tpu.memory_space<semaphore_mem>>)
      %dma_start3A_56 = arith.constant 0 : i32
      %dma_start3A_57 = tpu.memref_slice %arg5[%add3A_47, %dma_start3A_56] : memref<4096x4096xf32, #tpu.memory_space<hbm>> -> memref<4x4096xf32, #tpu.memory_space<hbm>>
      %dma_start3A_58 = arith.constant 0 : i32
      %dma_start3A_59 = tpu.memref_slice %arg5[%add3A_47, %dma_start3A_58] : memref<4096x4096xf32, #tpu.memory_space<hbm>> -> memref<4x4096xf32, #tpu.memory_space<hbm>>
      tpu.enqueue_dma source(%dma_start3A_59 : memref<4x4096xf32, #tpu.memory_space<hbm>>) target(%arg13 : memref<4x4096xf32, #tpu.memory_space<vmem>>) target_semaphore(%arg16 : memref<!tpu.dma_semaphore, #tpu.memory_space<semaphore_mem>>)
      %dma_wait3A_60 = arith.constant 0 : i32
      %dma_wait3A_61 = arith.constant 0 : i32
      %dma_wait3A_62 = tpu.memref_slice %arg2[%dma_wait3A_60, %dma_wait3A_61] : memref<4096x4096xf32, #tpu.memory_space<hbm>> -> memref<4x4096xf32, #tpu.memory_space<hbm>>
      %dma_wait3A_63 = arith.constant 0 : i32
      %dma_wait3A_64 = arith.constant 0 : i32
      %dma_wait3A_65 = tpu.memref_slice %arg2[%dma_wait3A_63, %dma_wait3A_64] : memref<4096x4096xf32, #tpu.memory_space<hbm>> -> memref<4x4096xf32, #tpu.memory_space<hbm>>
      tpu.wait_dma2 semaphore(%arg15 : memref<!tpu.dma_semaphore, #tpu.memory_space<semaphore_mem>>) src(%dma_wait3A_65 : memref<4x4096xf32, #tpu.memory_space<hbm>>) dst(%arg8 : memref<4x4096xf32, #tpu.memory_space<vmem>>)
      %dma_wait3A_66 = arith.constant 0 : i32
      %dma_wait3A_67 = arith.constant 0 : i32
      %dma_wait3A_68 = tpu.memref_slice %arg4[%dma_wait3A_66, %dma_wait3A_67] : memref<4096x4096xf32, #tpu.memory_space<hbm>> -> memref<4x4096xf32, #tpu.memory_space<hbm>>
      %dma_wait3A_69 = arith.constant 0 : i32
      %dma_wait3A_70 = arith.constant 0 : i32
      %dma_wait3A_71 = tpu.memref_slice %arg4[%dma_wait3A_69, %dma_wait3A_70] : memref<4096x4096xf32, #tpu.memory_space<hbm>> -> memref<4x4096xf32, #tpu.memory_space<hbm>>
      tpu.wait_dma2 semaphore(%arg15 : memref<!tpu.dma_semaphore, #tpu.memory_space<semaphore_mem>>) src(%dma_wait3A_71 : memref<4x4096xf32, #tpu.memory_space<hbm>>) dst(%arg10 : memref<4x4096xf32, #tpu.memory_space<vmem>>)
      %dma_wait3A_72 = arith.constant 0 : i32
      %dma_wait3A_73 = arith.constant 0 : i32
      %dma_wait3A_74 = tpu.memref_slice %arg5[%dma_wait3A_72, %dma_wait3A_73] : memref<4096x4096xf32, #tpu.memory_space<hbm>> -> memref<4x4096xf32, #tpu.memory_space<hbm>>
      %dma_wait3A_75 = arith.constant 0 : i32
      %dma_wait3A_76 = arith.constant 0 : i32
      %dma_wait3A_77 = tpu.memref_slice %arg5[%dma_wait3A_75, %dma_wait3A_76] : memref<4096x4096xf32, #tpu.memory_space<hbm>> -> memref<4x4096xf32, #tpu.memory_space<hbm>>
      tpu.wait_dma2 semaphore(%arg15 : memref<!tpu.dma_semaphore, #tpu.memory_space<semaphore_mem>>) src(%dma_wait3A_77 : memref<4x4096xf32, #tpu.memory_space<hbm>>) dst(%arg12 : memref<4x4096xf32, #tpu.memory_space<vmem>>)
      %add3A_78 = arith.constant 0 : i32
      %add3A_79 = arith.addi %add3A_45, %add3A_78 : i32
      %iota3A_80 = tpu.iota {dimensions = array<i32: 0>} : vector<16xi32>
      %broadcast_in_dim3A = vector.broadcast %add3A_79 : i32 to vector<16xi32>
      %gather3A = tpu.vector_load_idx %arg7[%broadcast_in_dim3A] : memref<4096xi32, #tpu.memory_space<vmem>>[vector<16xi32>], vector<16xi32>,
      %broadcast_in_dim3A_81 = arith.constant 0xFF800000 : f32
      %broadcast_in_dim3A_82 = vector.broadcast %broadcast_in_dim3A_81 : f32 to vector<16xf32>
      %parallel_loop3A = arith.constant 0 : i32
      %parallel_loop3A_83 = arith.constant 256 : i32
      %parallel_loop3A_84 = arith.constant 1 : i32
      %parallel_loop3A_85:5 = scf.for %parallel_loop3A_598 = %parallel_loop3A to %parallel_loop3A_83 step %parallel_loop3A_84 iter_args(%parallel_loop3A_599 = %broadcast_in_dim3A_82, %parallel_loop3A_600 = %iota3A_80, %parallel_loop3A_601 = %broadcast_in_dim3A_82, %parallel_loop3A_602 = %iota3A_80, %parallel_loop3A_603 = %iota3A_80) -> (vector<16xf32>, vector<16xi32>, vector<16xf32>, vector<16xi32>, vector<16xi32>)  : i32 {
        %parallel_loop3A_604 = arith.constant 16 : i32
        %parallel_loop3A_605 = arith.muli %parallel_loop3A_598, %parallel_loop3A_604 : i32
        %parallel_loop3A_606 = arith.constant 0 : i32
        %parallel_loop3A_607 = arith.index_cast %parallel_loop3A_606 : i32 to index
        %parallel_loop3A_608 = arith.index_cast %parallel_loop3A_605 : i32 to index
        %parallel_loop3A_609 = tpu.vector_load %arg8[%parallel_loop3A_607, %parallel_loop3A_608] {strides = array<i32>} : memref<4x4096xf32, #tpu.memory_space<vmem>>, vector<16xf32>,
        %parallel_loop3A_610 = arith.index_cast %parallel_loop3A_605 : i32 to index
        %parallel_loop3A_611 = tpu.vector_load %arg7[%parallel_loop3A_610] {strides = array<i32>} : memref<4096xi32, #tpu.memory_space<vmem>>, vector<16xi32>,
        %parallel_loop3A_612 = arith.cmpi eq, %parallel_loop3A_611, %gather3A : vector<16xi32>
        %parallel_loop3A_613 = arith.constant 0 : i32
        %parallel_loop3A_614 = arith.index_cast %parallel_loop3A_613 : i32 to index
        %parallel_loop3A_615 = arith.index_cast %parallel_loop3A_605 : i32 to index
        %parallel_loop3A_616 = tpu.vector_load %arg10[%parallel_loop3A_614, %parallel_loop3A_615] {strides = array<i32>} : memref<4x4096xf32, #tpu.memory_space<vmem>>, vector<16xf32>,
        %parallel_loop3A_617 = arith.addf %parallel_loop3A_609, %parallel_loop3A_616 : vector<16xf32>
        %parallel_loop3A_618 = arith.select %parallel_loop3A_612, %parallel_loop3A_617, %broadcast_in_dim3A_82 : vector<16xi1>, vector<16xf32>
        %parallel_loop3A_619 = arith.constant 0 : i32
        %parallel_loop3A_620 = arith.index_cast %parallel_loop3A_619 : i32 to index
        %parallel_loop3A_621 = arith.index_cast %parallel_loop3A_605 : i32 to index
        %parallel_loop3A_622 = tpu.vector_load %arg12[%parallel_loop3A_620, %parallel_loop3A_621] {strides = array<i32>} : memref<4x4096xf32, #tpu.memory_space<vmem>>, vector<16xf32>,
        %parallel_loop3A_623 = arith.subf %parallel_loop3A_622, %parallel_loop3A_609 : vector<16xf32>
        %parallel_loop3A_624 = arith.select %parallel_loop3A_612, %broadcast_in_dim3A_82, %parallel_loop3A_623 : vector<16xi1>, vector<16xf32>
        %parallel_loop3A_625 = arith.cmpf ogt, %parallel_loop3A_618, %parallel_loop3A_599 : vector<16xf32>
        %parallel_loop3A_626 = arith.select %parallel_loop3A_625, %parallel_loop3A_618, %parallel_loop3A_599 : vector<16xi1>, vector<16xf32>
        %parallel_loop3A_627 = arith.select %parallel_loop3A_625, %parallel_loop3A_603, %parallel_loop3A_600 : vector<16xi1>, vector<16xi32>
        %parallel_loop3A_628 = arith.cmpf ogt, %parallel_loop3A_624, %parallel_loop3A_601 : vector<16xf32>
        %parallel_loop3A_629 = arith.select %parallel_loop3A_628, %parallel_loop3A_624, %parallel_loop3A_601 : vector<16xi1>, vector<16xf32>
        %parallel_loop3A_630 = arith.select %parallel_loop3A_628, %parallel_loop3A_603, %parallel_loop3A_602 : vector<16xi1>, vector<16xi32>
        %parallel_loop3A_631 = arith.constant 16 : i32
        %parallel_loop3A_632 = vector.broadcast %parallel_loop3A_631 : i32 to vector<16xi32>
        %parallel_loop3A_633 = arith.addi %parallel_loop3A_603, %parallel_loop3A_632 : vector<16xi32>
        scf.yield %parallel_loop3A_626, %parallel_loop3A_627, %parallel_loop3A_629, %parallel_loop3A_630, %parallel_loop3A_633 : vector<16xf32>, vector<16xi32>, vector<16xf32>, vector<16xi32>, vector<16xi32>
      } {sc.loop_unroll_factor = 8 : i64, sc.parallel_access}
      %broadcast_in_dim3A_86 = arith.constant 0 : i32
      %broadcast_in_dim3A_87 = vector.broadcast %broadcast_in_dim3A_86 : i32 to vector<16xi32>
      %reduce_max3A = arith.constant true
      %reduce_max3A_88 = vector.broadcast %reduce_max3A : i1 to vector<16xi1>
      %reduce_max3A_89 = tpu.scan <max>, %parallel_loop3A_85#0 masked %reduce_max3A_88 : vector<16xf32>, vector<16xi1> -> vector<16xf32>
      %reduce_max3A_90 = vector.extract %reduce_max3A_89[15] : f32 from vector<16xf32>
      %eq3A_91 = vector.broadcast %reduce_max3A_90 : f32 to vector<16xf32>
      %eq3A_92 = arith.cmpf oeq, %parallel_loop3A_85#0, %eq3A_91 : vector<16xf32>
      %jit3A = arith.constant 1073741824 : i32
      %broadcast_in_dim3A_93 = vector.broadcast %jit3A : i32 to vector<16xi32>
      %select_n3A = arith.select %eq3A_92, %parallel_loop3A_85#1, %broadcast_in_dim3A_93 : vector<16xi1>, vector<16xi32>
      %reduce_min3A = arith.constant true
      %reduce_min3A_94 = vector.broadcast %reduce_min3A : i1 to vector<16xi1>
      %reduce_min3A_95 = arith.constant -2147483648 : i32
      %reduce_min3A_96 = vector.broadcast %reduce_min3A_95 : i32 to vector<16xi32>
      %reduce_min3A_97 = arith.xori %select_n3A, %reduce_min3A_96 : vector<16xi32>
      %reduce_min3A_98 = tpu.scan <min>, %reduce_min3A_97 masked %reduce_min3A_94 : vector<16xi32>, vector<16xi1> -> vector<16xi32>
      %reduce_min3A_99 = arith.xori %reduce_min3A_98, %reduce_min3A_96 : vector<16xi32>
      %reduce_min3A_100 = vector.extract %reduce_min3A_99[15] : i32 from vector<16xi32>
      %reduce_max3A_101 = arith.constant true
      %reduce_max3A_102 = vector.broadcast %reduce_max3A_101 : i1 to vector<16xi1>
      %reduce_max3A_103 = tpu.scan <max>, %parallel_loop3A_85#2 masked %reduce_max3A_102 : vector<16xf32>, vector<16xi1> -> vector<16xf32>
      %reduce_max3A_104 = vector.extract %reduce_max3A_103[15] : f32 from vector<16xf32>
      %eq3A_105 = vector.broadcast %reduce_max3A_104 : f32 to vector<16xf32>
      %eq3A_106 = arith.cmpf oeq, %parallel_loop3A_85#2, %eq3A_105 : vector<16xf32>
      %jit3A_107 = arith.constant 1073741824 : i32
      %broadcast_in_dim3A_108 = vector.broadcast %jit3A_107 : i32 to vector<16xi32>
      %select_n3A_109 = arith.select %eq3A_106, %parallel_loop3A_85#3, %broadcast_in_dim3A_108 : vector<16xi1>, vector<16xi32>
      %reduce_min3A_110 = arith.constant true
      %reduce_min3A_111 = vector.broadcast %reduce_min3A_110 : i1 to vector<16xi1>
      %reduce_min3A_112 = arith.constant -2147483648 : i32
      %reduce_min3A_113 = vector.broadcast %reduce_min3A_112 : i32 to vector<16xi32>
      %reduce_min3A_114 = arith.xori %select_n3A_109, %reduce_min3A_113 : vector<16xi32>
      %reduce_min3A_115 = tpu.scan <min>, %reduce_min3A_114 masked %reduce_min3A_111 : vector<16xi32>, vector<16xi1> -> vector<16xi32>
      %reduce_min3A_116 = arith.xori %reduce_min3A_115, %reduce_min3A_113 : vector<16xi32>
      %reduce_min3A_117 = vector.extract %reduce_min3A_116[15] : i32 from vector<16xi32>
      %broadcast_in_dim3A_118 = vector.broadcast %reduce_min3A_100 : i32 to vector<16xi32>
      %gather3A_119 = tpu.vector_load_idx %arg8[%broadcast_in_dim3A_87, %broadcast_in_dim3A_118] : memref<4x4096xf32, #tpu.memory_space<vmem>>[vector<16xi32>, vector<16xi32>], vector<16xf32>,
      %broadcast_in_dim3A_120 = vector.broadcast %reduce_min3A_117 : i32 to vector<16xi32>
      %gather3A_121 = tpu.vector_load_idx %arg8[%broadcast_in_dim3A_87, %broadcast_in_dim3A_120] : memref<4x4096xf32, #tpu.memory_space<vmem>>[vector<16xi32>, vector<16xi32>], vector<16xf32>,
      %sub3A = arith.subf %gather3A_119, %gather3A_121 : vector<16xf32>
      %add3A_122 = arith.constant 2.000000e-01 : f32
      %add3A_123 = vector.broadcast %add3A_122 : f32 to vector<16xf32>
      %add3A_124 = arith.addf %sub3A, %add3A_123 : vector<16xf32>
      %max3A = arith.constant 0.000000e+00 : f32
      %max3A_125 = vector.broadcast %max3A : f32 to vector<16xf32>
      %max3A_126 = arith.maximumf %add3A_124, %max3A_125 : vector<16xf32>
      %add3A_127 = arith.constant 0 : i32
      %add3A_128 = arith.addi %mul3A_44, %add3A_127 : i32
      %broadcast_in_dim3A_129 = vector.broadcast %add3A_128 : i32 to vector<16xi32>
      tpu.vector_store_idx %arg14[%broadcast_in_dim3A_129], %max3A_126 masked %eq3A_4 : memref<128xf32, #tpu.memory_space<vmem>>[vector<16xi32>], vector<16xf32>, vector<16xi1>
      %add3A_130 = arith.constant 1 : i32
      %add3A_131 = arith.addi %add3A_45, %add3A_130 : i32
      %iota3A_132 = tpu.iota {dimensions = array<i32: 0>} : vector<16xi32>
      %broadcast_in_dim3A_133 = vector.broadcast %add3A_131 : i32 to vector<16xi32>
      %gather3A_134 = tpu.vector_load_idx %arg7[%broadcast_in_dim3A_133] : memref<4096xi32, #tpu.memory_space<vmem>>[vector<16xi32>], vector<16xi32>,
      %broadcast_in_dim3A_135 = arith.constant 0xFF800000 : f32
      %broadcast_in_dim3A_136 = vector.broadcast %broadcast_in_dim3A_135 : f32 to vector<16xf32>
      %parallel_loop3A_137 = arith.constant 0 : i32
      %parallel_loop3A_138 = arith.constant 256 : i32
      %parallel_loop3A_139 = arith.constant 1 : i32
      %parallel_loop3A_140:5 = scf.for %parallel_loop3A_598 = %parallel_loop3A_137 to %parallel_loop3A_138 step %parallel_loop3A_139 iter_args(%parallel_loop3A_599 = %broadcast_in_dim3A_136, %parallel_loop3A_600 = %iota3A_132, %parallel_loop3A_601 = %broadcast_in_dim3A_136, %parallel_loop3A_602 = %iota3A_132, %parallel_loop3A_603 = %iota3A_132) -> (vector<16xf32>, vector<16xi32>, vector<16xf32>, vector<16xi32>, vector<16xi32>)  : i32 {
        %parallel_loop3A_604 = arith.constant 16 : i32
        %parallel_loop3A_605 = arith.muli %parallel_loop3A_598, %parallel_loop3A_604 : i32
        %parallel_loop3A_606 = arith.constant 1 : i32
        %parallel_loop3A_607 = arith.index_cast %parallel_loop3A_606 : i32 to index
        %parallel_loop3A_608 = arith.index_cast %parallel_loop3A_605 : i32 to index
        %parallel_loop3A_609 = tpu.vector_load %arg8[%parallel_loop3A_607, %parallel_loop3A_608] {strides = array<i32>} : memref<4x4096xf32, #tpu.memory_space<vmem>>, vector<16xf32>,
        %parallel_loop3A_610 = arith.index_cast %parallel_loop3A_605 : i32 to index
        %parallel_loop3A_611 = tpu.vector_load %arg7[%parallel_loop3A_610] {strides = array<i32>} : memref<4096xi32, #tpu.memory_space<vmem>>, vector<16xi32>,
        %parallel_loop3A_612 = arith.cmpi eq, %parallel_loop3A_611, %gather3A_134 : vector<16xi32>
        %parallel_loop3A_613 = arith.constant 1 : i32
        %parallel_loop3A_614 = arith.index_cast %parallel_loop3A_613 : i32 to index
        %parallel_loop3A_615 = arith.index_cast %parallel_loop3A_605 : i32 to index
        %parallel_loop3A_616 = tpu.vector_load %arg10[%parallel_loop3A_614, %parallel_loop3A_615] {strides = array<i32>} : memref<4x4096xf32, #tpu.memory_space<vmem>>, vector<16xf32>,
        %parallel_loop3A_617 = arith.addf %parallel_loop3A_609, %parallel_loop3A_616 : vector<16xf32>
        %parallel_loop3A_618 = arith.select %parallel_loop3A_612, %parallel_loop3A_617, %broadcast_in_dim3A_136 : vector<16xi1>, vector<16xf32>
        %parallel_loop3A_619 = arith.constant 1 : i32
        %parallel_loop3A_620 = arith.index_cast %parallel_loop3A_619 : i32 to index
        %parallel_loop3A_621 = arith.index_cast %parallel_loop3A_605 : i32 to index
        %parallel_loop3A_622 = tpu.vector_load %arg12[%parallel_loop3A_620, %parallel_loop3A_621] {strides = array<i32>} : memref<4x4096xf32, #tpu.memory_space<vmem>>, vector<16xf32>,
        %parallel_loop3A_623 = arith.subf %parallel_loop3A_622, %parallel_loop3A_609 : vector<16xf32>
        %parallel_loop3A_624 = arith.select %parallel_loop3A_612, %broadcast_in_dim3A_136, %parallel_loop3A_623 : vector<16xi1>, vector<16xf32>
        %parallel_loop3A_625 = arith.cmpf ogt, %parallel_loop3A_618, %parallel_loop3A_599 : vector<16xf32>
        %parallel_loop3A_626 = arith.select %parallel_loop3A_625, %parallel_loop3A_618, %parallel_loop3A_599 : vector<16xi1>, vector<16xf32>
        %parallel_loop3A_627 = arith.select %parallel_loop3A_625, %parallel_loop3A_603, %parallel_loop3A_600 : vector<16xi1>, vector<16xi32>
        %parallel_loop3A_628 = arith.cmpf ogt, %parallel_loop3A_624, %parallel_loop3A_601 : vector<16xf32>
        %parallel_loop3A_629 = arith.select %parallel_loop3A_628, %parallel_loop3A_624, %parallel_loop3A_601 : vector<16xi1>, vector<16xf32>
        %parallel_loop3A_630 = arith.select %parallel_loop3A_628, %parallel_loop3A_603, %parallel_loop3A_602 : vector<16xi1>, vector<16xi32>
        %parallel_loop3A_631 = arith.constant 16 : i32
        %parallel_loop3A_632 = vector.broadcast %parallel_loop3A_631 : i32 to vector<16xi32>
        %parallel_loop3A_633 = arith.addi %parallel_loop3A_603, %parallel_loop3A_632 : vector<16xi32>
        scf.yield %parallel_loop3A_626, %parallel_loop3A_627, %parallel_loop3A_629, %parallel_loop3A_630, %parallel_loop3A_633 : vector<16xf32>, vector<16xi32>, vector<16xf32>, vector<16xi32>, vector<16xi32>
      } {sc.loop_unroll_factor = 8 : i64, sc.parallel_access}
      %broadcast_in_dim3A_141 = arith.constant 1 : i32
      %broadcast_in_dim3A_142 = vector.broadcast %broadcast_in_dim3A_141 : i32 to vector<16xi32>
      %reduce_max3A_143 = arith.constant true
      %reduce_max3A_144 = vector.broadcast %reduce_max3A_143 : i1 to vector<16xi1>
      %reduce_max3A_145 = tpu.scan <max>, %parallel_loop3A_140#0 masked %reduce_max3A_144 : vector<16xf32>, vector<16xi1> -> vector<16xf32>
      %reduce_max3A_146 = vector.extract %reduce_max3A_145[15] : f32 from vector<16xf32>
      %eq3A_147 = vector.broadcast %reduce_max3A_146 : f32 to vector<16xf32>
      %eq3A_148 = arith.cmpf oeq, %parallel_loop3A_140#0, %eq3A_147 : vector<16xf32>
      %jit3A_149 = arith.constant 1073741824 : i32
      %broadcast_in_dim3A_150 = vector.broadcast %jit3A_149 : i32 to vector<16xi32>
      %select_n3A_151 = arith.select %eq3A_148, %parallel_loop3A_140#1, %broadcast_in_dim3A_150 : vector<16xi1>, vector<16xi32>
      %reduce_min3A_152 = arith.constant true
      %reduce_min3A_153 = vector.broadcast %reduce_min3A_152 : i1 to vector<16xi1>
      %reduce_min3A_154 = arith.constant -2147483648 : i32
      %reduce_min3A_155 = vector.broadcast %reduce_min3A_154 : i32 to vector<16xi32>
      %reduce_min3A_156 = arith.xori %select_n3A_151, %reduce_min3A_155 : vector<16xi32>
      %reduce_min3A_157 = tpu.scan <min>, %reduce_min3A_156 masked %reduce_min3A_153 : vector<16xi32>, vector<16xi1> -> vector<16xi32>
      %reduce_min3A_158 = arith.xori %reduce_min3A_157, %reduce_min3A_155 : vector<16xi32>
      %reduce_min3A_159 = vector.extract %reduce_min3A_158[15] : i32 from vector<16xi32>
      %reduce_max3A_160 = arith.constant true
      %reduce_max3A_161 = vector.broadcast %reduce_max3A_160 : i1 to vector<16xi1>
      %reduce_max3A_162 = tpu.scan <max>, %parallel_loop3A_140#2 masked %reduce_max3A_161 : vector<16xf32>, vector<16xi1> -> vector<16xf32>
      %reduce_max3A_163 = vector.extract %reduce_max3A_162[15] : f32 from vector<16xf32>
      %eq3A_164 = vector.broadcast %reduce_max3A_163 : f32 to vector<16xf32>
      %eq3A_165 = arith.cmpf oeq, %parallel_loop3A_140#2, %eq3A_164 : vector<16xf32>
      %jit3A_166 = arith.constant 1073741824 : i32
      %broadcast_in_dim3A_167 = vector.broadcast %jit3A_166 : i32 to vector<16xi32>
      %select_n3A_168 = arith.select %eq3A_165, %parallel_loop3A_140#3, %broadcast_in_dim3A_167 : vector<16xi1>, vector<16xi32>
      %reduce_min3A_169 = arith.constant true
      %reduce_min3A_170 = vector.broadcast %reduce_min3A_169 : i1 to vector<16xi1>
      %reduce_min3A_171 = arith.constant -2147483648 : i32
      %reduce_min3A_172 = vector.broadcast %reduce_min3A_171 : i32 to vector<16xi32>
      %reduce_min3A_173 = arith.xori %select_n3A_168, %reduce_min3A_172 : vector<16xi32>
      %reduce_min3A_174 = tpu.scan <min>, %reduce_min3A_173 masked %reduce_min3A_170 : vector<16xi32>, vector<16xi1> -> vector<16xi32>
      %reduce_min3A_175 = arith.xori %reduce_min3A_174, %reduce_min3A_172 : vector<16xi32>
      %reduce_min3A_176 = vector.extract %reduce_min3A_175[15] : i32 from vector<16xi32>
      %broadcast_in_dim3A_177 = vector.broadcast %reduce_min3A_159 : i32 to vector<16xi32>
      %gather3A_178 = tpu.vector_load_idx %arg8[%broadcast_in_dim3A_142, %broadcast_in_dim3A_177] : memref<4x4096xf32, #tpu.memory_space<vmem>>[vector<16xi32>, vector<16xi32>], vector<16xf32>,
      %broadcast_in_dim3A_179 = vector.broadcast %reduce_min3A_176 : i32 to vector<16xi32>
      %gather3A_180 = tpu.vector_load_idx %arg8[%broadcast_in_dim3A_142, %broadcast_in_dim3A_179] : memref<4x4096xf32, #tpu.memory_space<vmem>>[vector<16xi32>, vector<16xi32>], vector<16xf32>,
      %sub3A_181 = arith.subf %gather3A_178, %gather3A_180 : vector<16xf32>
      %add3A_182 = arith.constant 2.000000e-01 : f32
      %add3A_183 = vector.broadcast %add3A_182 : f32 to vector<16xf32>
      %add3A_184 = arith.addf %sub3A_181, %add3A_183 : vector<16xf32>
      %max3A_185 = arith.constant 0.000000e+00 : f32
      %max3A_186 = vector.broadcast %max3A_185 : f32 to vector<16xf32>
      %max3A_187 = arith.maximumf %add3A_184, %max3A_186 : vector<16xf32>
      %add3A_188 = arith.constant 1 : i32
      %add3A_189 = arith.addi %mul3A_44, %add3A_188 : i32
      %broadcast_in_dim3A_190 = vector.broadcast %add3A_189 : i32 to vector<16xi32>
      tpu.vector_store_idx %arg14[%broadcast_in_dim3A_190], %max3A_187 masked %eq3A_4 : memref<128xf32, #tpu.memory_space<vmem>>[vector<16xi32>], vector<16xf32>, vector<16xi1>
      %add3A_191 = arith.constant 2 : i32
      %add3A_192 = arith.addi %add3A_45, %add3A_191 : i32
      %iota3A_193 = tpu.iota {dimensions = array<i32: 0>} : vector<16xi32>
      %broadcast_in_dim3A_194 = vector.broadcast %add3A_192 : i32 to vector<16xi32>
      %gather3A_195 = tpu.vector_load_idx %arg7[%broadcast_in_dim3A_194] : memref<4096xi32, #tpu.memory_space<vmem>>[vector<16xi32>], vector<16xi32>,
      %broadcast_in_dim3A_196 = arith.constant 0xFF800000 : f32
      %broadcast_in_dim3A_197 = vector.broadcast %broadcast_in_dim3A_196 : f32 to vector<16xf32>
      %parallel_loop3A_198 = arith.constant 0 : i32
      %parallel_loop3A_199 = arith.constant 256 : i32
      %parallel_loop3A_200 = arith.constant 1 : i32
      %parallel_loop3A_201:5 = scf.for %parallel_loop3A_598 = %parallel_loop3A_198 to %parallel_loop3A_199 step %parallel_loop3A_200 iter_args(%parallel_loop3A_599 = %broadcast_in_dim3A_197, %parallel_loop3A_600 = %iota3A_193, %parallel_loop3A_601 = %broadcast_in_dim3A_197, %parallel_loop3A_602 = %iota3A_193, %parallel_loop3A_603 = %iota3A_193) -> (vector<16xf32>, vector<16xi32>, vector<16xf32>, vector<16xi32>, vector<16xi32>)  : i32 {
        %parallel_loop3A_604 = arith.constant 16 : i32
        %parallel_loop3A_605 = arith.muli %parallel_loop3A_598, %parallel_loop3A_604 : i32
        %parallel_loop3A_606 = arith.constant 2 : i32
        %parallel_loop3A_607 = arith.index_cast %parallel_loop3A_606 : i32 to index
        %parallel_loop3A_608 = arith.index_cast %parallel_loop3A_605 : i32 to index
        %parallel_loop3A_609 = tpu.vector_load %arg8[%parallel_loop3A_607, %parallel_loop3A_608] {strides = array<i32>} : memref<4x4096xf32, #tpu.memory_space<vmem>>, vector<16xf32>,
        %parallel_loop3A_610 = arith.index_cast %parallel_loop3A_605 : i32 to index
        %parallel_loop3A_611 = tpu.vector_load %arg7[%parallel_loop3A_610] {strides = array<i32>} : memref<4096xi32, #tpu.memory_space<vmem>>, vector<16xi32>,
        %parallel_loop3A_612 = arith.cmpi eq, %parallel_loop3A_611, %gather3A_195 : vector<16xi32>
        %parallel_loop3A_613 = arith.constant 2 : i32
        %parallel_loop3A_614 = arith.index_cast %parallel_loop3A_613 : i32 to index
        %parallel_loop3A_615 = arith.index_cast %parallel_loop3A_605 : i32 to index
        %parallel_loop3A_616 = tpu.vector_load %arg10[%parallel_loop3A_614, %parallel_loop3A_615] {strides = array<i32>} : memref<4x4096xf32, #tpu.memory_space<vmem>>, vector<16xf32>,
        %parallel_loop3A_617 = arith.addf %parallel_loop3A_609, %parallel_loop3A_616 : vector<16xf32>
        %parallel_loop3A_618 = arith.select %parallel_loop3A_612, %parallel_loop3A_617, %broadcast_in_dim3A_197 : vector<16xi1>, vector<16xf32>
        %parallel_loop3A_619 = arith.constant 2 : i32
        %parallel_loop3A_620 = arith.index_cast %parallel_loop3A_619 : i32 to index
        %parallel_loop3A_621 = arith.index_cast %parallel_loop3A_605 : i32 to index
        %parallel_loop3A_622 = tpu.vector_load %arg12[%parallel_loop3A_620, %parallel_loop3A_621] {strides = array<i32>} : memref<4x4096xf32, #tpu.memory_space<vmem>>, vector<16xf32>,
        %parallel_loop3A_623 = arith.subf %parallel_loop3A_622, %parallel_loop3A_609 : vector<16xf32>
        %parallel_loop3A_624 = arith.select %parallel_loop3A_612, %broadcast_in_dim3A_197, %parallel_loop3A_623 : vector<16xi1>, vector<16xf32>
        %parallel_loop3A_625 = arith.cmpf ogt, %parallel_loop3A_618, %parallel_loop3A_599 : vector<16xf32>
        %parallel_loop3A_626 = arith.select %parallel_loop3A_625, %parallel_loop3A_618, %parallel_loop3A_599 : vector<16xi1>, vector<16xf32>
        %parallel_loop3A_627 = arith.select %parallel_loop3A_625, %parallel_loop3A_603, %parallel_loop3A_600 : vector<16xi1>, vector<16xi32>
        %parallel_loop3A_628 = arith.cmpf ogt, %parallel_loop3A_624, %parallel_loop3A_601 : vector<16xf32>
        %parallel_loop3A_629 = arith.select %parallel_loop3A_628, %parallel_loop3A_624, %parallel_loop3A_601 : vector<16xi1>, vector<16xf32>
        %parallel_loop3A_630 = arith.select %parallel_loop3A_628, %parallel_loop3A_603, %parallel_loop3A_602 : vector<16xi1>, vector<16xi32>
        %parallel_loop3A_631 = arith.constant 16 : i32
        %parallel_loop3A_632 = vector.broadcast %parallel_loop3A_631 : i32 to vector<16xi32>
        %parallel_loop3A_633 = arith.addi %parallel_loop3A_603, %parallel_loop3A_632 : vector<16xi32>
        scf.yield %parallel_loop3A_626, %parallel_loop3A_627, %parallel_loop3A_629, %parallel_loop3A_630, %parallel_loop3A_633 : vector<16xf32>, vector<16xi32>, vector<16xf32>, vector<16xi32>, vector<16xi32>
      } {sc.loop_unroll_factor = 8 : i64, sc.parallel_access}
      %broadcast_in_dim3A_202 = arith.constant 2 : i32
      %broadcast_in_dim3A_203 = vector.broadcast %broadcast_in_dim3A_202 : i32 to vector<16xi32>
      %reduce_max3A_204 = arith.constant true
      %reduce_max3A_205 = vector.broadcast %reduce_max3A_204 : i1 to vector<16xi1>
      %reduce_max3A_206 = tpu.scan <max>, %parallel_loop3A_201#0 masked %reduce_max3A_205 : vector<16xf32>, vector<16xi1> -> vector<16xf32>
      %reduce_max3A_207 = vector.extract %reduce_max3A_206[15] : f32 from vector<16xf32>
      %eq3A_208 = vector.broadcast %reduce_max3A_207 : f32 to vector<16xf32>
      %eq3A_209 = arith.cmpf oeq, %parallel_loop3A_201#0, %eq3A_208 : vector<16xf32>
      %jit3A_210 = arith.constant 1073741824 : i32
      %broadcast_in_dim3A_211 = vector.broadcast %jit3A_210 : i32 to vector<16xi32>
      %select_n3A_212 = arith.select %eq3A_209, %parallel_loop3A_201#1, %broadcast_in_dim3A_211 : vector<16xi1>, vector<16xi32>
      %reduce_min3A_213 = arith.constant true
      %reduce_min3A_214 = vector.broadcast %reduce_min3A_213 : i1 to vector<16xi1>
      %reduce_min3A_215 = arith.constant -2147483648 : i32
      %reduce_min3A_216 = vector.broadcast %reduce_min3A_215 : i32 to vector<16xi32>
      %reduce_min3A_217 = arith.xori %select_n3A_212, %reduce_min3A_216 : vector<16xi32>
      %reduce_min3A_218 = tpu.scan <min>, %reduce_min3A_217 masked %reduce_min3A_214 : vector<16xi32>, vector<16xi1> -> vector<16xi32>
      %reduce_min3A_219 = arith.xori %reduce_min3A_218, %reduce_min3A_216 : vector<16xi32>
      %reduce_min3A_220 = vector.extract %reduce_min3A_219[15] : i32 from vector<16xi32>
      %reduce_max3A_221 = arith.constant true
      %reduce_max3A_222 = vector.broadcast %reduce_max3A_221 : i1 to vector<16xi1>
      %reduce_max3A_223 = tpu.scan <max>, %parallel_loop3A_201#2 masked %reduce_max3A_222 : vector<16xf32>, vector<16xi1> -> vector<16xf32>
      %reduce_max3A_224 = vector.extract %reduce_max3A_223[15] : f32 from vector<16xf32>
      %eq3A_225 = vector.broadcast %reduce_max3A_224 : f32 to vector<16xf32>
      %eq3A_226 = arith.cmpf oeq, %parallel_loop3A_201#2, %eq3A_225 : vector<16xf32>
      %jit3A_227 = arith.constant 1073741824 : i32
      %broadcast_in_dim3A_228 = vector.broadcast %jit3A_227 : i32 to vector<16xi32>
      %select_n3A_229 = arith.select %eq3A_226, %parallel_loop3A_201#3, %broadcast_in_dim3A_228 : vector<16xi1>, vector<16xi32>
      %reduce_min3A_230 = arith.constant true
      %reduce_min3A_231 = vector.broadcast %reduce_min3A_230 : i1 to vector<16xi1>
      %reduce_min3A_232 = arith.constant -2147483648 : i32
      %reduce_min3A_233 = vector.broadcast %reduce_min3A_232 : i32 to vector<16xi32>
      %reduce_min3A_234 = arith.xori %select_n3A_229, %reduce_min3A_233 : vector<16xi32>
      %reduce_min3A_235 = tpu.scan <min>, %reduce_min3A_234 masked %reduce_min3A_231 : vector<16xi32>, vector<16xi1> -> vector<16xi32>
      %reduce_min3A_236 = arith.xori %reduce_min3A_235, %reduce_min3A_233 : vector<16xi32>
      %reduce_min3A_237 = vector.extract %reduce_min3A_236[15] : i32 from vector<16xi32>
      %broadcast_in_dim3A_238 = vector.broadcast %reduce_min3A_220 : i32 to vector<16xi32>
      %gather3A_239 = tpu.vector_load_idx %arg8[%broadcast_in_dim3A_203, %broadcast_in_dim3A_238] : memref<4x4096xf32, #tpu.memory_space<vmem>>[vector<16xi32>, vector<16xi32>], vector<16xf32>,
      %broadcast_in_dim3A_240 = vector.broadcast %reduce_min3A_237 : i32 to vector<16xi32>
      %gather3A_241 = tpu.vector_load_idx %arg8[%broadcast_in_dim3A_203, %broadcast_in_dim3A_240] : memref<4x4096xf32, #tpu.memory_space<vmem>>[vector<16xi32>, vector<16xi32>], vector<16xf32>,
      %sub3A_242 = arith.subf %gather3A_239, %gather3A_241 : vector<16xf32>
      %add3A_243 = arith.constant 2.000000e-01 : f32
      %add3A_244 = vector.broadcast %add3A_243 : f32 to vector<16xf32>
      %add3A_245 = arith.addf %sub3A_242, %add3A_244 : vector<16xf32>
      %max3A_246 = arith.constant 0.000000e+00 : f32
      %max3A_247 = vector.broadcast %max3A_246 : f32 to vector<16xf32>
      %max3A_248 = arith.maximumf %add3A_245, %max3A_247 : vector<16xf32>
      %add3A_249 = arith.constant 2 : i32
      %add3A_250 = arith.addi %mul3A_44, %add3A_249 : i32
      %broadcast_in_dim3A_251 = vector.broadcast %add3A_250 : i32 to vector<16xi32>
      tpu.vector_store_idx %arg14[%broadcast_in_dim3A_251], %max3A_248 masked %eq3A_4 : memref<128xf32, #tpu.memory_space<vmem>>[vector<16xi32>], vector<16xf32>, vector<16xi1>
      %add3A_252 = arith.constant 3 : i32
      %add3A_253 = arith.addi %add3A_45, %add3A_252 : i32
      %iota3A_254 = tpu.iota {dimensions = array<i32: 0>} : vector<16xi32>
      %broadcast_in_dim3A_255 = vector.broadcast %add3A_253 : i32 to vector<16xi32>
      %gather3A_256 = tpu.vector_load_idx %arg7[%broadcast_in_dim3A_255] : memref<4096xi32, #tpu.memory_space<vmem>>[vector<16xi32>], vector<16xi32>,
      %broadcast_in_dim3A_257 = arith.constant 0xFF800000 : f32
      %broadcast_in_dim3A_258 = vector.broadcast %broadcast_in_dim3A_257 : f32 to vector<16xf32>
      %parallel_loop3A_259 = arith.constant 0 : i32
      %parallel_loop3A_260 = arith.constant 256 : i32
      %parallel_loop3A_261 = arith.constant 1 : i32
      %parallel_loop3A_262:5 = scf.for %parallel_loop3A_598 = %parallel_loop3A_259 to %parallel_loop3A_260 step %parallel_loop3A_261 iter_args(%parallel_loop3A_599 = %broadcast_in_dim3A_258, %parallel_loop3A_600 = %iota3A_254, %parallel_loop3A_601 = %broadcast_in_dim3A_258, %parallel_loop3A_602 = %iota3A_254, %parallel_loop3A_603 = %iota3A_254) -> (vector<16xf32>, vector<16xi32>, vector<16xf32>, vector<16xi32>, vector<16xi32>)  : i32 {
        %parallel_loop3A_604 = arith.constant 16 : i32
        %parallel_loop3A_605 = arith.muli %parallel_loop3A_598, %parallel_loop3A_604 : i32
        %parallel_loop3A_606 = arith.constant 3 : i32
        %parallel_loop3A_607 = arith.index_cast %parallel_loop3A_606 : i32 to index
        %parallel_loop3A_608 = arith.index_cast %parallel_loop3A_605 : i32 to index
        %parallel_loop3A_609 = tpu.vector_load %arg8[%parallel_loop3A_607, %parallel_loop3A_608] {strides = array<i32>} : memref<4x4096xf32, #tpu.memory_space<vmem>>, vector<16xf32>,
        %parallel_loop3A_610 = arith.index_cast %parallel_loop3A_605 : i32 to index
        %parallel_loop3A_611 = tpu.vector_load %arg7[%parallel_loop3A_610] {strides = array<i32>} : memref<4096xi32, #tpu.memory_space<vmem>>, vector<16xi32>,
        %parallel_loop3A_612 = arith.cmpi eq, %parallel_loop3A_611, %gather3A_256 : vector<16xi32>
        %parallel_loop3A_613 = arith.constant 3 : i32
        %parallel_loop3A_614 = arith.index_cast %parallel_loop3A_613 : i32 to index
        %parallel_loop3A_615 = arith.index_cast %parallel_loop3A_605 : i32 to index
        %parallel_loop3A_616 = tpu.vector_load %arg10[%parallel_loop3A_614, %parallel_loop3A_615] {strides = array<i32>} : memref<4x4096xf32, #tpu.memory_space<vmem>>, vector<16xf32>,
        %parallel_loop3A_617 = arith.addf %parallel_loop3A_609, %parallel_loop3A_616 : vector<16xf32>
        %parallel_loop3A_618 = arith.select %parallel_loop3A_612, %parallel_loop3A_617, %broadcast_in_dim3A_258 : vector<16xi1>, vector<16xf32>
        %parallel_loop3A_619 = arith.constant 3 : i32
        %parallel_loop3A_620 = arith.index_cast %parallel_loop3A_619 : i32 to index
        %parallel_loop3A_621 = arith.index_cast %parallel_loop3A_605 : i32 to index
        %parallel_loop3A_622 = tpu.vector_load %arg12[%parallel_loop3A_620, %parallel_loop3A_621] {strides = array<i32>} : memref<4x4096xf32, #tpu.memory_space<vmem>>, vector<16xf32>,
        %parallel_loop3A_623 = arith.subf %parallel_loop3A_622, %parallel_loop3A_609 : vector<16xf32>
        %parallel_loop3A_624 = arith.select %parallel_loop3A_612, %broadcast_in_dim3A_258, %parallel_loop3A_623 : vector<16xi1>, vector<16xf32>
        %parallel_loop3A_625 = arith.cmpf ogt, %parallel_loop3A_618, %parallel_loop3A_599 : vector<16xf32>
        %parallel_loop3A_626 = arith.select %parallel_loop3A_625, %parallel_loop3A_618, %parallel_loop3A_599 : vector<16xi1>, vector<16xf32>
        %parallel_loop3A_627 = arith.select %parallel_loop3A_625, %parallel_loop3A_603, %parallel_loop3A_600 : vector<16xi1>, vector<16xi32>
        %parallel_loop3A_628 = arith.cmpf ogt, %parallel_loop3A_624, %parallel_loop3A_601 : vector<16xf32>
        %parallel_loop3A_629 = arith.select %parallel_loop3A_628, %parallel_loop3A_624, %parallel_loop3A_601 : vector<16xi1>, vector<16xf32>
        %parallel_loop3A_630 = arith.select %parallel_loop3A_628, %parallel_loop3A_603, %parallel_loop3A_602 : vector<16xi1>, vector<16xi32>
        %parallel_loop3A_631 = arith.constant 16 : i32
        %parallel_loop3A_632 = vector.broadcast %parallel_loop3A_631 : i32 to vector<16xi32>
        %parallel_loop3A_633 = arith.addi %parallel_loop3A_603, %parallel_loop3A_632 : vector<16xi32>
        scf.yield %parallel_loop3A_626, %parallel_loop3A_627, %parallel_loop3A_629, %parallel_loop3A_630, %parallel_loop3A_633 : vector<16xf32>, vector<16xi32>, vector<16xf32>, vector<16xi32>, vector<16xi32>
      } {sc.loop_unroll_factor = 8 : i64, sc.parallel_access}
      %broadcast_in_dim3A_263 = arith.constant 3 : i32
      %broadcast_in_dim3A_264 = vector.broadcast %broadcast_in_dim3A_263 : i32 to vector<16xi32>
      %reduce_max3A_265 = arith.constant true
      %reduce_max3A_266 = vector.broadcast %reduce_max3A_265 : i1 to vector<16xi1>
      %reduce_max3A_267 = tpu.scan <max>, %parallel_loop3A_262#0 masked %reduce_max3A_266 : vector<16xf32>, vector<16xi1> -> vector<16xf32>
      %reduce_max3A_268 = vector.extract %reduce_max3A_267[15] : f32 from vector<16xf32>
      %eq3A_269 = vector.broadcast %reduce_max3A_268 : f32 to vector<16xf32>
      %eq3A_270 = arith.cmpf oeq, %parallel_loop3A_262#0, %eq3A_269 : vector<16xf32>
      %jit3A_271 = arith.constant 1073741824 : i32
      %broadcast_in_dim3A_272 = vector.broadcast %jit3A_271 : i32 to vector<16xi32>
      %select_n3A_273 = arith.select %eq3A_270, %parallel_loop3A_262#1, %broadcast_in_dim3A_272 : vector<16xi1>, vector<16xi32>
      %reduce_min3A_274 = arith.constant true
      %reduce_min3A_275 = vector.broadcast %reduce_min3A_274 : i1 to vector<16xi1>
      %reduce_min3A_276 = arith.constant -2147483648 : i32
      %reduce_min3A_277 = vector.broadcast %reduce_min3A_276 : i32 to vector<16xi32>
      %reduce_min3A_278 = arith.xori %select_n3A_273, %reduce_min3A_277 : vector<16xi32>
      %reduce_min3A_279 = tpu.scan <min>, %reduce_min3A_278 masked %reduce_min3A_275 : vector<16xi32>, vector<16xi1> -> vector<16xi32>
      %reduce_min3A_280 = arith.xori %reduce_min3A_279, %reduce_min3A_277 : vector<16xi32>
      %reduce_min3A_281 = vector.extract %reduce_min3A_280[15] : i32 from vector<16xi32>
      %reduce_max3A_282 = arith.constant true
      %reduce_max3A_283 = vector.broadcast %reduce_max3A_282 : i1 to vector<16xi1>
      %reduce_max3A_284 = tpu.scan <max>, %parallel_loop3A_262#2 masked %reduce_max3A_283 : vector<16xf32>, vector<16xi1> -> vector<16xf32>
      %reduce_max3A_285 = vector.extract %reduce_max3A_284[15] : f32 from vector<16xf32>
      %eq3A_286 = vector.broadcast %reduce_max3A_285 : f32 to vector<16xf32>
      %eq3A_287 = arith.cmpf oeq, %parallel_loop3A_262#2, %eq3A_286 : vector<16xf32>
      %jit3A_288 = arith.constant 1073741824 : i32
      %broadcast_in_dim3A_289 = vector.broadcast %jit3A_288 : i32 to vector<16xi32>
      %select_n3A_290 = arith.select %eq3A_287, %parallel_loop3A_262#3, %broadcast_in_dim3A_289 : vector<16xi1>, vector<16xi32>
      %reduce_min3A_291 = arith.constant true
      %reduce_min3A_292 = vector.broadcast %reduce_min3A_291 : i1 to vector<16xi1>
      %reduce_min3A_293 = arith.constant -2147483648 : i32
      %reduce_min3A_294 = vector.broadcast %reduce_min3A_293 : i32 to vector<16xi32>
      %reduce_min3A_295 = arith.xori %select_n3A_290, %reduce_min3A_294 : vector<16xi32>
      %reduce_min3A_296 = tpu.scan <min>, %reduce_min3A_295 masked %reduce_min3A_292 : vector<16xi32>, vector<16xi1> -> vector<16xi32>
      %reduce_min3A_297 = arith.xori %reduce_min3A_296, %reduce_min3A_294 : vector<16xi32>
      %reduce_min3A_298 = vector.extract %reduce_min3A_297[15] : i32 from vector<16xi32>
      %broadcast_in_dim3A_299 = vector.broadcast %reduce_min3A_281 : i32 to vector<16xi32>
      %gather3A_300 = tpu.vector_load_idx %arg8[%broadcast_in_dim3A_264, %broadcast_in_dim3A_299] : memref<4x4096xf32, #tpu.memory_space<vmem>>[vector<16xi32>, vector<16xi32>], vector<16xf32>,
      %broadcast_in_dim3A_301 = vector.broadcast %reduce_min3A_298 : i32 to vector<16xi32>
      %gather3A_302 = tpu.vector_load_idx %arg8[%broadcast_in_dim3A_264, %broadcast_in_dim3A_301] : memref<4x4096xf32, #tpu.memory_space<vmem>>[vector<16xi32>, vector<16xi32>], vector<16xf32>,
      %sub3A_303 = arith.subf %gather3A_300, %gather3A_302 : vector<16xf32>
      %add3A_304 = arith.constant 2.000000e-01 : f32
      %add3A_305 = vector.broadcast %add3A_304 : f32 to vector<16xf32>
      %add3A_306 = arith.addf %sub3A_303, %add3A_305 : vector<16xf32>
      %max3A_307 = arith.constant 0.000000e+00 : f32
      %max3A_308 = vector.broadcast %max3A_307 : f32 to vector<16xf32>
      %max3A_309 = arith.maximumf %add3A_306, %max3A_308 : vector<16xf32>
      %add3A_310 = arith.constant 3 : i32
      %add3A_311 = arith.addi %mul3A_44, %add3A_310 : i32
      %broadcast_in_dim3A_312 = vector.broadcast %add3A_311 : i32 to vector<16xi32>
      tpu.vector_store_idx %arg14[%broadcast_in_dim3A_312], %max3A_309 masked %eq3A_4 : memref<128xf32, #tpu.memory_space<vmem>>[vector<16xi32>], vector<16xf32>, vector<16xi1>
      %add3A_313 = arith.constant 8 : i32
      %add3A_314 = arith.addi %add3A_45, %add3A_313 : i32
      %add3A_315 = arith.constant 128 : i32
      %add3A_316 = arith.addi %mul3A_2, %add3A_315 : i32
      %sub3A_317 = arith.constant 4 : i32
      %sub3A_318 = arith.subi %add3A_316, %sub3A_317 : i32
      %min3A = arith.minsi %add3A_314, %sub3A_318 : i32
      %dma_start3A_319 = arith.constant 0 : i32
      %dma_start3A_320 = tpu.memref_slice %arg2[%min3A, %dma_start3A_319] : memref<4096x4096xf32, #tpu.memory_space<hbm>> -> memref<4x4096xf32, #tpu.memory_space<hbm>>
      %dma_start3A_321 = arith.constant 0 : i32
      %dma_start3A_322 = tpu.memref_slice %arg2[%min3A, %dma_start3A_321] : memref<4096x4096xf32, #tpu.memory_space<hbm>> -> memref<4x4096xf32, #tpu.memory_space<hbm>>
      tpu.enqueue_dma source(%dma_start3A_322 : memref<4x4096xf32, #tpu.memory_space<hbm>>) target(%arg8 : memref<4x4096xf32, #tpu.memory_space<vmem>>) target_semaphore(%arg15 : memref<!tpu.dma_semaphore, #tpu.memory_space<semaphore_mem>>)
      %dma_start3A_323 = arith.constant 0 : i32
      %dma_start3A_324 = tpu.memref_slice %arg4[%min3A, %dma_start3A_323] : memref<4096x4096xf32, #tpu.memory_space<hbm>> -> memref<4x4096xf32, #tpu.memory_space<hbm>>
      %dma_start3A_325 = arith.constant 0 : i32
      %dma_start3A_326 = tpu.memref_slice %arg4[%min3A, %dma_start3A_325] : memref<4096x4096xf32, #tpu.memory_space<hbm>> -> memref<4x4096xf32, #tpu.memory_space<hbm>>
      tpu.enqueue_dma source(%dma_start3A_326 : memref<4x4096xf32, #tpu.memory_space<hbm>>) target(%arg10 : memref<4x4096xf32, #tpu.memory_space<vmem>>) target_semaphore(%arg15 : memref<!tpu.dma_semaphore, #tpu.memory_space<semaphore_mem>>)
      %dma_start3A_327 = arith.constant 0 : i32
      %dma_start3A_328 = tpu.memref_slice %arg5[%min3A, %dma_start3A_327] : memref<4096x4096xf32, #tpu.memory_space<hbm>> -> memref<4x4096xf32, #tpu.memory_space<hbm>>
      %dma_start3A_329 = arith.constant 0 : i32
      %dma_start3A_330 = tpu.memref_slice %arg5[%min3A, %dma_start3A_329] : memref<4096x4096xf32, #tpu.memory_space<hbm>> -> memref<4x4096xf32, #tpu.memory_space<hbm>>
      tpu.enqueue_dma source(%dma_start3A_330 : memref<4x4096xf32, #tpu.memory_space<hbm>>) target(%arg12 : memref<4x4096xf32, #tpu.memory_space<vmem>>) target_semaphore(%arg15 : memref<!tpu.dma_semaphore, #tpu.memory_space<semaphore_mem>>)
      %dma_wait3A_331 = arith.constant 0 : i32
      %dma_wait3A_332 = arith.constant 0 : i32
      %dma_wait3A_333 = tpu.memref_slice %arg2[%dma_wait3A_331, %dma_wait3A_332] : memref<4096x4096xf32, #tpu.memory_space<hbm>> -> memref<4x4096xf32, #tpu.memory_space<hbm>>
      %dma_wait3A_334 = arith.constant 0 : i32
      %dma_wait3A_335 = arith.constant 0 : i32
      %dma_wait3A_336 = tpu.memref_slice %arg2[%dma_wait3A_334, %dma_wait3A_335] : memref<4096x4096xf32, #tpu.memory_space<hbm>> -> memref<4x4096xf32, #tpu.memory_space<hbm>>
      tpu.wait_dma2 semaphore(%arg16 : memref<!tpu.dma_semaphore, #tpu.memory_space<semaphore_mem>>) src(%dma_wait3A_336 : memref<4x4096xf32, #tpu.memory_space<hbm>>) dst(%arg9 : memref<4x4096xf32, #tpu.memory_space<vmem>>)
      %dma_wait3A_337 = arith.constant 0 : i32
      %dma_wait3A_338 = arith.constant 0 : i32
      %dma_wait3A_339 = tpu.memref_slice %arg4[%dma_wait3A_337, %dma_wait3A_338] : memref<4096x4096xf32, #tpu.memory_space<hbm>> -> memref<4x4096xf32, #tpu.memory_space<hbm>>
      %dma_wait3A_340 = arith.constant 0 : i32
      %dma_wait3A_341 = arith.constant 0 : i32
      %dma_wait3A_342 = tpu.memref_slice %arg4[%dma_wait3A_340, %dma_wait3A_341] : memref<4096x4096xf32, #tpu.memory_space<hbm>> -> memref<4x4096xf32, #tpu.memory_space<hbm>>
      tpu.wait_dma2 semaphore(%arg16 : memref<!tpu.dma_semaphore, #tpu.memory_space<semaphore_mem>>) src(%dma_wait3A_342 : memref<4x4096xf32, #tpu.memory_space<hbm>>) dst(%arg11 : memref<4x4096xf32, #tpu.memory_space<vmem>>)
      %dma_wait3A_343 = arith.constant 0 : i32
      %dma_wait3A_344 = arith.constant 0 : i32
      %dma_wait3A_345 = tpu.memref_slice %arg5[%dma_wait3A_343, %dma_wait3A_344] : memref<4096x4096xf32, #tpu.memory_space<hbm>> -> memref<4x4096xf32, #tpu.memory_space<hbm>>
      %dma_wait3A_346 = arith.constant 0 : i32
      %dma_wait3A_347 = arith.constant 0 : i32
      %dma_wait3A_348 = tpu.memref_slice %arg5[%dma_wait3A_346, %dma_wait3A_347] : memref<4096x4096xf32, #tpu.memory_space<hbm>> -> memref<4x4096xf32, #tpu.memory_space<hbm>>
      tpu.wait_dma2 semaphore(%arg16 : memref<!tpu.dma_semaphore, #tpu.memory_space<semaphore_mem>>) src(%dma_wait3A_348 : memref<4x4096xf32, #tpu.memory_space<hbm>>) dst(%arg13 : memref<4x4096xf32, #tpu.memory_space<vmem>>)
      %add3A_349 = arith.constant 4 : i32
      %add3A_350 = arith.addi %add3A_45, %add3A_349 : i32
      %add3A_351 = arith.constant 4 : i32
      %add3A_352 = arith.addi %mul3A_44, %add3A_351 : i32
      %add3A_353 = arith.constant 0 : i32
      %add3A_354 = arith.addi %add3A_350, %add3A_353 : i32
      %iota3A_355 = tpu.iota {dimensions = array<i32: 0>} : vector<16xi32>
      %broadcast_in_dim3A_356 = vector.broadcast %add3A_354 : i32 to vector<16xi32>
      %gather3A_357 = tpu.vector_load_idx %arg7[%broadcast_in_dim3A_356] : memref<4096xi32, #tpu.memory_space<vmem>>[vector<16xi32>], vector<16xi32>,
      %broadcast_in_dim3A_358 = arith.constant 0xFF800000 : f32
      %broadcast_in_dim3A_359 = vector.broadcast %broadcast_in_dim3A_358 : f32 to vector<16xf32>
      %parallel_loop3A_360 = arith.constant 0 : i32
      %parallel_loop3A_361 = arith.constant 256 : i32
      %parallel_loop3A_362 = arith.constant 1 : i32
      %parallel_loop3A_363:5 = scf.for %parallel_loop3A_598 = %parallel_loop3A_360 to %parallel_loop3A_361 step %parallel_loop3A_362 iter_args(%parallel_loop3A_599 = %broadcast_in_dim3A_359, %parallel_loop3A_600 = %iota3A_355, %parallel_loop3A_601 = %broadcast_in_dim3A_359, %parallel_loop3A_602 = %iota3A_355, %parallel_loop3A_603 = %iota3A_355) -> (vector<16xf32>, vector<16xi32>, vector<16xf32>, vector<16xi32>, vector<16xi32>)  : i32 {
        %parallel_loop3A_604 = arith.constant 16 : i32
        %parallel_loop3A_605 = arith.muli %parallel_loop3A_598, %parallel_loop3A_604 : i32
        %parallel_loop3A_606 = arith.constant 0 : i32
        %parallel_loop3A_607 = arith.index_cast %parallel_loop3A_606 : i32 to index
        %parallel_loop3A_608 = arith.index_cast %parallel_loop3A_605 : i32 to index
        %parallel_loop3A_609 = tpu.vector_load %arg9[%parallel_loop3A_607, %parallel_loop3A_608] {strides = array<i32>} : memref<4x4096xf32, #tpu.memory_space<vmem>>, vector<16xf32>,
        %parallel_loop3A_610 = arith.index_cast %parallel_loop3A_605 : i32 to index
        %parallel_loop3A_611 = tpu.vector_load %arg7[%parallel_loop3A_610] {strides = array<i32>} : memref<4096xi32, #tpu.memory_space<vmem>>, vector<16xi32>,
        %parallel_loop3A_612 = arith.cmpi eq, %parallel_loop3A_611, %gather3A_357 : vector<16xi32>
        %parallel_loop3A_613 = arith.constant 0 : i32
        %parallel_loop3A_614 = arith.index_cast %parallel_loop3A_613 : i32 to index
        %parallel_loop3A_615 = arith.index_cast %parallel_loop3A_605 : i32 to index
        %parallel_loop3A_616 = tpu.vector_load %arg11[%parallel_loop3A_614, %parallel_loop3A_615] {strides = array<i32>} : memref<4x4096xf32, #tpu.memory_space<vmem>>, vector<16xf32>,
        %parallel_loop3A_617 = arith.addf %parallel_loop3A_609, %parallel_loop3A_616 : vector<16xf32>
        %parallel_loop3A_618 = arith.select %parallel_loop3A_612, %parallel_loop3A_617, %broadcast_in_dim3A_359 : vector<16xi1>, vector<16xf32>
        %parallel_loop3A_619 = arith.constant 0 : i32
        %parallel_loop3A_620 = arith.index_cast %parallel_loop3A_619 : i32 to index
        %parallel_loop3A_621 = arith.index_cast %parallel_loop3A_605 : i32 to index
        %parallel_loop3A_622 = tpu.vector_load %arg13[%parallel_loop3A_620, %parallel_loop3A_621] {strides = array<i32>} : memref<4x4096xf32, #tpu.memory_space<vmem>>, vector<16xf32>,
        %parallel_loop3A_623 = arith.subf %parallel_loop3A_622, %parallel_loop3A_609 : vector<16xf32>
        %parallel_loop3A_624 = arith.select %parallel_loop3A_612, %broadcast_in_dim3A_359, %parallel_loop3A_623 : vector<16xi1>, vector<16xf32>
        %parallel_loop3A_625 = arith.cmpf ogt, %parallel_loop3A_618, %parallel_loop3A_599 : vector<16xf32>
        %parallel_loop3A_626 = arith.select %parallel_loop3A_625, %parallel_loop3A_618, %parallel_loop3A_599 : vector<16xi1>, vector<16xf32>
        %parallel_loop3A_627 = arith.select %parallel_loop3A_625, %parallel_loop3A_603, %parallel_loop3A_600 : vector<16xi1>, vector<16xi32>
        %parallel_loop3A_628 = arith.cmpf ogt, %parallel_loop3A_624, %parallel_loop3A_601 : vector<16xf32>
        %parallel_loop3A_629 = arith.select %parallel_loop3A_628, %parallel_loop3A_624, %parallel_loop3A_601 : vector<16xi1>, vector<16xf32>
        %parallel_loop3A_630 = arith.select %parallel_loop3A_628, %parallel_loop3A_603, %parallel_loop3A_602 : vector<16xi1>, vector<16xi32>
        %parallel_loop3A_631 = arith.constant 16 : i32
        %parallel_loop3A_632 = vector.broadcast %parallel_loop3A_631 : i32 to vector<16xi32>
        %parallel_loop3A_633 = arith.addi %parallel_loop3A_603, %parallel_loop3A_632 : vector<16xi32>
        scf.yield %parallel_loop3A_626, %parallel_loop3A_627, %parallel_loop3A_629, %parallel_loop3A_630, %parallel_loop3A_633 : vector<16xf32>, vector<16xi32>, vector<16xf32>, vector<16xi32>, vector<16xi32>
      } {sc.loop_unroll_factor = 8 : i64, sc.parallel_access}
      %broadcast_in_dim3A_364 = arith.constant 0 : i32
      %broadcast_in_dim3A_365 = vector.broadcast %broadcast_in_dim3A_364 : i32 to vector<16xi32>
      %reduce_max3A_366 = arith.constant true
      %reduce_max3A_367 = vector.broadcast %reduce_max3A_366 : i1 to vector<16xi1>
      %reduce_max3A_368 = tpu.scan <max>, %parallel_loop3A_363#0 masked %reduce_max3A_367 : vector<16xf32>, vector<16xi1> -> vector<16xf32>
      %reduce_max3A_369 = vector.extract %reduce_max3A_368[15] : f32 from vector<16xf32>
      %eq3A_370 = vector.broadcast %reduce_max3A_369 : f32 to vector<16xf32>
      %eq3A_371 = arith.cmpf oeq, %parallel_loop3A_363#0, %eq3A_370 : vector<16xf32>
      %jit3A_372 = arith.constant 1073741824 : i32
      %broadcast_in_dim3A_373 = vector.broadcast %jit3A_372 : i32 to vector<16xi32>
      %select_n3A_374 = arith.select %eq3A_371, %parallel_loop3A_363#1, %broadcast_in_dim3A_373 : vector<16xi1>, vector<16xi32>
      %reduce_min3A_375 = arith.constant true
      %reduce_min3A_376 = vector.broadcast %reduce_min3A_375 : i1 to vector<16xi1>
      %reduce_min3A_377 = arith.constant -2147483648 : i32
      %reduce_min3A_378 = vector.broadcast %reduce_min3A_377 : i32 to vector<16xi32>
      %reduce_min3A_379 = arith.xori %select_n3A_374, %reduce_min3A_378 : vector<16xi32>
      %reduce_min3A_380 = tpu.scan <min>, %reduce_min3A_379 masked %reduce_min3A_376 : vector<16xi32>, vector<16xi1> -> vector<16xi32>
      %reduce_min3A_381 = arith.xori %reduce_min3A_380, %reduce_min3A_378 : vector<16xi32>
      %reduce_min3A_382 = vector.extract %reduce_min3A_381[15] : i32 from vector<16xi32>
      %reduce_max3A_383 = arith.constant true
      %reduce_max3A_384 = vector.broadcast %reduce_max3A_383 : i1 to vector<16xi1>
      %reduce_max3A_385 = tpu.scan <max>, %parallel_loop3A_363#2 masked %reduce_max3A_384 : vector<16xf32>, vector<16xi1> -> vector<16xf32>
      %reduce_max3A_386 = vector.extract %reduce_max3A_385[15] : f32 from vector<16xf32>
      %eq3A_387 = vector.broadcast %reduce_max3A_386 : f32 to vector<16xf32>
      %eq3A_388 = arith.cmpf oeq, %parallel_loop3A_363#2, %eq3A_387 : vector<16xf32>
      %jit3A_389 = arith.constant 1073741824 : i32
      %broadcast_in_dim3A_390 = vector.broadcast %jit3A_389 : i32 to vector<16xi32>
      %select_n3A_391 = arith.select %eq3A_388, %parallel_loop3A_363#3, %broadcast_in_dim3A_390 : vector<16xi1>, vector<16xi32>
      %reduce_min3A_392 = arith.constant true
      %reduce_min3A_393 = vector.broadcast %reduce_min3A_392 : i1 to vector<16xi1>
      %reduce_min3A_394 = arith.constant -2147483648 : i32
      %reduce_min3A_395 = vector.broadcast %reduce_min3A_394 : i32 to vector<16xi32>
      %reduce_min3A_396 = arith.xori %select_n3A_391, %reduce_min3A_395 : vector<16xi32>
      %reduce_min3A_397 = tpu.scan <min>, %reduce_min3A_396 masked %reduce_min3A_393 : vector<16xi32>, vector<16xi1> -> vector<16xi32>
      %reduce_min3A_398 = arith.xori %reduce_min3A_397, %reduce_min3A_395 : vector<16xi32>
      %reduce_min3A_399 = vector.extract %reduce_min3A_398[15] : i32 from vector<16xi32>
      %broadcast_in_dim3A_400 = vector.broadcast %reduce_min3A_382 : i32 to vector<16xi32>
      %gather3A_401 = tpu.vector_load_idx %arg9[%broadcast_in_dim3A_365, %broadcast_in_dim3A_400] : memref<4x4096xf32, #tpu.memory_space<vmem>>[vector<16xi32>, vector<16xi32>], vector<16xf32>,
      %broadcast_in_dim3A_402 = vector.broadcast %reduce_min3A_399 : i32 to vector<16xi32>
      %gather3A_403 = tpu.vector_load_idx %arg9[%broadcast_in_dim3A_365, %broadcast_in_dim3A_402] : memref<4x4096xf32, #tpu.memory_space<vmem>>[vector<16xi32>, vector<16xi32>], vector<16xf32>,
      %sub3A_404 = arith.subf %gather3A_401, %gather3A_403 : vector<16xf32>
      %add3A_405 = arith.constant 2.000000e-01 : f32
      %add3A_406 = vector.broadcast %add3A_405 : f32 to vector<16xf32>
      %add3A_407 = arith.addf %sub3A_404, %add3A_406 : vector<16xf32>
      %max3A_408 = arith.constant 0.000000e+00 : f32
      %max3A_409 = vector.broadcast %max3A_408 : f32 to vector<16xf32>
      %max3A_410 = arith.maximumf %add3A_407, %max3A_409 : vector<16xf32>
      %add3A_411 = arith.constant 0 : i32
      %add3A_412 = arith.addi %add3A_352, %add3A_411 : i32
      %broadcast_in_dim3A_413 = vector.broadcast %add3A_412 : i32 to vector<16xi32>
      tpu.vector_store_idx %arg14[%broadcast_in_dim3A_413], %max3A_410 masked %eq3A_4 : memref<128xf32, #tpu.memory_space<vmem>>[vector<16xi32>], vector<16xf32>, vector<16xi1>
      %add3A_414 = arith.constant 1 : i32
      %add3A_415 = arith.addi %add3A_350, %add3A_414 : i32
      %iota3A_416 = tpu.iota {dimensions = array<i32: 0>} : vector<16xi32>
      %broadcast_in_dim3A_417 = vector.broadcast %add3A_415 : i32 to vector<16xi32>
      %gather3A_418 = tpu.vector_load_idx %arg7[%broadcast_in_dim3A_417] : memref<4096xi32, #tpu.memory_space<vmem>>[vector<16xi32>], vector<16xi32>,
      %broadcast_in_dim3A_419 = arith.constant 0xFF800000 : f32
      %broadcast_in_dim3A_420 = vector.broadcast %broadcast_in_dim3A_419 : f32 to vector<16xf32>
      %parallel_loop3A_421 = arith.constant 0 : i32
      %parallel_loop3A_422 = arith.constant 256 : i32
      %parallel_loop3A_423 = arith.constant 1 : i32
      %parallel_loop3A_424:5 = scf.for %parallel_loop3A_598 = %parallel_loop3A_421 to %parallel_loop3A_422 step %parallel_loop3A_423 iter_args(%parallel_loop3A_599 = %broadcast_in_dim3A_420, %parallel_loop3A_600 = %iota3A_416, %parallel_loop3A_601 = %broadcast_in_dim3A_420, %parallel_loop3A_602 = %iota3A_416, %parallel_loop3A_603 = %iota3A_416) -> (vector<16xf32>, vector<16xi32>, vector<16xf32>, vector<16xi32>, vector<16xi32>)  : i32 {
        %parallel_loop3A_604 = arith.constant 16 : i32
        %parallel_loop3A_605 = arith.muli %parallel_loop3A_598, %parallel_loop3A_604 : i32
        %parallel_loop3A_606 = arith.constant 1 : i32
        %parallel_loop3A_607 = arith.index_cast %parallel_loop3A_606 : i32 to index
        %parallel_loop3A_608 = arith.index_cast %parallel_loop3A_605 : i32 to index
        %parallel_loop3A_609 = tpu.vector_load %arg9[%parallel_loop3A_607, %parallel_loop3A_608] {strides = array<i32>} : memref<4x4096xf32, #tpu.memory_space<vmem>>, vector<16xf32>,
        %parallel_loop3A_610 = arith.index_cast %parallel_loop3A_605 : i32 to index
        %parallel_loop3A_611 = tpu.vector_load %arg7[%parallel_loop3A_610] {strides = array<i32>} : memref<4096xi32, #tpu.memory_space<vmem>>, vector<16xi32>,
        %parallel_loop3A_612 = arith.cmpi eq, %parallel_loop3A_611, %gather3A_418 : vector<16xi32>
        %parallel_loop3A_613 = arith.constant 1 : i32
        %parallel_loop3A_614 = arith.index_cast %parallel_loop3A_613 : i32 to index
        %parallel_loop3A_615 = arith.index_cast %parallel_loop3A_605 : i32 to index
        %parallel_loop3A_616 = tpu.vector_load %arg11[%parallel_loop3A_614, %parallel_loop3A_615] {strides = array<i32>} : memref<4x4096xf32, #tpu.memory_space<vmem>>, vector<16xf32>,
        %parallel_loop3A_617 = arith.addf %parallel_loop3A_609, %parallel_loop3A_616 : vector<16xf32>
        %parallel_loop3A_618 = arith.select %parallel_loop3A_612, %parallel_loop3A_617, %broadcast_in_dim3A_420 : vector<16xi1>, vector<16xf32>
        %parallel_loop3A_619 = arith.constant 1 : i32
        %parallel_loop3A_620 = arith.index_cast %parallel_loop3A_619 : i32 to index
        %parallel_loop3A_621 = arith.index_cast %parallel_loop3A_605 : i32 to index
        %parallel_loop3A_622 = tpu.vector_load %arg13[%parallel_loop3A_620, %parallel_loop3A_621] {strides = array<i32>} : memref<4x4096xf32, #tpu.memory_space<vmem>>, vector<16xf32>,
        %parallel_loop3A_623 = arith.subf %parallel_loop3A_622, %parallel_loop3A_609 : vector<16xf32>
        %parallel_loop3A_624 = arith.select %parallel_loop3A_612, %broadcast_in_dim3A_420, %parallel_loop3A_623 : vector<16xi1>, vector<16xf32>
        %parallel_loop3A_625 = arith.cmpf ogt, %parallel_loop3A_618, %parallel_loop3A_599 : vector<16xf32>
        %parallel_loop3A_626 = arith.select %parallel_loop3A_625, %parallel_loop3A_618, %parallel_loop3A_599 : vector<16xi1>, vector<16xf32>
        %parallel_loop3A_627 = arith.select %parallel_loop3A_625, %parallel_loop3A_603, %parallel_loop3A_600 : vector<16xi1>, vector<16xi32>
        %parallel_loop3A_628 = arith.cmpf ogt, %parallel_loop3A_624, %parallel_loop3A_601 : vector<16xf32>
        %parallel_loop3A_629 = arith.select %parallel_loop3A_628, %parallel_loop3A_624, %parallel_loop3A_601 : vector<16xi1>, vector<16xf32>
        %parallel_loop3A_630 = arith.select %parallel_loop3A_628, %parallel_loop3A_603, %parallel_loop3A_602 : vector<16xi1>, vector<16xi32>
        %parallel_loop3A_631 = arith.constant 16 : i32
        %parallel_loop3A_632 = vector.broadcast %parallel_loop3A_631 : i32 to vector<16xi32>
        %parallel_loop3A_633 = arith.addi %parallel_loop3A_603, %parallel_loop3A_632 : vector<16xi32>
        scf.yield %parallel_loop3A_626, %parallel_loop3A_627, %parallel_loop3A_629, %parallel_loop3A_630, %parallel_loop3A_633 : vector<16xf32>, vector<16xi32>, vector<16xf32>, vector<16xi32>, vector<16xi32>
      } {sc.loop_unroll_factor = 8 : i64, sc.parallel_access}
      %broadcast_in_dim3A_425 = arith.constant 1 : i32
      %broadcast_in_dim3A_426 = vector.broadcast %broadcast_in_dim3A_425 : i32 to vector<16xi32>
      %reduce_max3A_427 = arith.constant true
      %reduce_max3A_428 = vector.broadcast %reduce_max3A_427 : i1 to vector<16xi1>
      %reduce_max3A_429 = tpu.scan <max>, %parallel_loop3A_424#0 masked %reduce_max3A_428 : vector<16xf32>, vector<16xi1> -> vector<16xf32>
      %reduce_max3A_430 = vector.extract %reduce_max3A_429[15] : f32 from vector<16xf32>
      %eq3A_431 = vector.broadcast %reduce_max3A_430 : f32 to vector<16xf32>
      %eq3A_432 = arith.cmpf oeq, %parallel_loop3A_424#0, %eq3A_431 : vector<16xf32>
      %jit3A_433 = arith.constant 1073741824 : i32
      %broadcast_in_dim3A_434 = vector.broadcast %jit3A_433 : i32 to vector<16xi32>
      %select_n3A_435 = arith.select %eq3A_432, %parallel_loop3A_424#1, %broadcast_in_dim3A_434 : vector<16xi1>, vector<16xi32>
      %reduce_min3A_436 = arith.constant true
      %reduce_min3A_437 = vector.broadcast %reduce_min3A_436 : i1 to vector<16xi1>
      %reduce_min3A_438 = arith.constant -2147483648 : i32
      %reduce_min3A_439 = vector.broadcast %reduce_min3A_438 : i32 to vector<16xi32>
      %reduce_min3A_440 = arith.xori %select_n3A_435, %reduce_min3A_439 : vector<16xi32>
      %reduce_min3A_441 = tpu.scan <min>, %reduce_min3A_440 masked %reduce_min3A_437 : vector<16xi32>, vector<16xi1> -> vector<16xi32>
      %reduce_min3A_442 = arith.xori %reduce_min3A_441, %reduce_min3A_439 : vector<16xi32>
      %reduce_min3A_443 = vector.extract %reduce_min3A_442[15] : i32 from vector<16xi32>
      %reduce_max3A_444 = arith.constant true
      %reduce_max3A_445 = vector.broadcast %reduce_max3A_444 : i1 to vector<16xi1>
      %reduce_max3A_446 = tpu.scan <max>, %parallel_loop3A_424#2 masked %reduce_max3A_445 : vector<16xf32>, vector<16xi1> -> vector<16xf32>
      %reduce_max3A_447 = vector.extract %reduce_max3A_446[15] : f32 from vector<16xf32>
      %eq3A_448 = vector.broadcast %reduce_max3A_447 : f32 to vector<16xf32>
      %eq3A_449 = arith.cmpf oeq, %parallel_loop3A_424#2, %eq3A_448 : vector<16xf32>
      %jit3A_450 = arith.constant 1073741824 : i32
      %broadcast_in_dim3A_451 = vector.broadcast %jit3A_450 : i32 to vector<16xi32>
      %select_n3A_452 = arith.select %eq3A_449, %parallel_loop3A_424#3, %broadcast_in_dim3A_451 : vector<16xi1>, vector<16xi32>
      %reduce_min3A_453 = arith.constant true
      %reduce_min3A_454 = vector.broadcast %reduce_min3A_453 : i1 to vector<16xi1>
      %reduce_min3A_455 = arith.constant -2147483648 : i32
      %reduce_min3A_456 = vector.broadcast %reduce_min3A_455 : i32 to vector<16xi32>
      %reduce_min3A_457 = arith.xori %select_n3A_452, %reduce_min3A_456 : vector<16xi32>
      %reduce_min3A_458 = tpu.scan <min>, %reduce_min3A_457 masked %reduce_min3A_454 : vector<16xi32>, vector<16xi1> -> vector<16xi32>
      %reduce_min3A_459 = arith.xori %reduce_min3A_458, %reduce_min3A_456 : vector<16xi32>
      %reduce_min3A_460 = vector.extract %reduce_min3A_459[15] : i32 from vector<16xi32>
      %broadcast_in_dim3A_461 = vector.broadcast %reduce_min3A_443 : i32 to vector<16xi32>
      %gather3A_462 = tpu.vector_load_idx %arg9[%broadcast_in_dim3A_426, %broadcast_in_dim3A_461] : memref<4x4096xf32, #tpu.memory_space<vmem>>[vector<16xi32>, vector<16xi32>], vector<16xf32>,
      %broadcast_in_dim3A_463 = vector.broadcast %reduce_min3A_460 : i32 to vector<16xi32>
      %gather3A_464 = tpu.vector_load_idx %arg9[%broadcast_in_dim3A_426, %broadcast_in_dim3A_463] : memref<4x4096xf32, #tpu.memory_space<vmem>>[vector<16xi32>, vector<16xi32>], vector<16xf32>,
      %sub3A_465 = arith.subf %gather3A_462, %gather3A_464 : vector<16xf32>
      %add3A_466 = arith.constant 2.000000e-01 : f32
      %add3A_467 = vector.broadcast %add3A_466 : f32 to vector<16xf32>
      %add3A_468 = arith.addf %sub3A_465, %add3A_467 : vector<16xf32>
      %max3A_469 = arith.constant 0.000000e+00 : f32
      %max3A_470 = vector.broadcast %max3A_469 : f32 to vector<16xf32>
      %max3A_471 = arith.maximumf %add3A_468, %max3A_470 : vector<16xf32>
      %add3A_472 = arith.constant 1 : i32
      %add3A_473 = arith.addi %add3A_352, %add3A_472 : i32
      %broadcast_in_dim3A_474 = vector.broadcast %add3A_473 : i32 to vector<16xi32>
      tpu.vector_store_idx %arg14[%broadcast_in_dim3A_474], %max3A_471 masked %eq3A_4 : memref<128xf32, #tpu.memory_space<vmem>>[vector<16xi32>], vector<16xf32>, vector<16xi1>
      %add3A_475 = arith.constant 2 : i32
      %add3A_476 = arith.addi %add3A_350, %add3A_475 : i32
      %iota3A_477 = tpu.iota {dimensions = array<i32: 0>} : vector<16xi32>
      %broadcast_in_dim3A_478 = vector.broadcast %add3A_476 : i32 to vector<16xi32>
      %gather3A_479 = tpu.vector_load_idx %arg7[%broadcast_in_dim3A_478] : memref<4096xi32, #tpu.memory_space<vmem>>[vector<16xi32>], vector<16xi32>,
      %broadcast_in_dim3A_480 = arith.constant 0xFF800000 : f32
      %broadcast_in_dim3A_481 = vector.broadcast %broadcast_in_dim3A_480 : f32 to vector<16xf32>
      %parallel_loop3A_482 = arith.constant 0 : i32
      %parallel_loop3A_483 = arith.constant 256 : i32
      %parallel_loop3A_484 = arith.constant 1 : i32
      %parallel_loop3A_485:5 = scf.for %parallel_loop3A_598 = %parallel_loop3A_482 to %parallel_loop3A_483 step %parallel_loop3A_484 iter_args(%parallel_loop3A_599 = %broadcast_in_dim3A_481, %parallel_loop3A_600 = %iota3A_477, %parallel_loop3A_601 = %broadcast_in_dim3A_481, %parallel_loop3A_602 = %iota3A_477, %parallel_loop3A_603 = %iota3A_477) -> (vector<16xf32>, vector<16xi32>, vector<16xf32>, vector<16xi32>, vector<16xi32>)  : i32 {
        %parallel_loop3A_604 = arith.constant 16 : i32
        %parallel_loop3A_605 = arith.muli %parallel_loop3A_598, %parallel_loop3A_604 : i32
        %parallel_loop3A_606 = arith.constant 2 : i32
        %parallel_loop3A_607 = arith.index_cast %parallel_loop3A_606 : i32 to index
        %parallel_loop3A_608 = arith.index_cast %parallel_loop3A_605 : i32 to index
        %parallel_loop3A_609 = tpu.vector_load %arg9[%parallel_loop3A_607, %parallel_loop3A_608] {strides = array<i32>} : memref<4x4096xf32, #tpu.memory_space<vmem>>, vector<16xf32>,
        %parallel_loop3A_610 = arith.index_cast %parallel_loop3A_605 : i32 to index
        %parallel_loop3A_611 = tpu.vector_load %arg7[%parallel_loop3A_610] {strides = array<i32>} : memref<4096xi32, #tpu.memory_space<vmem>>, vector<16xi32>,
        %parallel_loop3A_612 = arith.cmpi eq, %parallel_loop3A_611, %gather3A_479 : vector<16xi32>
        %parallel_loop3A_613 = arith.constant 2 : i32
        %parallel_loop3A_614 = arith.index_cast %parallel_loop3A_613 : i32 to index
        %parallel_loop3A_615 = arith.index_cast %parallel_loop3A_605 : i32 to index
        %parallel_loop3A_616 = tpu.vector_load %arg11[%parallel_loop3A_614, %parallel_loop3A_615] {strides = array<i32>} : memref<4x4096xf32, #tpu.memory_space<vmem>>, vector<16xf32>,
        %parallel_loop3A_617 = arith.addf %parallel_loop3A_609, %parallel_loop3A_616 : vector<16xf32>
        %parallel_loop3A_618 = arith.select %parallel_loop3A_612, %parallel_loop3A_617, %broadcast_in_dim3A_481 : vector<16xi1>, vector<16xf32>
        %parallel_loop3A_619 = arith.constant 2 : i32
        %parallel_loop3A_620 = arith.index_cast %parallel_loop3A_619 : i32 to index
        %parallel_loop3A_621 = arith.index_cast %parallel_loop3A_605 : i32 to index
        %parallel_loop3A_622 = tpu.vector_load %arg13[%parallel_loop3A_620, %parallel_loop3A_621] {strides = array<i32>} : memref<4x4096xf32, #tpu.memory_space<vmem>>, vector<16xf32>,
        %parallel_loop3A_623 = arith.subf %parallel_loop3A_622, %parallel_loop3A_609 : vector<16xf32>
        %parallel_loop3A_624 = arith.select %parallel_loop3A_612, %broadcast_in_dim3A_481, %parallel_loop3A_623 : vector<16xi1>, vector<16xf32>
        %parallel_loop3A_625 = arith.cmpf ogt, %parallel_loop3A_618, %parallel_loop3A_599 : vector<16xf32>
        %parallel_loop3A_626 = arith.select %parallel_loop3A_625, %parallel_loop3A_618, %parallel_loop3A_599 : vector<16xi1>, vector<16xf32>
        %parallel_loop3A_627 = arith.select %parallel_loop3A_625, %parallel_loop3A_603, %parallel_loop3A_600 : vector<16xi1>, vector<16xi32>
        %parallel_loop3A_628 = arith.cmpf ogt, %parallel_loop3A_624, %parallel_loop3A_601 : vector<16xf32>
        %parallel_loop3A_629 = arith.select %parallel_loop3A_628, %parallel_loop3A_624, %parallel_loop3A_601 : vector<16xi1>, vector<16xf32>
        %parallel_loop3A_630 = arith.select %parallel_loop3A_628, %parallel_loop3A_603, %parallel_loop3A_602 : vector<16xi1>, vector<16xi32>
        %parallel_loop3A_631 = arith.constant 16 : i32
        %parallel_loop3A_632 = vector.broadcast %parallel_loop3A_631 : i32 to vector<16xi32>
        %parallel_loop3A_633 = arith.addi %parallel_loop3A_603, %parallel_loop3A_632 : vector<16xi32>
        scf.yield %parallel_loop3A_626, %parallel_loop3A_627, %parallel_loop3A_629, %parallel_loop3A_630, %parallel_loop3A_633 : vector<16xf32>, vector<16xi32>, vector<16xf32>, vector<16xi32>, vector<16xi32>
      } {sc.loop_unroll_factor = 8 : i64, sc.parallel_access}
      %broadcast_in_dim3A_486 = arith.constant 2 : i32
      %broadcast_in_dim3A_487 = vector.broadcast %broadcast_in_dim3A_486 : i32 to vector<16xi32>
      %reduce_max3A_488 = arith.constant true
      %reduce_max3A_489 = vector.broadcast %reduce_max3A_488 : i1 to vector<16xi1>
      %reduce_max3A_490 = tpu.scan <max>, %parallel_loop3A_485#0 masked %reduce_max3A_489 : vector<16xf32>, vector<16xi1> -> vector<16xf32>
      %reduce_max3A_491 = vector.extract %reduce_max3A_490[15] : f32 from vector<16xf32>
      %eq3A_492 = vector.broadcast %reduce_max3A_491 : f32 to vector<16xf32>
      %eq3A_493 = arith.cmpf oeq, %parallel_loop3A_485#0, %eq3A_492 : vector<16xf32>
      %jit3A_494 = arith.constant 1073741824 : i32
      %broadcast_in_dim3A_495 = vector.broadcast %jit3A_494 : i32 to vector<16xi32>
      %select_n3A_496 = arith.select %eq3A_493, %parallel_loop3A_485#1, %broadcast_in_dim3A_495 : vector<16xi1>, vector<16xi32>
      %reduce_min3A_497 = arith.constant true
      %reduce_min3A_498 = vector.broadcast %reduce_min3A_497 : i1 to vector<16xi1>
      %reduce_min3A_499 = arith.constant -2147483648 : i32
      %reduce_min3A_500 = vector.broadcast %reduce_min3A_499 : i32 to vector<16xi32>
      %reduce_min3A_501 = arith.xori %select_n3A_496, %reduce_min3A_500 : vector<16xi32>
      %reduce_min3A_502 = tpu.scan <min>, %reduce_min3A_501 masked %reduce_min3A_498 : vector<16xi32>, vector<16xi1> -> vector<16xi32>
      %reduce_min3A_503 = arith.xori %reduce_min3A_502, %reduce_min3A_500 : vector<16xi32>
      %reduce_min3A_504 = vector.extract %reduce_min3A_503[15] : i32 from vector<16xi32>
      %reduce_max3A_505 = arith.constant true
      %reduce_max3A_506 = vector.broadcast %reduce_max3A_505 : i1 to vector<16xi1>
      %reduce_max3A_507 = tpu.scan <max>, %parallel_loop3A_485#2 masked %reduce_max3A_506 : vector<16xf32>, vector<16xi1> -> vector<16xf32>
      %reduce_max3A_508 = vector.extract %reduce_max3A_507[15] : f32 from vector<16xf32>
      %eq3A_509 = vector.broadcast %reduce_max3A_508 : f32 to vector<16xf32>
      %eq3A_510 = arith.cmpf oeq, %parallel_loop3A_485#2, %eq3A_509 : vector<16xf32>
      %jit3A_511 = arith.constant 1073741824 : i32
      %broadcast_in_dim3A_512 = vector.broadcast %jit3A_511 : i32 to vector<16xi32>
      %select_n3A_513 = arith.select %eq3A_510, %parallel_loop3A_485#3, %broadcast_in_dim3A_512 : vector<16xi1>, vector<16xi32>
      %reduce_min3A_514 = arith.constant true
      %reduce_min3A_515 = vector.broadcast %reduce_min3A_514 : i1 to vector<16xi1>
      %reduce_min3A_516 = arith.constant -2147483648 : i32
      %reduce_min3A_517 = vector.broadcast %reduce_min3A_516 : i32 to vector<16xi32>
      %reduce_min3A_518 = arith.xori %select_n3A_513, %reduce_min3A_517 : vector<16xi32>
      %reduce_min3A_519 = tpu.scan <min>, %reduce_min3A_518 masked %reduce_min3A_515 : vector<16xi32>, vector<16xi1> -> vector<16xi32>
      %reduce_min3A_520 = arith.xori %reduce_min3A_519, %reduce_min3A_517 : vector<16xi32>
      %reduce_min3A_521 = vector.extract %reduce_min3A_520[15] : i32 from vector<16xi32>
      %broadcast_in_dim3A_522 = vector.broadcast %reduce_min3A_504 : i32 to vector<16xi32>
      %gather3A_523 = tpu.vector_load_idx %arg9[%broadcast_in_dim3A_487, %broadcast_in_dim3A_522] : memref<4x4096xf32, #tpu.memory_space<vmem>>[vector<16xi32>, vector<16xi32>], vector<16xf32>,
      %broadcast_in_dim3A_524 = vector.broadcast %reduce_min3A_521 : i32 to vector<16xi32>
      %gather3A_525 = tpu.vector_load_idx %arg9[%broadcast_in_dim3A_487, %broadcast_in_dim3A_524] : memref<4x4096xf32, #tpu.memory_space<vmem>>[vector<16xi32>, vector<16xi32>], vector<16xf32>,
      %sub3A_526 = arith.subf %gather3A_523, %gather3A_525 : vector<16xf32>
      %add3A_527 = arith.constant 2.000000e-01 : f32
      %add3A_528 = vector.broadcast %add3A_527 : f32 to vector<16xf32>
      %add3A_529 = arith.addf %sub3A_526, %add3A_528 : vector<16xf32>
      %max3A_530 = arith.constant 0.000000e+00 : f32
      %max3A_531 = vector.broadcast %max3A_530 : f32 to vector<16xf32>
      %max3A_532 = arith.maximumf %add3A_529, %max3A_531 : vector<16xf32>
      %add3A_533 = arith.constant 2 : i32
      %add3A_534 = arith.addi %add3A_352, %add3A_533 : i32
      %broadcast_in_dim3A_535 = vector.broadcast %add3A_534 : i32 to vector<16xi32>
      tpu.vector_store_idx %arg14[%broadcast_in_dim3A_535], %max3A_532 masked %eq3A_4 : memref<128xf32, #tpu.memory_space<vmem>>[vector<16xi32>], vector<16xf32>, vector<16xi1>
      %add3A_536 = arith.constant 3 : i32
      %add3A_537 = arith.addi %add3A_350, %add3A_536 : i32
      %iota3A_538 = tpu.iota {dimensions = array<i32: 0>} : vector<16xi32>
      %broadcast_in_dim3A_539 = vector.broadcast %add3A_537 : i32 to vector<16xi32>
      %gather3A_540 = tpu.vector_load_idx %arg7[%broadcast_in_dim3A_539] : memref<4096xi32, #tpu.memory_space<vmem>>[vector<16xi32>], vector<16xi32>,
      %broadcast_in_dim3A_541 = arith.constant 0xFF800000 : f32
      %broadcast_in_dim3A_542 = vector.broadcast %broadcast_in_dim3A_541 : f32 to vector<16xf32>
      %parallel_loop3A_543 = arith.constant 0 : i32
      %parallel_loop3A_544 = arith.constant 256 : i32
      %parallel_loop3A_545 = arith.constant 1 : i32
      %parallel_loop3A_546:5 = scf.for %parallel_loop3A_598 = %parallel_loop3A_543 to %parallel_loop3A_544 step %parallel_loop3A_545 iter_args(%parallel_loop3A_599 = %broadcast_in_dim3A_542, %parallel_loop3A_600 = %iota3A_538, %parallel_loop3A_601 = %broadcast_in_dim3A_542, %parallel_loop3A_602 = %iota3A_538, %parallel_loop3A_603 = %iota3A_538) -> (vector<16xf32>, vector<16xi32>, vector<16xf32>, vector<16xi32>, vector<16xi32>)  : i32 {
        %parallel_loop3A_604 = arith.constant 16 : i32
        %parallel_loop3A_605 = arith.muli %parallel_loop3A_598, %parallel_loop3A_604 : i32
        %parallel_loop3A_606 = arith.constant 3 : i32
        %parallel_loop3A_607 = arith.index_cast %parallel_loop3A_606 : i32 to index
        %parallel_loop3A_608 = arith.index_cast %parallel_loop3A_605 : i32 to index
        %parallel_loop3A_609 = tpu.vector_load %arg9[%parallel_loop3A_607, %parallel_loop3A_608] {strides = array<i32>} : memref<4x4096xf32, #tpu.memory_space<vmem>>, vector<16xf32>,
        %parallel_loop3A_610 = arith.index_cast %parallel_loop3A_605 : i32 to index
        %parallel_loop3A_611 = tpu.vector_load %arg7[%parallel_loop3A_610] {strides = array<i32>} : memref<4096xi32, #tpu.memory_space<vmem>>, vector<16xi32>,
        %parallel_loop3A_612 = arith.cmpi eq, %parallel_loop3A_611, %gather3A_540 : vector<16xi32>
        %parallel_loop3A_613 = arith.constant 3 : i32
        %parallel_loop3A_614 = arith.index_cast %parallel_loop3A_613 : i32 to index
        %parallel_loop3A_615 = arith.index_cast %parallel_loop3A_605 : i32 to index
        %parallel_loop3A_616 = tpu.vector_load %arg11[%parallel_loop3A_614, %parallel_loop3A_615] {strides = array<i32>} : memref<4x4096xf32, #tpu.memory_space<vmem>>, vector<16xf32>,
        %parallel_loop3A_617 = arith.addf %parallel_loop3A_609, %parallel_loop3A_616 : vector<16xf32>
        %parallel_loop3A_618 = arith.select %parallel_loop3A_612, %parallel_loop3A_617, %broadcast_in_dim3A_542 : vector<16xi1>, vector<16xf32>
        %parallel_loop3A_619 = arith.constant 3 : i32
        %parallel_loop3A_620 = arith.index_cast %parallel_loop3A_619 : i32 to index
        %parallel_loop3A_621 = arith.index_cast %parallel_loop3A_605 : i32 to index
        %parallel_loop3A_622 = tpu.vector_load %arg13[%parallel_loop3A_620, %parallel_loop3A_621] {strides = array<i32>} : memref<4x4096xf32, #tpu.memory_space<vmem>>, vector<16xf32>,
        %parallel_loop3A_623 = arith.subf %parallel_loop3A_622, %parallel_loop3A_609 : vector<16xf32>
        %parallel_loop3A_624 = arith.select %parallel_loop3A_612, %broadcast_in_dim3A_542, %parallel_loop3A_623 : vector<16xi1>, vector<16xf32>
        %parallel_loop3A_625 = arith.cmpf ogt, %parallel_loop3A_618, %parallel_loop3A_599 : vector<16xf32>
        %parallel_loop3A_626 = arith.select %parallel_loop3A_625, %parallel_loop3A_618, %parallel_loop3A_599 : vector<16xi1>, vector<16xf32>
        %parallel_loop3A_627 = arith.select %parallel_loop3A_625, %parallel_loop3A_603, %parallel_loop3A_600 : vector<16xi1>, vector<16xi32>
        %parallel_loop3A_628 = arith.cmpf ogt, %parallel_loop3A_624, %parallel_loop3A_601 : vector<16xf32>
        %parallel_loop3A_629 = arith.select %parallel_loop3A_628, %parallel_loop3A_624, %parallel_loop3A_601 : vector<16xi1>, vector<16xf32>
        %parallel_loop3A_630 = arith.select %parallel_loop3A_628, %parallel_loop3A_603, %parallel_loop3A_602 : vector<16xi1>, vector<16xi32>
        %parallel_loop3A_631 = arith.constant 16 : i32
        %parallel_loop3A_632 = vector.broadcast %parallel_loop3A_631 : i32 to vector<16xi32>
        %parallel_loop3A_633 = arith.addi %parallel_loop3A_603, %parallel_loop3A_632 : vector<16xi32>
        scf.yield %parallel_loop3A_626, %parallel_loop3A_627, %parallel_loop3A_629, %parallel_loop3A_630, %parallel_loop3A_633 : vector<16xf32>, vector<16xi32>, vector<16xf32>, vector<16xi32>, vector<16xi32>
      } {sc.loop_unroll_factor = 8 : i64, sc.parallel_access}
      %broadcast_in_dim3A_547 = arith.constant 3 : i32
      %broadcast_in_dim3A_548 = vector.broadcast %broadcast_in_dim3A_547 : i32 to vector<16xi32>
      %reduce_max3A_549 = arith.constant true
      %reduce_max3A_550 = vector.broadcast %reduce_max3A_549 : i1 to vector<16xi1>
      %reduce_max3A_551 = tpu.scan <max>, %parallel_loop3A_546#0 masked %reduce_max3A_550 : vector<16xf32>, vector<16xi1> -> vector<16xf32>
      %reduce_max3A_552 = vector.extract %reduce_max3A_551[15] : f32 from vector<16xf32>
      %eq3A_553 = vector.broadcast %reduce_max3A_552 : f32 to vector<16xf32>
      %eq3A_554 = arith.cmpf oeq, %parallel_loop3A_546#0, %eq3A_553 : vector<16xf32>
      %jit3A_555 = arith.constant 1073741824 : i32
      %broadcast_in_dim3A_556 = vector.broadcast %jit3A_555 : i32 to vector<16xi32>
      %select_n3A_557 = arith.select %eq3A_554, %parallel_loop3A_546#1, %broadcast_in_dim3A_556 : vector<16xi1>, vector<16xi32>
      %reduce_min3A_558 = arith.constant true
      %reduce_min3A_559 = vector.broadcast %reduce_min3A_558 : i1 to vector<16xi1>
      %reduce_min3A_560 = arith.constant -2147483648 : i32
      %reduce_min3A_561 = vector.broadcast %reduce_min3A_560 : i32 to vector<16xi32>
      %reduce_min3A_562 = arith.xori %select_n3A_557, %reduce_min3A_561 : vector<16xi32>
      %reduce_min3A_563 = tpu.scan <min>, %reduce_min3A_562 masked %reduce_min3A_559 : vector<16xi32>, vector<16xi1> -> vector<16xi32>
      %reduce_min3A_564 = arith.xori %reduce_min3A_563, %reduce_min3A_561 : vector<16xi32>
      %reduce_min3A_565 = vector.extract %reduce_min3A_564[15] : i32 from vector<16xi32>
      %reduce_max3A_566 = arith.constant true
      %reduce_max3A_567 = vector.broadcast %reduce_max3A_566 : i1 to vector<16xi1>
      %reduce_max3A_568 = tpu.scan <max>, %parallel_loop3A_546#2 masked %reduce_max3A_567 : vector<16xf32>, vector<16xi1> -> vector<16xf32>
      %reduce_max3A_569 = vector.extract %reduce_max3A_568[15] : f32 from vector<16xf32>
      %eq3A_570 = vector.broadcast %reduce_max3A_569 : f32 to vector<16xf32>
      %eq3A_571 = arith.cmpf oeq, %parallel_loop3A_546#2, %eq3A_570 : vector<16xf32>
      %jit3A_572 = arith.constant 1073741824 : i32
      %broadcast_in_dim3A_573 = vector.broadcast %jit3A_572 : i32 to vector<16xi32>
      %select_n3A_574 = arith.select %eq3A_571, %parallel_loop3A_546#3, %broadcast_in_dim3A_573 : vector<16xi1>, vector<16xi32>
      %reduce_min3A_575 = arith.constant true
      %reduce_min3A_576 = vector.broadcast %reduce_min3A_575 : i1 to vector<16xi1>
      %reduce_min3A_577 = arith.constant -2147483648 : i32
      %reduce_min3A_578 = vector.broadcast %reduce_min3A_577 : i32 to vector<16xi32>
      %reduce_min3A_579 = arith.xori %select_n3A_574, %reduce_min3A_578 : vector<16xi32>
      %reduce_min3A_580 = tpu.scan <min>, %reduce_min3A_579 masked %reduce_min3A_576 : vector<16xi32>, vector<16xi1> -> vector<16xi32>
      %reduce_min3A_581 = arith.xori %reduce_min3A_580, %reduce_min3A_578 : vector<16xi32>
      %reduce_min3A_582 = vector.extract %reduce_min3A_581[15] : i32 from vector<16xi32>
      %broadcast_in_dim3A_583 = vector.broadcast %reduce_min3A_565 : i32 to vector<16xi32>
      %gather3A_584 = tpu.vector_load_idx %arg9[%broadcast_in_dim3A_548, %broadcast_in_dim3A_583] : memref<4x4096xf32, #tpu.memory_space<vmem>>[vector<16xi32>, vector<16xi32>], vector<16xf32>,
      %broadcast_in_dim3A_585 = vector.broadcast %reduce_min3A_582 : i32 to vector<16xi32>
      %gather3A_586 = tpu.vector_load_idx %arg9[%broadcast_in_dim3A_548, %broadcast_in_dim3A_585] : memref<4x4096xf32, #tpu.memory_space<vmem>>[vector<16xi32>, vector<16xi32>], vector<16xf32>,
      %sub3A_587 = arith.subf %gather3A_584, %gather3A_586 : vector<16xf32>
      %add3A_588 = arith.constant 2.000000e-01 : f32
      %add3A_589 = vector.broadcast %add3A_588 : f32 to vector<16xf32>
      %add3A_590 = arith.addf %sub3A_587, %add3A_589 : vector<16xf32>
      %max3A_591 = arith.constant 0.000000e+00 : f32
      %max3A_592 = vector.broadcast %max3A_591 : f32 to vector<16xf32>
      %max3A_593 = arith.maximumf %add3A_590, %max3A_592 : vector<16xf32>
      %add3A_594 = arith.constant 3 : i32
      %add3A_595 = arith.addi %add3A_352, %add3A_594 : i32
      %broadcast_in_dim3A_596 = vector.broadcast %add3A_595 : i32 to vector<16xi32>
      tpu.vector_store_idx %arg14[%broadcast_in_dim3A_596], %max3A_593 masked %eq3A_4 : memref<128xf32, #tpu.memory_space<vmem>>[vector<16xi32>], vector<16xf32>, vector<16xi1>
      %scan3A_597 = arith.constant 0 : i32
      scf.yield %scan3A_597 : i32
    }
    %scan3A_21 = arith.constant 16 : i32
    %dma_wait3A = arith.constant 0 : i32
    %dma_wait3A_22 = arith.constant 0 : i32
    %dma_wait3A_23 = tpu.memref_slice %arg2[%dma_wait3A, %dma_wait3A_22] : memref<4096x4096xf32, #tpu.memory_space<hbm>> -> memref<4x4096xf32, #tpu.memory_space<hbm>>
    %dma_wait3A_24 = arith.constant 0 : i32
    %dma_wait3A_25 = arith.constant 0 : i32
    %dma_wait3A_26 = tpu.memref_slice %arg2[%dma_wait3A_24, %dma_wait3A_25] : memref<4096x4096xf32, #tpu.memory_space<hbm>> -> memref<4x4096xf32, #tpu.memory_space<hbm>>
    tpu.wait_dma2 semaphore(%arg15 : memref<!tpu.dma_semaphore, #tpu.memory_space<semaphore_mem>>) src(%dma_wait3A_26 : memref<4x4096xf32, #tpu.memory_space<hbm>>) dst(%arg8 : memref<4x4096xf32, #tpu.memory_space<vmem>>)
    %dma_wait3A_27 = arith.constant 0 : i32
    %dma_wait3A_28 = arith.constant 0 : i32
    %dma_wait3A_29 = tpu.memref_slice %arg4[%dma_wait3A_27, %dma_wait3A_28] : memref<4096x4096xf32, #tpu.memory_space<hbm>> -> memref<4x4096xf32, #tpu.memory_space<hbm>>
    %dma_wait3A_30 = arith.constant 0 : i32
    %dma_wait3A_31 = arith.constant 0 : i32
    %dma_wait3A_32 = tpu.memref_slice %arg4[%dma_wait3A_30, %dma_wait3A_31] : memref<4096x4096xf32, #tpu.memory_space<hbm>> -> memref<4x4096xf32, #tpu.memory_space<hbm>>
    tpu.wait_dma2 semaphore(%arg15 : memref<!tpu.dma_semaphore, #tpu.memory_space<semaphore_mem>>) src(%dma_wait3A_32 : memref<4x4096xf32, #tpu.memory_space<hbm>>) dst(%arg10 : memref<4x4096xf32, #tpu.memory_space<vmem>>)
    %dma_wait3A_33 = arith.constant 0 : i32
    %dma_wait3A_34 = arith.constant 0 : i32
    %dma_wait3A_35 = tpu.memref_slice %arg5[%dma_wait3A_33, %dma_wait3A_34] : memref<4096x4096xf32, #tpu.memory_space<hbm>> -> memref<4x4096xf32, #tpu.memory_space<hbm>>
    %dma_wait3A_36 = arith.constant 0 : i32
    %dma_wait3A_37 = arith.constant 0 : i32
    %dma_wait3A_38 = tpu.memref_slice %arg5[%dma_wait3A_36, %dma_wait3A_37] : memref<4096x4096xf32, #tpu.memory_space<hbm>> -> memref<4x4096xf32, #tpu.memory_space<hbm>>
    tpu.wait_dma2 semaphore(%arg15 : memref<!tpu.dma_semaphore, #tpu.memory_space<semaphore_mem>>) src(%dma_wait3A_38 : memref<4x4096xf32, #tpu.memory_space<hbm>>) dst(%arg12 : memref<4x4096xf32, #tpu.memory_space<vmem>>)
    "tpu.region"() ({
      %run_scoped3A = tpu.sem_alloc : memref<!tpu.dma_semaphore, #tpu.memory_space<semaphore_mem>>
      %dma_start3A_39 = tpu.memref_slice %arg6[%mul3A_2] : memref<4096xf32, #tpu.memory_space<hbm>> -> memref<128xf32, #tpu.memory_space<hbm>>
      %dma_start3A_40 = tpu.memref_slice %arg6[%mul3A_2] : memref<4096xf32, #tpu.memory_space<hbm>> -> memref<128xf32, #tpu.memory_space<hbm>>
      tpu.enqueue_dma source(%arg14 : memref<128xf32, #tpu.memory_space<vmem>>) target(%dma_start3A_40 : memref<128xf32, #tpu.memory_space<hbm>>) target_semaphore(%run_scoped3A : memref<!tpu.dma_semaphore, #tpu.memory_space<semaphore_mem>>)
      %dma_wait3A_41 = tpu.memref_slice %arg6[%mul3A_2] : memref<4096xf32, #tpu.memory_space<hbm>> -> memref<128xf32, #tpu.memory_space<hbm>>
      %dma_wait3A_42 = tpu.memref_slice %arg6[%mul3A_2] : memref<4096xf32, #tpu.memory_space<hbm>> -> memref<128xf32, #tpu.memory_space<hbm>>
      tpu.wait_dma2 semaphore(%run_scoped3A : memref<!tpu.dma_semaphore, #tpu.memory_space<semaphore_mem>>) src(%arg14 : memref<128xf32, #tpu.memory_space<vmem>>) dst(%dma_wait3A_42 : memref<128xf32, #tpu.memory_space<hbm>>)
      tpu.yield
    }) : () -> ()
    return
  }
}

</mosaic_0001>

<sc_bundles>
// kernel: kernel.3.cloned.1.call-start
scs
__scs_entry_jumppad:
0x0: {  	(pc) =	sbr.rel $0x88, $3  }
0x1: {  	(tag) =	ssettag $0x0;
	lr =	simm.s32 $0x1  }
0x2: {  	[smem:$0x3F9F] =	sst lr;
	_ =	strace $0xD0000000  }
0x3: {  	_ = 	snop  }
0x4: {  	_ = 	snop  }
0x5: {  	_ = 	snop  }
0x6: {  	_ = 	snop  }
0x7: {  	_ = 	snop  }
__scs_overlays_trampoline_lowered:
0x8: {  	[smem:$0x3FAE] =	sst s0  }
0x9: {  	[smem:$0x3FAF] =	sst s1  }
0xa: {  	[smem:$0x3FB0] =	sst s2  }
0xb: {  	[smem:$0x3FB1] =	sst s3  }
0xc: {  	[smem:$0x3FB2] =	sst s4  }
0xd: {  	[smem:$0x3FB3] =	sst s5  }
0xe: {  	[smem:$0x3FB4] =	sst s6  }
0xf: {  	[smem:$0x3FB5] =	sst s7  }
0x10: {  	[smem:$0x3FB6] =	sst s8  }
0x11: {  	[smem:$0x3FB7] =	sst s9;
	s0 =	simm.s32 @!p0 $0x0  }
0x12: {  	s1 =	sld [smem:$0x3F9D];
	s0 =	simm.s32 @p0 $0x1  }
0x13: {  	[smem:$0x3FB8] =	sst s0;
	s0 =	simm.s32 @!p1 $0x0  }
0x14: {  	s2 =	sld [smem:$0x3F9C];
	s0 =	simm.s32 @p1 $0x1  }
0x15: {  	[smem:$0x3FB9] =	sst s0;
	s0 =	simm.s32 @!p2 $0x0  }
0x16: {  	s3 =	sld [smem:$0x3FDB];
	s0 =	simm.s32 @p2 $0x1  }
0x17: {  	s4 =	simm.s32 $0x1BF5;
	[smem:$0x3FBB] =	sst s0  }
0x18: {  	s0 =	sld [smem:$0x3F9E];
	_ =	swait.ge [sflag:s4], $0x0  }
0x19: {  	s7 =	sld [smem:$0x3F9F]  }
0x1a: {  	s8 =	sadd.s32 $0xFFFFE003, lr  }
0x1b: {  	s9 =	sadd.s32 $0xFFFFFEF7, lr;
	s5 =	simm.s32 $0xFFFFFFFF;
	p2 =	slt.u32 s8, $0xFFFFF086  }
0x1c: {  	p1 =	slt.u32 s9, $0xF7A;
	s5 =	simm.s32 @!p2 $0x0  }
0x1d: {  	s5 =	simm.s32 @p1 $0x1;
	p0 =	seq.s32 s7, s2  }
0x1e: {  	s7 =	smul.u32 @!p0 $0xF7A, s2;
	p2 =	seq.s32 @!p0 s5, $0x0  }
0x1f: {  	s9 =	smul.u32 $0xF7A, s1;
	s8 =	simm.s32 @!p0 $0x1BF5;
	p2 =	por !p2, p0  }
0x20: {  	[sflag:s8] =	ssyncset.s32 @!p0 $0xFFFFF086;
	s6 =	sadd.s32 @!p0 s3, s7;
	s7 =	simm.s32 @!p0 $0x108  }
0x21: {  	s3 =	sadd.s32 s3, s9;
	s6 =	sadd.s32 @!p0 $0x88, s6;
	s7 =	simm.s32 @p2 $0x1082  }
0x22: {  	[simem:s7], [sflag:s8] =	dma.local @!p0 [hbm:s6], $0xF7A  }
0x23: {  	s9 =	sor.u32 $0xD0000000, s2;
	s6 =	simm.s32 $0x108;
	_ =	swait.ge @!p0 [sflag:s8], $0x0  }
0x24: {  	s3 =	sadd.s32 $0x88, s3;
	s6 =	simm.s32 @!p1 $0x1082;
	[sflag:s4] =	ssyncset.s32 $0xFFFFF086  }
0x25: {  	[simem:s6], [sflag:s4] =	dma.local [hbm:s3], $0xF7A  }
0x26: {  	[smem:$0x3F9F] =	sst s1;
	(tag) =	ssettag s2;
	_ =	strace s9  }
0x27: {  	s1 =	sld [smem:$0x3FAF]  }
0x28: {  	s2 =	sld [smem:$0x3FB0]  }
0x29: {  	s4 =	sld [smem:$0x3FB2]  }
0x2a: {  	p0 =	seq.s32 s5, $0x0;
	s5 =	sld [smem:$0x3FB3]  }
0x2b: {  	s6 =	sld [smem:$0x3FB4]  }
0x2c: {  	s7 =	sld [smem:$0x3FB5]  }
0x2d: {  	s3 =	simm.s32 $0x108;
	s8 =	sld [smem:$0x3FB6]  }
0x2e: {  	s3 =	simm.s32 @!p0 $0x1082;
	s9 =	sld [smem:$0x3FB7]  }
0x2f: {  	lr =	sadd.s32 s0, s3;
	s0 =	sld [smem:$0x3FAE]  }
0x30: {  	s3 =	sld [smem:$0x3FB1]  }
0x31: {  	[smem:$0x3FBA] =	sst s10  }
0x32: {  	s10 =	sld [smem:$0x3FB8];
	_ =	sdelay $0x3  }
0x33: {  	p0 =	seq.s32 s10, $0x1;
	s10 =	sld [smem:$0x3FBA];
	_ =	sdelay $0x3  }
0x34: {  	[smem:$0x3FBA] =	sst s10  }
0x35: {  	s10 =	sld [smem:$0x3FB9];
	_ =	sdelay $0x3  }
0x36: {  	p1 =	seq.s32 s10, $0x1;
	s10 =	sld [smem:$0x3FBA];
	_ =	sdelay $0x3  }
0x37: {  	[smem:$0x3FBA] =	sst s10  }
0x38: {  	s10 =	sld [smem:$0x3FBB]  }
0x39: {  	_ = 	snop;
	(pc) =	sbr.ind lr, $3  }
0x3a: {  	_ = 	snop  }
0x3b: {  	_ = 	snop  }
0x3c: {  	p2 =	seq.s32 s10, $0x1;
	s10 =	sld [smem:$0x3FBA]  }
0x3d: {  	_ =	shalt  }
0x3e: {  	_ =	shalt  }
0x3f: {  	_ =	shalt  }
0x40: {  	_ =	shalt  }
0x41: {  	_ =	shalt  }
0x42: {  	_ =	shalt  }
0x43: {  	_ =	shalt  }
0x44: {  	_ =	shalt  }
0x45: {  	_ =	shalt  }
0x46: {  	_ =	shalt  }
0x47: {  	_ =	shalt  }
0x48: {  	_ =	shalt  }
0x49: {  	_ =	shalt  }
0x4a: {  	_ =	shalt  }
0x4b: {  	_ =	shalt  }
0x4c: {  	_ =	shalt  }
0x4d: {  	_ =	shalt  }
0x4e: {  	_ =	shalt  }
0x4f: {  	_ =	shalt  }
0x50: {  	_ =	shalt  }
0x51: {  	_ =	shalt  }
0x52: {  	_ =	shalt  }
0x53: {  	_ =	shalt  }
0x54: {  	_ =	shalt  }
0x55: {  	_ =	shalt  }
0x56: {  	_ =	shalt  }
0x57: {  	_ =	shalt  }
0x58: {  	_ =	shalt  }
0x59: {  	_ =	shalt  }
0x5a: {  	_ =	shalt  }
0x5b: {  	_ =	shalt  }
0x5c: {  	_ =	shalt  }
0x5d: {  	_ =	shalt  }
0x5e: {  	_ =	shalt  }
0x5f: {  	_ =	shalt  }
0x60: {  	_ =	shalt  }
0x61: {  	_ =	shalt  }
0x62: {  	_ =	shalt  }
0x63: {  	_ =	shalt  }
0x64: {  	_ =	shalt  }
0x65: {  	_ =	shalt  }
0x66: {  	_ =	shalt  }
0x67: {  	_ =	shalt  }
0x68: {  	_ =	shalt  }
0x69: {  	_ =	shalt  }
0x6a: {  	_ =	shalt  }
0x6b: {  	_ =	shalt  }
0x6c: {  	_ =	shalt  }
0x6d: {  	_ =	shalt  }
0x6e: {  	_ =	shalt  }
0x6f: {  	_ =	shalt  }
0x70: {  	_ =	shalt  }
0x71: {  	_ =	shalt  }
0x72: {  	_ =	shalt  }
0x73: {  	_ =	shalt  }
0x74: {  	_ =	shalt  }
0x75: {  	_ =	shalt  }
0x76: {  	_ =	shalt  }
0x77: {  	_ =	shalt  }
0x78: {  	_ =	shalt  }
0x79: {  	_ =	shalt  }
0x7a: {  	_ =	shalt  }
0x7b: {  	_ =	shalt  }
0x7c: {  	_ =	shalt  }
0x7d: {  	_ =	shalt  }
0x7e: {  	_ =	shalt  }
0x7f: {  	_ =	shalt  }
0x80: {  	_ =	shalt  }
0x81: {  	_ =	shalt  }
0x82: {  	_ =	shalt  }
0x83: {  	_ =	shalt  }
0x84: {  	_ =	shalt  }
0x85: {  	_ =	shalt  }
0x86: {  	_ =	shalt  }
0x87: {  	_ =	shalt  }
.Lfunc_end0:
.L_simem_size_0:
called_computation_lowered:
.L_overlay_start_0:
0x88: {  	s2 =	sld [smem:$0x3FD9]  }
0x89: {  	s3 =	sld [smem:$0x3FFE];
	_ =	sdelay $0x1  }
0x8a: {  	s1 =	srdreg.scid  }
0x8b: {  	s0 =	sand.u32 $0x1, s1  }
0x8c: {  	s17 =	sshll.u32 s0, $0xA;
	s2 =	sadd.s32 s3, s2  }
0x8d: {  	s2 =	sadd.s32 s2, s17  }
0x8e: {  	[smem:$0x3FC6] =	sst s2  }
0x8f: {  	_ = 	snop  }
0x90: {  	s2 =	sld [smem:$0x3FC9]  }
0x91: {  	s18 =	sld [smem:$0x3FC8]  }
0x92: {  	s4 =	sld [smem:$0x3FD0];
	(tm) =	ssettm $0x1  }
0x93: {  	s5 =	sld [smem:$0x3FFB];
	_ =	sdelay $0x3  }
0x94: {  	_ =	strace s5  }
0x95: {  	s5 =	sld [smem:$0x3FFC];
	_ =	sdelay $0x3  }
0x96: {  	_ =	strace s5  }
0x97: {  	s5 =	sld [smem:$0x3FFD];
	_ =	sdelay $0x3  }
0x98: {  	_ =	strace s5  }
0x99: {  	_ =	strace $0x8FFFFFFF  }
0x9a: {  	s19 =	sld [smem:$0x3FDB];
	_ =	sdelay $0x1  }
0x9b: {  	s6 =	simm.s32 $_scs_section_size  }
0x9c: {  	s7 =	simm.s32 $_size__tile_overlayer_lowered;
	s8 =	simm.s32 $_tile_overlayer_lowered  }
0x9d: {  	s22 =	simm.s32 $0x1BFF;
	s21 =	sshll.u32 s8, $0x1;
	s5 =	sadd.s32 s6, s19  }
0x9e: {  	s9 =	simm.s32 $0x0;
	s20 =	sshll.u32 s7, $0x1;
	s7 =	sadd.s32 s21, s5  }
0x9f: {  	[timem:s9], [sflag:s22] =	dma.local [hbm:s7], s20  }
0xa0: {  	_ =	swait.ge [sflag:s22], s20  }
0xa1: {  	s6 =	ssub.s32 $0x0, s20;
	[sflag:s22] =	ssyncset.done $0x0  }
0xa2: {  	[sflag:s22] =	ssyncadd.s32 s6;
	_ =	sdelay $0x1  }
0xa3: {  	s23 =	simm.s32 $0x1B8B  }
0xa4: {  	_ =	swait.ge [sflag:s23], $0x1  }
0xa5: {  	[sflag:s23] =	ssyncset.done $0x0  }
0xa6: {  	s25 =	simm.s32 $0x1B8E;
	s24 =	sld [smem:$0x3FFE];
	[sflag:s23] =	ssyncadd.s32 $0xFFFFFFFF  }
0xa7: {  	s26 =	simm.s32 $execute0_lowered;
	[smem:$0x3FD2] =	sst s25  }
0xa8: {  	s7 =	sshll.u32 s26, $0x1;
	_ =	strace $0x80000046;
	[dreg:$0x1] =	wrdreg $0xFFFFFFFF  }
0xa9: {  	s28 =	simm.s32 $_size_execute0_lowered;
	s5 =	sadd.s32 s5, s7;
	[dreg:$0x0] =	wrdreg $0x0  }
0xaa: {  	s7 =	sshll.u32 s28, $0x1;
	[dreg:$0x2] =	wrdreg s5  }
0xab: {  	[dreg:$0x3] =	wrdreg s7  }
0xac: {  	[dreg:$0x4] =	wrdreg $0xC0  }
0xad: {  	_ =	task [dreg:s9], $0x5FFFF  }
0xae: {  	[dreg:$0x1] =	wrdreg $0xFFFFFFFF  }
0xaf: {  	[dreg:$0x0] =	wrdreg $0x60  }
0xb0: {  	[dreg:$0x2] =	wrdreg s2  }
0xb1: {  	[dreg:$0x3] =	wrdreg s18  }
0xb2: {  	[dreg:$0x4] =	wrdreg s24  }
0xb3: {  	[dreg:$0x5] =	wrdreg s4  }
0xb4: {  	[dreg:$0x6] =	wrdreg $0x9  }
0xb5: {  	_ =	task.clear_ibuf [dreg:s9], $0x7FFFF;
	_ =	strace $0x90000046  }
0xb6: {  	s29 =	simm.s32 $0x9;
	_ =	strace $0x80000048  }
0xb7: {  	_ =	swait.ge [sflag:s29], $0x1  }
0xb8: {  	[sflag:s29] =	ssyncadd.s32 $0xFFFFFFFF  }
0xb9: {  	_ =	strace $0x90000048  }
0xba: {  	_ =	sfence  }
0xbb: {  	s30 =	sld [smem:$0x0];
	_ =	sdelay $0x2  }
0xbc: {  	s31 =	sshll.u32 s1, $0xD;
	s1 =	sshrl.u32 s1, $0x2  }
0xbd: {  	s3 =	sand.u32 $0x4000, s31;
	s1 =	sadd.s32 s1, s30  }
0xbe: {  	s0 =	sor.u32 s3, s0;
	s1 =	sshll.u32 s1, $0x11  }
0xbf: {  	s0 =	sor.u32 s1, s0  }
0xc0: {  	s0 =	sadd.s32 $0x8F2B, s0  }
0xc1: {  	[sflag:s0] =	ssyncadd.remote.s32 $0x1  }
0xc2: {  	_ =	sfence.sel $0xFFFF  }
0xc3: {  	[dreg:$0x0] =	wrdreg $0xFFFFFFFF;
	(pc) =	sbr.abs _section_cstart, $3  }
0xc4: {  	[dreg:$0x1] =	wrdreg $0xFFFFFFFF  }
0xc5: {  	_ =	task.clear_ibuf [dreg:s9], $0x2FFFF;
	_ =	strace $0x9FFFFFFF  }
0xc6: {  	(tm) =	ssettm $0x7FFFFFFF  }
0xc7: {  	_ =	shalt  }
tec
execute0_lowered:
.L_overlay_start_1:
0x0: {  	(tag) =	ssettag $0x1  }
0x1: {  	s1 =	rddreg [dreg:$0x0]  }
0x2: {  	s0 =	rddreg [dreg:$0x2]  }
0x3: {  	s2 =	rddreg [dreg:$0x3];
	s4 =	simm.s32 $0x0  }
0x4: {  	s3 =	srdreg.scid;
	s5 =	stileid.u32;
	s14 =	simm.s32 $0x3  }
0x5: {  	s15 =	simm.s32 $0x200;
	s16 =	simm.s32 $0x400;
	s17 =	simm.s32 $0x1000  }
0x6: {  	s18 =	simm.s32 $0x9000;
	s19 =	simm.s32 $0x11000;
	s20 =	simm.s32 $0x5000  }
0x7: {  	s21 =	simm.s32 $0xD000;
	s22 =	simm.s32 $0x15000;
	s23 =	simm.s32 $0x1  }
0x8: {  	s24 =	simm.s32 $0x19000;
	s25 =	simm.s32 $0x2;
	s26 =	simm.s32 $0x0  }
0x9: {  	[smem:$0x7FF] =	sst s4;
	s3 =	sand.u32 $0x1, s3;
	s6 =	sshll.u32 s5, $0x8  }
0xa: {  	s5 =	sadd.s32 $0x201600, s0;
	s7 =	sshll.u32 s3, $0x7;
	s3 =	ssub.s32 $0x2, s3  }
0xb: {  	_ =	strace $0x80000047;
	s6 =	sor.u32 s7, s6;
	s28 =	sshrl.u32 s3, $0x1  }
0xc: {  	s7 =	sadd.s32 $0x1600, s0;
	s8 =	sshll.u32 s6, $0x9;
	s0 =	ssub.s32 s3, s28  }
0xd: {  	s11 =	sor.u32 $0x7C, s6;
	s31 =	sshrl.u32 s6, $0x3;
	s29 =	sadd.s32 s1, s8  }
0xe: {  	s30 =	sadd.s32 s5, s8;
	s10 =	sadd.s32 s7, s8;
	[dreg:$0x5] =	wrdreg s29  }
0xf: {  	s12 =	sadd.s32 s2, s31;
	s13 =	smax.u32 s0, $0x1;
	[dreg:$0x6] =	wrdreg s30  }
.LBB2_1:
0x10: {  	s0 =	rddreg [dreg:$0x1]  }
0x11: {  	[tilespmem:s4], [sflag:$0x3] =	stream.linear.gather [hbm4b:s0+s4], $0x1000, $0x38;
	[tilespmem:$0x19080] =	vst v63  }
0x12: {  	_ =	swait.ge [sflag:s14], $0x1000  }
0x13: {  	[sflag:s14] =	ssyncset.done $0x0  }
0x14: {  	s30 =	rddreg [dreg:$0x5];
	[sflag:s14] =	ssyncadd.s32 $0xFFFFF000  }
0x15: {  	[tilespmem:s17], [sflag:$0x1] =	stream.strided.gather [hbm4b:s30+s15], $0x4000, s16, s15, $0x38;
	[tilespmem:$0x19080] =	vst v63  }
0x16: {  	s31 =	rddreg [dreg:$0x6]  }
0x17: {  	[tilespmem:s18], [sflag:$0x1] =	stream.strided.gather [hbm4b:s31+s15], $0x4000, s16, s15, $0x38;
	[tilespmem:$0x19080] =	vst v63  }
0x18: {  	s28 =	simm.s32 $0x0  }
0x19: {  	[tilespmem:s19], [sflag:$0x1] =	stream.strided.gather [hbm4b:s10+s15], $0x4000, s16, s15, $0x38;
	[tilespmem:$0x19080] =	vst v63  }
.LBB2_2:
0x1a: {  	s29 =	sshll.u32 s28, $0x3  }
0x1b: {  	s30 =	sor.u32 s6, s29  }
0x1c: {  	s0 =	sshll.u32 s30, $0x9  }
0x1d: {  	s0 =	sor.u32 $0x40, s0  }
0x1e: {  	s2 =	sadd.s32 s1, s0  }
0x1f: {  	[tilespmem:s20], [sflag:$0x2] =	stream.strided.gather [hbm4b:s2+s15], $0x4000, s16, s15, $0x38;
	[tilespmem:$0x19080] =	vst v63  }
0x20: {  	s8 =	sadd.s32 s5, s0  }
0x21: {  	[tilespmem:s21], [sflag:$0x2] =	stream.strided.gather [hbm4b:s8+s15], $0x4000, s16, s15, $0x38;
	[tilespmem:$0x19080] =	vst v63  }
0x22: {  	s0 =	sadd.s32 s7, s0  }
0x23: {  	[tilespmem:s22], [sflag:$0x2] =	stream.strided.gather [hbm4b:s0+s15], $0x4000, s16, s15, $0x38;
	[tilespmem:$0x19080] =	vst v63  }
0x24: {  	_ =	swait.ge [sflag:s23], $0x4000  }
0x25: {  	v0 =	vmov s30;
	[sflag:s23] =	ssyncset.done $0x0  }
0x26: {  	v0 =	vand.u32 $0xFFFFFFF8, v0;
	[sflag:s23] =	ssyncadd.s32 $0xFFFFC000  }
0x27: {  	v0 =	vbroadcast v0, $0x0;
	_ =	swait.ge [sflag:s23], $0x4000  }
0x28: {  	[sflag:s23] =	ssyncset.done $0x0  }
0x29: {  	[sflag:s23] =	ssyncadd.s32 $0xFFFFC000  }
0x2a: {  	_ =	swait.ge [sflag:s23], $0x4000  }
0x2b: {  	[sflag:s23] =	ssyncset.done $0x0  }
0x2c: {  	[sflag:s23] =	ssyncadd.s32 $0xFFFFC000  }
0x2d: {  	s3 =	simm.s32 $0x1040;
	v1 =	vld.idx.msk [tilespmem:v0+s4+$0x0], $0xffff  }
0x2e: {  	s9 =	simm.s32 $0x11040;
	v4 =	vld [tilespmem:s3+$0x30]  }
0x2f: {  	s31 =	simm.s32 $0x9040;
	v6 =	vld [tilespmem:s9+$0xFFFFFFE0]  }
0x30: {  	v8 =	vld [tilespmem:s31+$0xFFFFFFD0]  }
0x31: {  	s0 =	simm.s32 $0x40;
	v9 =	vld [tilespmem:s9+$0xFFFFFFD0]  }
0x32: {  	v10 =	vld [tilespmem:s0+$0xFFFFFFC0]  }
0x33: {  	v11 =	vld [tilespmem:s3+$0xFFFFFFC0]  }
0x34: {  	v12 =	vld [tilespmem:s9+$0xFFFFFFC0]  }
0x35: {  	v13 =	vld [tilespmem:s31+$0xFFFFFFC0]  }
0x36: {  	v15 =	vld [tilespmem:s3+$0xFFFFFFD0]  }
0x37: {  	v14 =	vlaneseq.u32;
	v17 =	vld [tilespmem:s0+$0xFFFFFFD0]  }
0x38: {  	v16 =	vimm.f32 $-Inf;
	v3 =	vadd.s32 $0x40, v14;
	v20 =	vld [tilespmem:s3+$0xFFFFFFE0]  }
0x39: {  	v5 =	vadd.s32 $0x50, v14;
	v2 =	vadd.s32 $0x60, v14;
	v19 =	vadd.s32 $0x20, v14;
	v18 =	vld [tilespmem:s31+$0xFFFFFFE0]  }
0x3a: {  	v12 =	vsub.f32 v12, v11;
	vm0 =	veq.s32 v10, v1;
	v10 =	vadd.f32 v13, v11;
	v13 =	vld [tilespmem:s9+$0xFFFFFFF0]  }
0x3b: {  	v21 =	vadd.s32 $0x30, v14;
	v8 =	vadd.f32 v8, v15;
	v9 =	vsub.f32 v9, v15;
	v15 =	vld [tilespmem:s0+$0xFFFFFFE0]  }
0x3c: {  	v0 =	vadd.s32 $0x70, v14;
	v11 =	vadd.s32 $0x10, v14;
	vm1 =	veq.s32 v17, v1;
	v17 =	vld [tilespmem:s3+$0xFFFFFFF0]  }
0x3d: {  	v24 =	vld [tilespmem:s31+$0xFFFFFFF0];
	v6 =	vsub.f32 v6, v20;
	v12 =	vsel vm0, $0xFF800000, v12;
	v10 =	vnsel vm0, $0xFF800000, v10  }
0x3e: {  	v7 =	vld [tilespmem:s31+$0x0];
	v22 =	vnsel vm1, $0xFF800000, v8;
	v9 =	vsel vm1, $0xFF800000, v9;
	vm0 =	vgt.f32 v12, v16  }
0x3f: {  	v8 =	vld [tilespmem:s0+$0xFFFFFFF0];
	vm2 =	vgt.f32 v10, v16;
	v12 =	vsel vm0, v12, v16;
	v23 =	vsel vm0, v14, v14  }
0x40: {  	v25 =	vld [tilespmem:s0+$0x0];
	v10 =	vsel vm2, v10, v16;
	v16 =	vadd.f32 v18, v20;
	v20 =	vsel vm2, v14, v14  }
0x41: {  	v18 =	vld [tilespmem:s9+$0x0];
	vm0 =	vgt.f32 v9, v12;
	vm1 =	veq.s32 v15, v1;
	v13 =	vsub.f32 v13, v17  }
0x42: {  	v17 =	vadd.f32 v24, v17;
	v9 =	vsel vm0, v9, v12;
	v12 =	vld [tilespmem:s3+$0x0];
	v6 =	vsel vm1, $0xFF800000, v6  }
0x43: {  	v15 =	vsel vm0, v11, v23;
	v23 =	vld [tilespmem:s9+$0x30];
	v16 =	vnsel vm1, $0xFF800000, v16;
	vm0 =	vgt.f32 v6, v9  }
0x44: {  	v63 =	vld [tilespmem:s31+$0x10];
	vm1 =	veq.s32 v8, v1;
	v26 =	vsel vm0, v6, v9;
	v27 =	vsel vm0, v19, v15  }
0x45: {  	v8 =	vld [tilespmem:s9+$0x10];
	vm0 =	vgt.f32 v22, v10;
	v13 =	vsel vm1, $0xFF800000, v13;
	v6 =	vadd.s32 $0x80, v14  }
0x46: {  	v9 =	vld [tilespmem:s3+$0x10];
	v10 =	vsel vm0, v22, v10;
	vm2 =	vgt.f32 v13, v26;
	v11 =	vsel vm0, v11, v20  }
0x47: {  	v15 =	vld [tilespmem:s0+$0x10];
	vm0 =	vgt.f32 v16, v10;
	v22 =	vsel vm2, v13, v26;
	v14 =	vadd.f32 v7, v12  }
0x48: {  	v7 =	vsub.f32 v23, v4;
	v20 =	vsel vm0, v16, v10;
	v12 =	vsub.f32 v18, v12;
	v16 =	vld [tilespmem:s31+$0x20]  }
0x49: {  	v11 =	vsel vm0, v19, v11;
	v18 =	vnsel vm1, $0xFF800000, v17;
	vm0 =	veq.s32 v25, v1;
	v10 =	vld [tilespmem:s3+$0x20]  }
0x4a: {  	vm1 =	vgt.f32 v18, v20;
	v19 =	vnsel vm0, $0xFF800000, v14;
	v12 =	vsel vm0, $0xFF800000, v12;
	v14 =	vld [tilespmem:s9+$0x20]  }
0x4b: {  	s2 =	simm.s32 $0x11240;
	v17 =	vld [tilespmem:s0+$0x20];
	v13 =	vsel vm1, v21, v11;
	v11 =	vsel vm2, v21, v27;
	vm0 =	vgt.f32 v12, v22  }
0x4c: {  	s8 =	simm.s32 $0x1240;
	s3 =	simm.s32 $0x0;
	v21 =	vsel vm1, v18, v20;
	v20 =	vadd.f32 v63, v9;
	v18 =	vld [tilespmem:s31+$0x30];
	s9 =	simm.s32 $0x40;
	v12 =	vsel vm0, v12, v22  }
.LBB2_3:
0x4d: {  	v22 =	vld [tilespmem:s8+$0x30];
	s3 =	sadd.s32 $0x8, s3;
	vm1 =	vgt.f32 v19, v21;
	vm2 =	veq.s32 v15, v1;
	v8 =	vsub.f32 v8, v9;
	s0 =	sadd.s32 $0x80, s0;
	s31 =	sadd.s32 $0x200, s31  }
0x4e: {  	v11 =	vsel vm0, v3, v11;
	p0 =	slt.u32 s3, $0xF8;
	v9 =	vsel vm1, v19, v21;
	v15 =	vadd.f32 v16, v10;
	v16 =	vld [tilespmem:s9+$0x30];
	s9 =	smov.u32 s0  }
0x4f: {  	v20 =	vnsel vm2, $0xFF800000, v20;
	v19 =	vld [tilespmem:s31+$0x0];
	v8 =	vsel vm2, $0xFF800000, v8;
	v10 =	vsub.f32 v14, v10  }
0x50: {  	v3 =	vsel vm1, v3, v13;
	vm0 =	vgt.f32 v20, v9;
	v14 =	vld [tilespmem:s2+$0xFFFFFFE0];
	vm1 =	vgt.f32 v8, v12  }
0x51: {  	v9 =	vsel vm0, v20, v9;
	vm2 =	veq.s32 v17, v1;
	v13 =	vld [tilespmem:s31+$0xFFFFFFD0];
	v8 =	vsel vm1, v8, v12  }
0x52: {  	v17 =	vsel vm0, v5, v3;
	v15 =	vnsel vm2, $0xFF800000, v15;
	v18 =	vadd.f32 v18, v4;
	v12 =	vld [tilespmem:s2+$0xFFFFFFD0];
	v4 =	vmovc v22  }
0x53: {  	v3 =	vadd.s32 $0x40, v6;
	vm0 =	vgt.f32 v15, v9;
	v20 =	vld [tilespmem:s0+$0xFFFFFFC0];
	vm3 =	veq.s32 v16, v1  }
0x54: {  	v10 =	vsel vm2, $0xFF800000, v10;
	v9 =	vsel vm0, v15, v9;
	v16 =	vld [tilespmem:s8+$0xFFFFFFC0];
	v7 =	vsel vm3, $0xFF800000, v7  }
0x55: {  	v5 =	vsel vm1, v5, v11;
	vm1 =	vgt.f32 v10, v8;
	v11 =	vnsel vm3, $0xFF800000, v18;
	v15 =	vld [tilespmem:s2+$0xFFFFFFC0]  }
0x56: {  	v8 =	vsel vm1, v10, v8;
	v5 =	vsel vm1, v2, v5;
	vm1 =	vgt.f32 v11, v9;
	v18 =	vld [tilespmem:s31+$0xFFFFFFC0]  }
0x57: {  	v2 =	vsel vm0, v2, v17;
	vm0 =	vgt.f32 v7, v8;
	v9 =	vsel vm1, v11, v9;
	v10 =	vld [tilespmem:s8+$0xFFFFFFD0]  }
0x58: {  	v17 =	vsel vm1, v0, v2;
	v7 =	vsel vm0, v7, v8;
	v8 =	vsel vm0, v0, v5;
	v11 =	vld [tilespmem:s0+$0xFFFFFFD0]  }
0x59: {  	v5 =	vadd.s32 $0x50, v6;
	v2 =	vadd.s32 $0x60, v6;
	v0 =	vadd.s32 $0x70, v6;
	v21 =	vld [tilespmem:s31+$0xFFFFFFE0]  }
0x5a: {  	v24 =	vadd.s32 $0x30, v6;
	v22 =	vadd.s32 $0x20, v6;
	v15 =	vsub.f32 v15, v16;
	v23 =	vld [tilespmem:s8+$0xFFFFFFE0]  }
0x5b: {  	vm0 =	veq.s32 v20, v1;
	v16 =	vadd.f32 v18, v16;
	v18 =	vadd.s32 $0x10, v6;
	v20 =	vld [tilespmem:s2+$0xFFFFFFF0]  }
0x5c: {  	v15 =	vsel vm0, $0xFF800000, v15;
	v13 =	vadd.f32 v13, v10;
	v10 =	vsub.f32 v12, v10;
	v12 =	vld [tilespmem:s0+$0xFFFFFFE0]  }
0x5d: {  	v16 =	vnsel vm0, $0xFF800000, v16;
	vm0 =	vgt.f32 v15, v7;
	vm1 =	veq.s32 v11, v1;
	v11 =	vld [tilespmem:s8+$0xFFFFFFF0]  }
0x5e: {  	vm2 =	vgt.f32 v16, v9;
	v7 =	vsel vm0, v15, v7;
	v13 =	vnsel vm1, $0xFF800000, v13;
	v15 =	vld [tilespmem:s0+$0xFFFFFFF0]  }
0x5f: {  	v8 =	vsel vm0, v6, v8;
	v10 =	vsel vm1, $0xFF800000, v10;
	v14 =	vsub.f32 v14, v23;
	v25 =	vld [tilespmem:s31+$0xFFFFFFF0]  }
0x60: {  	v9 =	vsel vm2, v16, v9;
	vm0 =	vgt.f32 v10, v7;
	v16 =	vadd.f32 v21, v23;
	v21 =	vld [tilespmem:s2+$0x0]  }
0x61: {  	v17 =	vsel vm2, v6, v17;
	v7 =	vsel vm0, v10, v7;
	vm1 =	veq.s32 v12, v1;
	v10 =	vld [tilespmem:s8+$0x0]  }
0x62: {  	v8 =	vsel vm0, v18, v8;
	v12 =	vsel vm1, $0xFF800000, v14;
	v14 =	vsub.f32 v20, v11;
	v20 =	vld [tilespmem:s2+$0x30]  }
0x63: {  	v16 =	vnsel vm1, $0xFF800000, v16;
	vm0 =	vgt.f32 v12, v7;
	vm1 =	veq.s32 v15, v1;
	v23 =	vld [tilespmem:s0+$0x0]  }
0x64: {  	v12 =	vsel vm0, v12, v7;
	v26 =	vsel vm0, v22, v8;
	v11 =	vadd.f32 v25, v11;
	v25 =	vld [tilespmem:s31+$0x10]  }
0x65: {  	v6 =	vadd.s32 $0x80, v6;
	vm0 =	vgt.f32 v13, v9;
	v14 =	vsel vm1, $0xFF800000, v14;
	v8 =	vld [tilespmem:s2+$0x10]  }
0x66: {  	v13 =	vsel vm0, v13, v9;
	vm2 =	vgt.f32 v14, v12;
	v19 =	vadd.f32 v19, v10;
	v9 =	vld [tilespmem:s8+$0x10]  }
0x67: {  	v17 =	vsel vm0, v18, v17;
	vm0 =	vgt.f32 v16, v13;
	v15 =	vld [tilespmem:s0+$0x10];
	v7 =	vsub.f32 v20, v4  }
.Ltmp0:
0x68: {  	v18 =	vsel vm0, v16, v13;
	v13 =	vsel vm0, v22, v17;
	v17 =	vsub.f32 v21, v10;
	v16 =	vld [tilespmem:s31+$0x20];
	(pc) =	sbr.rel @p0 .LBB2_3-.Ltmp0, $4  }
0x69: {  	v12 =	vsel vm2, v14, v12;
	v20 =	vnsel vm1, $0xFF800000, v11;
	vm0 =	veq.s32 v23, v1;
	v10 =	vld [tilespmem:s8+$0x20]  }
0x6a: {  	vm1 =	vgt.f32 v20, v18;
	v19 =	vnsel vm0, $0xFF800000, v19;
	v22 =	vsel vm0, $0xFF800000, v17;
	v14 =	vld [tilespmem:s2+$0x20]  }
0x6b: {  	v11 =	vsel vm2, v24, v26;
	v13 =	vsel vm1, v24, v13;
	vm0 =	vgt.f32 v22, v12;
	v17 =	vld [tilespmem:s0+$0x20]  }
0x6c: {  	v21 =	vsel vm1, v20, v18;
	s8 =	sadd.s32 $0x200, s8;
	s2 =	sadd.s32 $0x200, s2;
	v12 =	vsel vm0, v22, v12;
	v20 =	vadd.f32 v25, v9;
	v18 =	vld [tilespmem:s31+$0x30]  }
0x6d: {  	v6 =	vld [tilespmem:s9+$0x30]  }
0x6e: {  	vm1 =	vgt.f32 v19, v21;
	vm2 =	veq.s32 v15, v1  }
0x6f: {  	v15 =	vsel vm1, v19, v21;
	v16 =	vadd.f32 v16, v10;
	v19 =	vnsel vm2, $0xFF800000, v20  }
0x70: {  	vm3 =	vgt.f32 v19, v15;
	vm4 =	veq.s32 v17, v1  }
0x71: {  	v15 =	vsel vm3, v19, v15;
	v16 =	vnsel vm4, $0xFF800000, v16;
	v4 =	vadd.f32 v18, v4  }
0x72: {  	vm5 =	vgt.f32 v16, v15;
	vm6 =	veq.s32 v6, v1  }
0x73: {  	v1 =	vsel vm5, v16, v15;
	v4 =	vnsel vm6, $0xFF800000, v4  }
0x74: {  	vm7 =	vgt.f32 v4, v1  }
0x75: {  	v1 =	vsel vm7, v4, v1  }
0x76: {  	(xrf0) =	vmax.scan.msk.f32 $0xffff, v1;
	_ =	sdelay $0x2  }
0x77: {  	v4 =	vsub.f32 v8, v9  }
0x78: {  	v6 =	vsub.f32 v14, v10  }
0x79: {  	v8 =	vsel vm1, v3, v13;
	v4 =	vsel vm2, $0xFF800000, v4  }
0x7a: {  	v6 =	vsel vm4, $0xFF800000, v6;
	v8 =	vsel vm3, v5, v8;
	vm1 =	vgt.f32 v4, v12;
	v9, _, _ =	vpop (xrf0)  }
0x7b: {  	v8 =	vsel vm5, v2, v8;
	v4 =	vsel vm1, v4, v12;
	v9 =	vbroadcast v9, $0xF  }
0x7c: {  	v7 =	vsel vm6, $0xFF800000, v7;
	v8 =	vsel vm7, v0, v8;
	vm2 =	vgt.f32 v6, v4  }
0x7d: {  	v4 =	vsel vm2, v6, v4;
	vm3 =	veq.f32 v1, v9;
	v1 =	vxor.u32 $0x80000000, v8  }
0x7e: {  	v1 =	vnsel vm3, $0xC0000000, v1;
	vm3 =	vgt.f32 v7, v4  }
0x7f: {  	v4 =	vsel vm3, v7, v4;
	(xrf0) =	vmin.scan.msk.u32 $0xffff, v1  }
0x80: {  	(xrf0) =	vmax.scan.msk.f32 $0xffff, v4;
	_ =	sdelay $0x4  }
0x81: {  	v3 =	vsel vm0, v3, v11;
	v1, _, _ =	vpop (xrf0)  }
0x82: {  	v3 =	vsel vm1, v5, v3;
	v5, _, _ =	vpop (xrf0)  }
0x83: {  	v2 =	vsel vm2, v2, v3;
	v3 =	vbroadcast v5, $0xF  }
0x84: {  	v0 =	vsel vm3, v0, v2  }
0x85: {  	v0 =	vxor.u32 $0x80000000, v0;
	vm0 =	veq.f32 v4, v3  }
0x86: {  	v0 =	vnsel vm0, $0xC0000000, v0  }
0x87: {  	(xrf0) =	vmin.scan.msk.u32 $0xffff, v0;
	_ =	sdelay $0x5  }
0x88: {  	v1 =	vbroadcast v1, $0xF;
	v0, _, _ =	vpop (xrf0)  }
0x89: {  	v0 =	vbroadcast v0, $0xF  }
0x8a: {  	v2 =	vshll.u32 v1, $0x2  }
0x8b: {  	v1 =	vand.u32 $0x7F, v1;
	v2 =	vand.u32 $0xFFFFFE00, v2;
	v3 =	vshll.u32 v0, $0x2  }
0x8c: {  	v1 =	vor.u32 v1, v2;
	v0 =	vand.u32 $0x7F, v0;
	v2 =	vand.u32 $0xFFFFFE00, v3  }
0x8d: {  	v0 =	vor.u32 v0, v2;
	_ =	sdelay $0x3  }
0x8e: {  	v1 =	vld.idx.msk [tilespmem:v1+s17+$0x0], $0xffff  }
0x8f: {  	v0 =	vld.idx.msk [tilespmem:v0+s17+$0x0], $0xffff;
	_ =	sdelay $0x1  }
0x90: {  	s0 =	sor.u32 $0x1, s30;
	v2 =	vmov s29  }
0x91: {  	v3 =	vmov s0;
	v2 =	vand.u32 $0xFFFFFFF8, v2  }
0x92: {  	v3 =	vand.u32 $0xFFFFFFF9, v3;
	v2 =	vbroadcast v2, $0x0  }
0x93: {  	v0 =	vsub.f32 v1, v0;
	v1 =	vbroadcast v3, $0x0;
	_ =	sdelay $0x1  }
0x94: {  	v0 =	vadd.f32 $2.000000030e-01, v0;
	_ =	sdelay $0x1  }
0x95: {  	v0 =	vmax.f32 v0, $0.0e+00  }
0x96: {  	[tilespmem:v2+s24+$0x0] =	vst.idx.msk $0x1, v0  }
0x97: {  	s2 =	simm.s32 $0x10F0;
	v1 =	vld.idx.msk [tilespmem:v1+s4+$0x0], $0xffff  }
0x98: {  	s0 =	simm.s32 $0x110F0;
	v4 =	vld [tilespmem:s2+$0x0]  }
0x99: {  	s31 =	simm.s32 $0x90F0;
	v6 =	vld [tilespmem:s0+$0xFFFFFFB0]  }
0x9a: {  	v8 =	vld [tilespmem:s31+$0xFFFFFFA0]  }
0x9b: {  	s3 =	simm.s32 $0x40;
	v9 =	vld [tilespmem:s0+$0xFFFFFFA0]  }
0x9c: {  	v10 =	vld [tilespmem:s3+$0xFFFFFFC0]  }
0x9d: {  	v11 =	vld [tilespmem:s2+$0xFFFFFF90]  }
0x9e: {  	v12 =	vld [tilespmem:s0+$0xFFFFFF90]  }
0x9f: {  	v13 =	vld [tilespmem:s31+$0xFFFFFF90]  }
0xa0: {  	v15 =	vld [tilespmem:s2+$0xFFFFFFA0]  }
0xa1: {  	v14 =	vlaneseq.u32;
	v17 =	vld [tilespmem:s3+$0xFFFFFFD0]  }
0xa2: {  	v16 =	vimm.f32 $-Inf;
	v19 =	vadd.s32 $0x20, v14;
	v20 =	vld [tilespmem:s2+$0xFFFFFFB0]  }
0xa3: {  	v21 =	vadd.s32 $0x30, v14;
	v5 =	vadd.s32 $0x50, v14;
	v3 =	vadd.s32 $0x40, v14;
	v18 =	vld [tilespmem:s31+$0xFFFFFFB0]  }
0xa4: {  	v12 =	vsub.f32 v12, v11;
	vm0 =	veq.s32 v10, v1;
	v10 =	vadd.f32 v13, v11;
	v13 =	vld [tilespmem:s0+$0xFFFFFFC0]  }
0xa5: {  	v2 =	vadd.s32 $0x60, v14;
	v8 =	vadd.f32 v8, v15;
	v9 =	vsub.f32 v9, v15;
	v15 =	vld [tilespmem:s3+$0xFFFFFFE0]  }
0xa6: {  	v0 =	vadd.s32 $0x70, v14;
	v11 =	vadd.s32 $0x10, v14;
	vm1 =	veq.s32 v17, v1;
	v17 =	vld [tilespmem:s2+$0xFFFFFFC0]  }
0xa7: {  	v24 =	vld [tilespmem:s31+$0xFFFFFFC0];
	v6 =	vsub.f32 v6, v20;
	v12 =	vsel vm0, $0xFF800000, v12;
	v10 =	vnsel vm0, $0xFF800000, v10  }
0xa8: {  	v7 =	vld [tilespmem:s31+$0xFFFFFFD0];
	v22 =	vnsel vm1, $0xFF800000, v8;
	v9 =	vsel vm1, $0xFF800000, v9;
	vm0 =	vgt.f32 v12, v16  }
0xa9: {  	v8 =	vld [tilespmem:s3+$0xFFFFFFF0];
	vm2 =	vgt.f32 v10, v16;
	v12 =	vsel vm0, v12, v16;
	v23 =	vsel vm0, v14, v14  }
0xaa: {  	v25 =	vld [tilespmem:s3+$0x0];
	v10 =	vsel vm2, v10, v16;
	v16 =	vadd.f32 v18, v20;
	v20 =	vsel vm2, v14, v14  }
0xab: {  	v18 =	vld [tilespmem:s0+$0xFFFFFFD0];
	vm0 =	vgt.f32 v9, v12;
	vm1 =	veq.s32 v15, v1;
	v13 =	vsub.f32 v13, v17  }
0xac: {  	v17 =	vadd.f32 v24, v17;
	v9 =	vsel vm0, v9, v12;
	v12 =	vld [tilespmem:s2+$0xFFFFFFD0];
	v6 =	vsel vm1, $0xFF800000, v6  }
0xad: {  	v15 =	vsel vm0, v11, v23;
	v23 =	vld [tilespmem:s0+$0x0];
	v16 =	vnsel vm1, $0xFF800000, v16;
	vm0 =	vgt.f32 v6, v9  }
0xae: {  	v63 =	vld [tilespmem:s31+$0xFFFFFFE0];
	vm1 =	veq.s32 v8, v1;
	v26 =	vsel vm0, v6, v9;
	v27 =	vsel vm0, v19, v15  }
0xaf: {  	v8 =	vld [tilespmem:s0+$0xFFFFFFE0];
	vm0 =	vgt.f32 v22, v10;
	v13 =	vsel vm1, $0xFF800000, v13;
	v6 =	vadd.s32 $0x80, v14  }
0xb0: {  	v9 =	vld [tilespmem:s2+$0xFFFFFFE0];
	v10 =	vsel vm0, v22, v10;
	vm2 =	vgt.f32 v13, v26;
	v11 =	vsel vm0, v11, v20  }
0xb1: {  	v15 =	vld [tilespmem:s3+$0x10];
	vm0 =	vgt.f32 v16, v10;
	v13 =	vsel vm2, v13, v26;
	v14 =	vadd.f32 v7, v12  }
0xb2: {  	v7 =	vsub.f32 v23, v4;
	v20 =	vsel vm0, v16, v10;
	v12 =	vsub.f32 v18, v12;
	v16 =	vld [tilespmem:s31+$0xFFFFFFF0]  }
0xb3: {  	v10 =	vsel vm0, v19, v11;
	v18 =	vnsel vm1, $0xFF800000, v17;
	vm0 =	veq.s32 v25, v1;
	v11 =	vld [tilespmem:s2+$0xFFFFFFF0]  }
0xb4: {  	vm1 =	vgt.f32 v18, v20;
	v19 =	vnsel vm0, $0xFF800000, v14;
	v22 =	vsel vm0, $0xFF800000, v12;
	v14 =	vld [tilespmem:s0+$0xFFFFFFF0]  }
0xb5: {  	v17 =	vld [tilespmem:s3+$0x20];
	v12 =	vsel vm1, v21, v10;
	v10 =	vsel vm2, v21, v27;
	vm0 =	vgt.f32 v22, v13  }
0xb6: {  	s8 =	simm.s32 $0x12F0;
	s9 =	simm.s32 $0xC0;
	s2 =	simm.s32 $0x0;
	v21 =	vsel vm1, v18, v20;
	v20 =	vadd.f32 v63, v9;
	v18 =	vld [tilespmem:s31+$0x0];
	v13 =	vsel vm0, v22, v13  }
.LBB2_5:
0xb7: {  	v22 =	vld [tilespmem:s8+$0x0];
	s2 =	sadd.s32 $0x8, s2;
	vm1 =	vgt.f32 v19, v21;
	vm2 =	veq.s32 v15, v1;
	v8 =	vsub.f32 v8, v9;
	s0 =	sadd.s32 $0x200, s0;
	s31 =	sadd.s32 $0x200, s31  }
0xb8: {  	v10 =	vsel vm0, v3, v10;
	p0 =	slt.u32 s2, $0xF8;
	v9 =	vsel vm1, v19, v21;
	v15 =	vadd.f32 v16, v11;
	v16 =	vld [tilespmem:s3+$0x30];
	s3 =	smov.u32 s9  }
0xb9: {  	v20 =	vnsel vm2, $0xFF800000, v20;
	v19 =	vld [tilespmem:s31+$0xFFFFFFD0];
	v8 =	vsel vm2, $0xFF800000, v8;
	v11 =	vsub.f32 v14, v11  }
0xba: {  	v3 =	vsel vm1, v3, v12;
	vm0 =	vgt.f32 v20, v9;
	v14 =	vld [tilespmem:s0+$0xFFFFFFB0];
	vm1 =	vgt.f32 v8, v13  }
0xbb: {  	v9 =	vsel vm0, v20, v9;
	vm2 =	veq.s32 v17, v1;
	v12 =	vld [tilespmem:s31+$0xFFFFFFA0];
	v8 =	vsel vm1, v8, v13  }
0xbc: {  	v17 =	vsel vm0, v5, v3;
	v15 =	vnsel vm2, $0xFF800000, v15;
	v18 =	vadd.f32 v18, v4;
	v13 =	vld [tilespmem:s0+$0xFFFFFFA0];
	v4 =	vmovc v22  }
0xbd: {  	v3 =	vadd.s32 $0x40, v6;
	vm0 =	vgt.f32 v15, v9;
	v20 =	vld [tilespmem:s9+$0xFFFFFFC0];
	vm3 =	veq.s32 v16, v1  }
0xbe: {  	v11 =	vsel vm2, $0xFF800000, v11;
	v9 =	vsel vm0, v15, v9;
	v16 =	vld [tilespmem:s8+$0xFFFFFF90];
	v7 =	vsel vm3, $0xFF800000, v7  }
0xbf: {  	v5 =	vsel vm1, v5, v10;
	vm1 =	vgt.f32 v11, v8;
	v10 =	vnsel vm3, $0xFF800000, v18;
	v15 =	vld [tilespmem:s0+$0xFFFFFF90]  }
0xc0: {  	v8 =	vsel vm1, v11, v8;
	v5 =	vsel vm1, v2, v5;
	vm1 =	vgt.f32 v10, v9;
	v18 =	vld [tilespmem:s31+$0xFFFFFF90]  }
0xc1: {  	v2 =	vsel vm0, v2, v17;
	vm0 =	vgt.f32 v7, v8;
	v9 =	vsel vm1, v10, v9;
	v11 =	vld [tilespmem:s8+$0xFFFFFFA0]  }
0xc2: {  	v17 =	vsel vm1, v0, v2;
	v7 =	vsel vm0, v7, v8;
	v8 =	vsel vm0, v0, v5;
	v10 =	vld [tilespmem:s9+$0xFFFFFFD0]  }
0xc3: {  	v5 =	vadd.s32 $0x50, v6;
	v2 =	vadd.s32 $0x60, v6;
	v0 =	vadd.s32 $0x70, v6;
	v21 =	vld [tilespmem:s31+$0xFFFFFFB0]  }
0xc4: {  	v24 =	vadd.s32 $0x30, v6;
	v22 =	vadd.s32 $0x20, v6;
	v15 =	vsub.f32 v15, v16;
	v23 =	vld [tilespmem:s8+$0xFFFFFFB0]  }
0xc5: {  	vm0 =	veq.s32 v20, v1;
	v16 =	vadd.f32 v18, v16;
	v18 =	vadd.s32 $0x10, v6;
	v20 =	vld [tilespmem:s0+$0xFFFFFFC0]  }
0xc6: {  	v15 =	vsel vm0, $0xFF800000, v15;
	v12 =	vadd.f32 v12, v11;
	v11 =	vsub.f32 v13, v11;
	v13 =	vld [tilespmem:s9+$0xFFFFFFE0]  }
0xc7: {  	v16 =	vnsel vm0, $0xFF800000, v16;
	vm0 =	vgt.f32 v15, v7;
	vm1 =	veq.s32 v10, v1;
	v10 =	vld [tilespmem:s8+$0xFFFFFFC0]  }
0xc8: {  	vm2 =	vgt.f32 v16, v9;
	v7 =	vsel vm0, v15, v7;
	v12 =	vnsel vm1, $0xFF800000, v12;
	v15 =	vld [tilespmem:s9+$0xFFFFFFF0]  }
0xc9: {  	v8 =	vsel vm0, v6, v8;
	v11 =	vsel vm1, $0xFF800000, v11;
	v14 =	vsub.f32 v14, v23;
	v25 =	vld [tilespmem:s31+$0xFFFFFFC0]  }
0xca: {  	v9 =	vsel vm2, v16, v9;
	vm0 =	vgt.f32 v11, v7;
	v16 =	vadd.f32 v21, v23;
	v21 =	vld [tilespmem:s0+$0xFFFFFFD0]  }
0xcb: {  	v17 =	vsel vm2, v6, v17;
	v7 =	vsel vm0, v11, v7;
	vm1 =	veq.s32 v13, v1;
	v11 =	vld [tilespmem:s8+$0xFFFFFFD0]  }
0xcc: {  	v8 =	vsel vm0, v18, v8;
	v13 =	vsel vm1, $0xFF800000, v14;
	v14 =	vsub.f32 v20, v10;
	v20 =	vld [tilespmem:s0+$0x0]  }
0xcd: {  	v16 =	vnsel vm1, $0xFF800000, v16;
	vm0 =	vgt.f32 v13, v7;
	vm1 =	veq.s32 v15, v1;
	v23 =	vld [tilespmem:s9+$0x0]  }
0xce: {  	v13 =	vsel vm0, v13, v7;
	v26 =	vsel vm0, v22, v8;
	v10 =	vadd.f32 v25, v10;
	v25 =	vld [tilespmem:s31+$0xFFFFFFE0]  }
0xcf: {  	v6 =	vadd.s32 $0x80, v6;
	vm0 =	vgt.f32 v12, v9;
	v14 =	vsel vm1, $0xFF800000, v14;
	v8 =	vld [tilespmem:s0+$0xFFFFFFE0]  }
0xd0: {  	v12 =	vsel vm0, v12, v9;
	vm2 =	vgt.f32 v14, v13;
	v19 =	vadd.f32 v19, v11;
	v9 =	vld [tilespmem:s8+$0xFFFFFFE0]  }
0xd1: {  	v17 =	vsel vm0, v18, v17;
	vm0 =	vgt.f32 v16, v12;
	v15 =	vld [tilespmem:s9+$0x10];
	v7 =	vsub.f32 v20, v4  }
.Ltmp1:
0xd2: {  	v18 =	vsel vm0, v16, v12;
	v12 =	vsel vm0, v22, v17;
	v17 =	vsub.f32 v21, v11;
	v16 =	vld [tilespmem:s31+$0xFFFFFFF0];
	(pc) =	sbr.rel @p0 .LBB2_5-.Ltmp1, $4  }
0xd3: {  	v13 =	vsel vm2, v14, v13;
	v20 =	vnsel vm1, $0xFF800000, v10;
	vm0 =	veq.s32 v23, v1;
	v11 =	vld [tilespmem:s8+$0xFFFFFFF0]  }
0xd4: {  	vm1 =	vgt.f32 v20, v18;
	v19 =	vnsel vm0, $0xFF800000, v19;
	v22 =	vsel vm0, $0xFF800000, v17;
	v14 =	vld [tilespmem:s0+$0xFFFFFFF0]  }
0xd5: {  	v10 =	vsel vm2, v24, v26;
	v12 =	vsel vm1, v24, v12;
	vm0 =	vgt.f32 v22, v13;
	v17 =	vld [tilespmem:s9+$0x20]  }
0xd6: {  	v21 =	vsel vm1, v20, v18;
	s8 =	sadd.s32 $0x200, s8;
	v13 =	vsel vm0, v22, v13;
	v20 =	vadd.f32 v25, v9;
	s9 =	sadd.s32 $0x80, s9;
	v18 =	vld [tilespmem:s31+$0x0]  }
0xd7: {  	v6 =	vld [tilespmem:s3+$0x30]  }
0xd8: {  	vm1 =	vgt.f32 v19, v21;
	vm2 =	veq.s32 v15, v1  }
0xd9: {  	v15 =	vsel vm1, v19, v21;
	v16 =	vadd.f32 v16, v11;
	v19 =	vnsel vm2, $0xFF800000, v20  }
0xda: {  	vm3 =	vgt.f32 v19, v15;
	vm4 =	veq.s32 v17, v1  }
0xdb: {  	v15 =	vsel vm3, v19, v15;
	v16 =	vnsel vm4, $0xFF800000, v16;
	v4 =	vadd.f32 v18, v4  }
0xdc: {  	vm5 =	vgt.f32 v16, v15;
	vm6 =	veq.s32 v6, v1  }
0xdd: {  	v1 =	vsel vm5, v16, v15;
	v4 =	vnsel vm6, $0xFF800000, v4  }
0xde: {  	vm7 =	vgt.f32 v4, v1  }
0xdf: {  	v1 =	vsel vm7, v4, v1  }
0xe0: {  	(xrf0) =	vmax.scan.msk.f32 $0xffff, v1;
	_ =	sdelay $0x2  }
0xe1: {  	v4 =	vsub.f32 v8, v9  }
0xe2: {  	v6 =	vsub.f32 v14, v11  }
0xe3: {  	v8 =	vsel vm1, v3, v12;
	v4 =	vsel vm2, $0xFF800000, v4  }
0xe4: {  	v6 =	vsel vm4, $0xFF800000, v6;
	v8 =	vsel vm3, v5, v8;
	vm1 =	vgt.f32 v4, v13;
	v9, _, _ =	vpop (xrf0)  }
0xe5: {  	v8 =	vsel vm5, v2, v8;
	v4 =	vsel vm1, v4, v13;
	v9 =	vbroadcast v9, $0xF  }
0xe6: {  	v7 =	vsel vm6, $0xFF800000, v7;
	v8 =	vsel vm7, v0, v8;
	vm2 =	vgt.f32 v6, v4  }
0xe7: {  	v4 =	vsel vm2, v6, v4;
	vm3 =	veq.f32 v1, v9;
	v1 =	vxor.u32 $0x80000000, v8  }
0xe8: {  	v1 =	vnsel vm3, $0xC0000000, v1;
	vm3 =	vgt.f32 v7, v4  }
0xe9: {  	v4 =	vsel vm3, v7, v4;
	(xrf0) =	vmin.scan.msk.u32 $0xffff, v1  }
0xea: {  	(xrf0) =	vmax.scan.msk.f32 $0xffff, v4;
	_ =	sdelay $0x4  }
0xeb: {  	v3 =	vsel vm0, v3, v10;
	v1, _, _ =	vpop (xrf0)  }
0xec: {  	v3 =	vsel vm1, v5, v3;
	v5, _, _ =	vpop (xrf0)  }
0xed: {  	v2 =	vsel vm2, v2, v3;
	v3 =	vbroadcast v5, $0xF  }
0xee: {  	v0 =	vsel vm3, v0, v2  }
0xef: {  	v0 =	vxor.u32 $0x80000000, v0;
	vm0 =	veq.f32 v4, v3  }
0xf0: {  	v0 =	vnsel vm0, $0xC0000000, v0  }
0xf1: {  	(xrf0) =	vmin.scan.msk.u32 $0xffff, v0;
	_ =	sdelay $0x5  }
0xf2: {  	v1 =	vbroadcast v1, $0xF;
	v0, _, _ =	vpop (xrf0)  }
0xf3: {  	v0 =	vbroadcast v0, $0xF  }
0xf4: {  	v2 =	vshll.u32 v1, $0x2  }
0xf5: {  	v1 =	vand.u32 $0x7F, v1;
	v2 =	vand.u32 $0xFFFFFE00, v2;
	v3 =	vshll.u32 v0, $0x2  }
0xf6: {  	v1 =	vor.u32 v2, v1;
	v0 =	vand.u32 $0x7F, v0;
	v2 =	vand.u32 $0xFFFFFE00, v3  }
0xf7: {  	v1 =	vor.u32 $0x80, v1;
	v0 =	vor.u32 v2, v0  }
0xf8: {  	v0 =	vor.u32 $0x80, v0;
	_ =	sdelay $0x3  }
0xf9: {  	v1 =	vld.idx.msk [tilespmem:v1+s17+$0x0], $0xffff  }
0xfa: {  	v0 =	vld.idx.msk [tilespmem:v0+s17+$0x0], $0xffff  }
0xfb: {  	s0 =	sor.u32 $0x1, s29  }
0xfc: {  	s9 =	sor.u32 $0x2, s30;
	v2 =	vmov s0  }
0xfd: {  	v3 =	vmov s9;
	v2 =	vand.u32 $0xFFFFFFF9, v2  }
0xfe: {  	v3 =	vand.u32 $0xFFFFFFFA, v3;
	v2 =	vbroadcast v2, $0x0  }
0xff: {  	v0 =	vsub.f32 v1, v0;
	v1 =	vbroadcast v3, $0x0;
	_ =	sdelay $0x1  }
0x100: {  	v0 =	vadd.f32 $2.000000030e-01, v0;
	_ =	sdelay $0x1  }
0x101: {  	v0 =	vmax.f32 v0, $0.0e+00  }
0x102: {  	[tilespmem:v2+s24+$0x0] =	vst.idx.msk $0x1, v0  }
0x103: {  	s2 =	simm.s32 $0x1170;
	v1 =	vld.idx.msk [tilespmem:v1+s4+$0x0], $0xffff  }
0x104: {  	s0 =	simm.s32 $0x11170;
	v4 =	vld [tilespmem:s2+$0x0]  }
0x105: {  	s31 =	simm.s32 $0x9170;
	v6 =	vld [tilespmem:s0+$0xFFFFFFB0]  }
0x106: {  	v8 =	vld [tilespmem:s31+$0xFFFFFFA0]  }
0x107: {  	s3 =	simm.s32 $0x40;
	v9 =	vld [tilespmem:s0+$0xFFFFFFA0]  }
0x108: {  	v10 =	vld [tilespmem:s3+$0xFFFFFFC0]  }
0x109: {  	v11 =	vld [tilespmem:s2+$0xFFFFFF90]  }
0x10a: {  	v12 =	vld [tilespmem:s0+$0xFFFFFF90]  }
0x10b: {  	v13 =	vld [tilespmem:s31+$0xFFFFFF90]  }
0x10c: {  	v15 =	vld [tilespmem:s2+$0xFFFFFFA0]  }
0x10d: {  	v14 =	vlaneseq.u32;
	v17 =	vld [tilespmem:s3+$0xFFFFFFD0]  }
0x10e: {  	v16 =	vimm.f32 $-Inf;
	v19 =	vadd.s32 $0x20, v14;
	v20 =	vld [tilespmem:s2+$0xFFFFFFB0]  }
0x10f: {  	v21 =	vadd.s32 $0x30, v14;
	v5 =	vadd.s32 $0x50, v14;
	v3 =	vadd.s32 $0x40, v14;
	v18 =	vld [tilespmem:s31+$0xFFFFFFB0]  }
0x110: {  	v12 =	vsub.f32 v12, v11;
	vm0 =	veq.s32 v10, v1;
	v10 =	vadd.f32 v13, v11;
	v13 =	vld [tilespmem:s0+$0xFFFFFFC0]  }
0x111: {  	v2 =	vadd.s32 $0x60, v14;
	v8 =	vadd.f32 v8, v15;
	v9 =	vsub.f32 v9, v15;
	v15 =	vld [tilespmem:s3+$0xFFFFFFE0]  }
0x112: {  	v0 =	vadd.s32 $0x70, v14;
	v11 =	vadd.s32 $0x10, v14;
	vm1 =	veq.s32 v17, v1;
	v17 =	vld [tilespmem:s2+$0xFFFFFFC0]  }
0x113: {  	v24 =	vld [tilespmem:s31+$0xFFFFFFC0];
	v6 =	vsub.f32 v6, v20;
	v12 =	vsel vm0, $0xFF800000, v12;
	v10 =	vnsel vm0, $0xFF800000, v10  }
0x114: {  	v7 =	vld [tilespmem:s31+$0xFFFFFFD0];
	v22 =	vnsel vm1, $0xFF800000, v8;
	v9 =	vsel vm1, $0xFF800000, v9;
	vm0 =	vgt.f32 v12, v16  }
0x115: {  	v8 =	vld [tilespmem:s3+$0xFFFFFFF0];
	vm2 =	vgt.f32 v10, v16;
	v12 =	vsel vm0, v12, v16;
	v23 =	vsel vm0, v14, v14  }
0x116: {  	v25 =	vld [tilespmem:s3+$0x0];
	v10 =	vsel vm2, v10, v16;
	v16 =	vadd.f32 v18, v20;
	v20 =	vsel vm2, v14, v14  }
0x117: {  	v18 =	vld [tilespmem:s0+$0xFFFFFFD0];
	vm0 =	vgt.f32 v9, v12;
	vm1 =	veq.s32 v15, v1;
	v13 =	vsub.f32 v13, v17  }
0x118: {  	v17 =	vadd.f32 v24, v17;
	v9 =	vsel vm0, v9, v12;
	v12 =	vld [tilespmem:s2+$0xFFFFFFD0];
	v6 =	vsel vm1, $0xFF800000, v6  }
0x119: {  	v15 =	vsel vm0, v11, v23;
	v23 =	vld [tilespmem:s0+$0x0];
	v16 =	vnsel vm1, $0xFF800000, v16;
	vm0 =	vgt.f32 v6, v9  }
0x11a: {  	v63 =	vld [tilespmem:s31+$0xFFFFFFE0];
	vm1 =	veq.s32 v8, v1;
	v26 =	vsel vm0, v6, v9;
	v27 =	vsel vm0, v19, v15  }
0x11b: {  	v8 =	vld [tilespmem:s0+$0xFFFFFFE0];
	vm0 =	vgt.f32 v22, v10;
	v13 =	vsel vm1, $0xFF800000, v13;
	v6 =	vadd.s32 $0x80, v14  }
0x11c: {  	v9 =	vld [tilespmem:s2+$0xFFFFFFE0];
	v10 =	vsel vm0, v22, v10;
	vm2 =	vgt.f32 v13, v26;
	v11 =	vsel vm0, v11, v20  }
0x11d: {  	v15 =	vld [tilespmem:s3+$0x10];
	vm0 =	vgt.f32 v16, v10;
	v13 =	vsel vm2, v13, v26;
	v14 =	vadd.f32 v7, v12  }
0x11e: {  	v7 =	vsub.f32 v23, v4;
	v20 =	vsel vm0, v16, v10;
	v12 =	vsub.f32 v18, v12;
	v16 =	vld [tilespmem:s31+$0xFFFFFFF0]  }
0x11f: {  	v10 =	vsel vm0, v19, v11;
	v18 =	vnsel vm1, $0xFF800000, v17;
	vm0 =	veq.s32 v25, v1;
	v11 =	vld [tilespmem:s2+$0xFFFFFFF0]  }
0x120: {  	vm1 =	vgt.f32 v18, v20;
	v19 =	vnsel vm0, $0xFF800000, v14;
	v22 =	vsel vm0, $0xFF800000, v12;
	v14 =	vld [tilespmem:s0+$0xFFFFFFF0]  }
0x121: {  	v17 =	vld [tilespmem:s3+$0x20];
	v12 =	vsel vm1, v21, v10;
	v10 =	vsel vm2, v21, v27;
	vm0 =	vgt.f32 v22, v13  }
0x122: {  	s8 =	simm.s32 $0x1370;
	s9 =	simm.s32 $0xC0;
	s2 =	simm.s32 $0x0;
	v21 =	vsel vm1, v18, v20;
	v20 =	vadd.f32 v63, v9;
	v18 =	vld [tilespmem:s31+$0x0];
	v13 =	vsel vm0, v22, v13  }
.LBB2_7:
0x123: {  	v22 =	vld [tilespmem:s8+$0x0];
	s2 =	sadd.s32 $0x8, s2;
	vm1 =	vgt.f32 v19, v21;
	vm2 =	veq.s32 v15, v1;
	v8 =	vsub.f32 v8, v9;
	s0 =	sadd.s32 $0x200, s0;
	s31 =	sadd.s32 $0x200, s31  }
0x124: {  	v10 =	vsel vm0, v3, v10;
	p0 =	slt.u32 s2, $0xF8;
	v9 =	vsel vm1, v19, v21;
	v15 =	vadd.f32 v16, v11;
	v16 =	vld [tilespmem:s3+$0x30];
	s3 =	smov.u32 s9  }
0x125: {  	v20 =	vnsel vm2, $0xFF800000, v20;
	v19 =	vld [tilespmem:s31+$0xFFFFFFD0];
	v8 =	vsel vm2, $0xFF800000, v8;
	v11 =	vsub.f32 v14, v11  }
0x126: {  	v3 =	vsel vm1, v3, v12;
	vm0 =	vgt.f32 v20, v9;
	v14 =	vld [tilespmem:s0+$0xFFFFFFB0];
	vm1 =	vgt.f32 v8, v13  }
0x127: {  	v9 =	vsel vm0, v20, v9;
	vm2 =	veq.s32 v17, v1;
	v12 =	vld [tilespmem:s31+$0xFFFFFFA0];
	v8 =	vsel vm1, v8, v13  }
0x128: {  	v17 =	vsel vm0, v5, v3;
	v15 =	vnsel vm2, $0xFF800000, v15;
	v18 =	vadd.f32 v18, v4;
	v13 =	vld [tilespmem:s0+$0xFFFFFFA0];
	v4 =	vmovc v22  }
0x129: {  	v3 =	vadd.s32 $0x40, v6;
	vm0 =	vgt.f32 v15, v9;
	v20 =	vld [tilespmem:s9+$0xFFFFFFC0];
	vm3 =	veq.s32 v16, v1  }
0x12a: {  	v11 =	vsel vm2, $0xFF800000, v11;
	v9 =	vsel vm0, v15, v9;
	v16 =	vld [tilespmem:s8+$0xFFFFFF90];
	v7 =	vsel vm3, $0xFF800000, v7  }
0x12b: {  	v5 =	vsel vm1, v5, v10;
	vm1 =	vgt.f32 v11, v8;
	v10 =	vnsel vm3, $0xFF800000, v18;
	v15 =	vld [tilespmem:s0+$0xFFFFFF90]  }
0x12c: {  	v8 =	vsel vm1, v11, v8;
	v5 =	vsel vm1, v2, v5;
	vm1 =	vgt.f32 v10, v9;
	v18 =	vld [tilespmem:s31+$0xFFFFFF90]  }
0x12d: {  	v2 =	vsel vm0, v2, v17;
	vm0 =	vgt.f32 v7, v8;
	v9 =	vsel vm1, v10, v9;
	v11 =	vld [tilespmem:s8+$0xFFFFFFA0]  }
0x12e: {  	v17 =	vsel vm1, v0, v2;
	v7 =	vsel vm0, v7, v8;
	v8 =	vsel vm0, v0, v5;
	v10 =	vld [tilespmem:s9+$0xFFFFFFD0]  }
0x12f: {  	v5 =	vadd.s32 $0x50, v6;
	v2 =	vadd.s32 $0x60, v6;
	v0 =	vadd.s32 $0x70, v6;
	v21 =	vld [tilespmem:s31+$0xFFFFFFB0]  }
0x130: {  	v24 =	vadd.s32 $0x30, v6;
	v22 =	vadd.s32 $0x20, v6;
	v15 =	vsub.f32 v15, v16;
	v23 =	vld [tilespmem:s8+$0xFFFFFFB0]  }
0x131: {  	vm0 =	veq.s32 v20, v1;
	v16 =	vadd.f32 v18, v16;
	v18 =	vadd.s32 $0x10, v6;
	v20 =	vld [tilespmem:s0+$0xFFFFFFC0]  }
0x132: {  	v15 =	vsel vm0, $0xFF800000, v15;
	v12 =	vadd.f32 v12, v11;
	v11 =	vsub.f32 v13, v11;
	v13 =	vld [tilespmem:s9+$0xFFFFFFE0]  }
0x133: {  	v16 =	vnsel vm0, $0xFF800000, v16;
	vm0 =	vgt.f32 v15, v7;
	vm1 =	veq.s32 v10, v1;
	v10 =	vld [tilespmem:s8+$0xFFFFFFC0]  }
0x134: {  	vm2 =	vgt.f32 v16, v9;
	v7 =	vsel vm0, v15, v7;
	v12 =	vnsel vm1, $0xFF800000, v12;
	v15 =	vld [tilespmem:s9+$0xFFFFFFF0]  }
0x135: {  	v8 =	vsel vm0, v6, v8;
	v11 =	vsel vm1, $0xFF800000, v11;
	v14 =	vsub.f32 v14, v23;
	v25 =	vld [tilespmem:s31+$0xFFFFFFC0]  }
0x136: {  	v9 =	vsel vm2, v16, v9;
	vm0 =	vgt.f32 v11, v7;
	v16 =	vadd.f32 v21, v23;
	v21 =	vld [tilespmem:s0+$0xFFFFFFD0]  }
0x137: {  	v17 =	vsel vm2, v6, v17;
	v7 =	vsel vm0, v11, v7;
	vm1 =	veq.s32 v13, v1;
	v11 =	vld [tilespmem:s8+$0xFFFFFFD0]  }
0x138: {  	v8 =	vsel vm0, v18, v8;
	v13 =	vsel vm1, $0xFF800000, v14;
	v14 =	vsub.f32 v20, v10;
	v20 =	vld [tilespmem:s0+$0x0]  }
0x139: {  	v16 =	vnsel vm1, $0xFF800000, v16;
	vm0 =	vgt.f32 v13, v7;
	vm1 =	veq.s32 v15, v1;
	v23 =	vld [tilespmem:s9+$0x0]  }
0x13a: {  	v13 =	vsel vm0, v13, v7;
	v26 =	vsel vm0, v22, v8;
	v10 =	vadd.f32 v25, v10;
	v25 =	vld [tilespmem:s31+$0xFFFFFFE0]  }
0x13b: {  	v6 =	vadd.s32 $0x80, v6;
	vm0 =	vgt.f32 v12, v9;
	v14 =	vsel vm1, $0xFF800000, v14;
	v8 =	vld [tilespmem:s0+$0xFFFFFFE0]  }
0x13c: {  	v12 =	vsel vm0, v12, v9;
	vm2 =	vgt.f32 v14, v13;
	v19 =	vadd.f32 v19, v11;
	v9 =	vld [tilespmem:s8+$0xFFFFFFE0]  }
0x13d: {  	v17 =	vsel vm0, v18, v17;
	vm0 =	vgt.f32 v16, v12;
	v15 =	vld [tilespmem:s9+$0x10];
	v7 =	vsub.f32 v20, v4  }
.Ltmp2:
0x13e: {  	v18 =	vsel vm0, v16, v12;
	v12 =	vsel vm0, v22, v17;
	v17 =	vsub.f32 v21, v11;
	v16 =	vld [tilespmem:s31+$0xFFFFFFF0];
	(pc) =	sbr.rel @p0 .LBB2_7-.Ltmp2, $4  }
0x13f: {  	v13 =	vsel vm2, v14, v13;
	v20 =	vnsel vm1, $0xFF800000, v10;
	vm0 =	veq.s32 v23, v1;
	v11 =	vld [tilespmem:s8+$0xFFFFFFF0]  }
0x140: {  	vm1 =	vgt.f32 v20, v18;
	v19 =	vnsel vm0, $0xFF800000, v19;
	v22 =	vsel vm0, $0xFF800000, v17;
	v14 =	vld [tilespmem:s0+$0xFFFFFFF0]  }
0x141: {  	v10 =	vsel vm2, v24, v26;
	v12 =	vsel vm1, v24, v12;
	vm0 =	vgt.f32 v22, v13;
	v17 =	vld [tilespmem:s9+$0x20]  }
0x142: {  	v21 =	vsel vm1, v20, v18;
	s8 =	sadd.s32 $0x200, s8;
	v13 =	vsel vm0, v22, v13;
	v20 =	vadd.f32 v25, v9;
	s9 =	sadd.s32 $0x80, s9;
	v18 =	vld [tilespmem:s31+$0x0]  }
0x143: {  	v6 =	vld [tilespmem:s3+$0x30]  }
0x144: {  	vm1 =	vgt.f32 v19, v21;
	vm2 =	veq.s32 v15, v1  }
0x145: {  	v15 =	vsel vm1, v19, v21;
	v16 =	vadd.f32 v16, v11;
	v19 =	vnsel vm2, $0xFF800000, v20  }
0x146: {  	vm3 =	vgt.f32 v19, v15;
	vm4 =	veq.s32 v17, v1  }
0x147: {  	v15 =	vsel vm3, v19, v15;
	v16 =	vnsel vm4, $0xFF800000, v16;
	v4 =	vadd.f32 v18, v4  }
0x148: {  	vm5 =	vgt.f32 v16, v15;
	vm6 =	veq.s32 v6, v1  }
0x149: {  	v1 =	vsel vm5, v16, v15;
	v4 =	vnsel vm6, $0xFF800000, v4  }
0x14a: {  	vm7 =	vgt.f32 v4, v1  }
0x14b: {  	v1 =	vsel vm7, v4, v1  }
0x14c: {  	(xrf0) =	vmax.scan.msk.f32 $0xffff, v1;
	_ =	sdelay $0x2  }
0x14d: {  	v4 =	vsub.f32 v8, v9  }
0x14e: {  	v6 =	vsub.f32 v14, v11  }
0x14f: {  	v8 =	vsel vm1, v3, v12;
	v4 =	vsel vm2, $0xFF800000, v4  }
0x150: {  	v6 =	vsel vm4, $0xFF800000, v6;
	v8 =	vsel vm3, v5, v8;
	vm1 =	vgt.f32 v4, v13;
	v9, _, _ =	vpop (xrf0)  }
0x151: {  	v8 =	vsel vm5, v2, v8;
	v4 =	vsel vm1, v4, v13;
	v9 =	vbroadcast v9, $0xF  }
0x152: {  	v7 =	vsel vm6, $0xFF800000, v7;
	v8 =	vsel vm7, v0, v8;
	vm2 =	vgt.f32 v6, v4  }
0x153: {  	v4 =	vsel vm2, v6, v4;
	vm3 =	veq.f32 v1, v9;
	v1 =	vxor.u32 $0x80000000, v8  }
0x154: {  	v1 =	vnsel vm3, $0xC0000000, v1;
	vm3 =	vgt.f32 v7, v4  }
0x155: {  	v4 =	vsel vm3, v7, v4;
	(xrf0) =	vmin.scan.msk.u32 $0xffff, v1  }
0x156: {  	(xrf0) =	vmax.scan.msk.f32 $0xffff, v4;
	_ =	sdelay $0x4  }
0x157: {  	v3 =	vsel vm0, v3, v10;
	v1, _, _ =	vpop (xrf0)  }
0x158: {  	v3 =	vsel vm1, v5, v3;
	v5, _, _ =	vpop (xrf0)  }
0x159: {  	v2 =	vsel vm2, v2, v3;
	v3 =	vbroadcast v5, $0xF  }
0x15a: {  	v0 =	vsel vm3, v0, v2  }
0x15b: {  	v0 =	vxor.u32 $0x80000000, v0;
	vm0 =	veq.f32 v4, v3  }
0x15c: {  	v0 =	vnsel vm0, $0xC0000000, v0  }
0x15d: {  	(xrf0) =	vmin.scan.msk.u32 $0xffff, v0;
	_ =	sdelay $0x5  }
0x15e: {  	v1 =	vbroadcast v1, $0xF;
	v0, _, _ =	vpop (xrf0)  }
0x15f: {  	v0 =	vbroadcast v0, $0xF  }
0x160: {  	v2 =	vshll.u32 v1, $0x2  }
0x161: {  	v1 =	vand.u32 $0x7F, v1;
	v2 =	vand.u32 $0xFFFFFE00, v2;
	v3 =	vshll.u32 v0, $0x2  }
0x162: {  	v1 =	vor.u32 v2, v1;
	v0 =	vand.u32 $0x7F, v0;
	v2 =	vand.u32 $0xFFFFFE00, v3  }
0x163: {  	v1 =	vor.u32 $0x100, v1;
	v0 =	vor.u32 v2, v0  }
0x164: {  	v0 =	vor.u32 $0x100, v0;
	_ =	sdelay $0x3  }
0x165: {  	v1 =	vld.idx.msk [tilespmem:v1+s17+$0x0], $0xffff  }
0x166: {  	v0 =	vld.idx.msk [tilespmem:v0+s17+$0x0], $0xffff  }
0x167: {  	s0 =	sor.u32 $0x2, s29  }
0x168: {  	s9 =	sor.u32 $0x3, s30;
	v2 =	vmov s0  }
0x169: {  	v3 =	vmov s9;
	v2 =	vand.u32 $0xFFFFFFFA, v2  }
0x16a: {  	v3 =	vand.u32 $0xFFFFFFFB, v3;
	v2 =	vbroadcast v2, $0x0  }
0x16b: {  	v0 =	vsub.f32 v1, v0;
	v1 =	vbroadcast v3, $0x0;
	_ =	sdelay $0x1  }
0x16c: {  	v0 =	vadd.f32 $2.000000030e-01, v0;
	_ =	sdelay $0x1  }
0x16d: {  	v0 =	vmax.f32 v0, $0.0e+00  }
0x16e: {  	[tilespmem:v2+s24+$0x0] =	vst.idx.msk $0x1, v0  }
0x16f: {  	s2 =	simm.s32 $0x11F0;
	v1 =	vld.idx.msk [tilespmem:v1+s4+$0x0], $0xffff  }
0x170: {  	s0 =	simm.s32 $0x111F0;
	v4 =	vld [tilespmem:s2+$0x0]  }
0x171: {  	s31 =	simm.s32 $0x91F0;
	v6 =	vld [tilespmem:s0+$0xFFFFFFB0]  }
0x172: {  	v8 =	vld [tilespmem:s31+$0xFFFFFFA0]  }
0x173: {  	s3 =	simm.s32 $0x40;
	v9 =	vld [tilespmem:s0+$0xFFFFFFA0]  }
0x174: {  	v10 =	vld [tilespmem:s3+$0xFFFFFFC0]  }
0x175: {  	v11 =	vld [tilespmem:s2+$0xFFFFFF90]  }
0x176: {  	v12 =	vld [tilespmem:s0+$0xFFFFFF90]  }
0x177: {  	v13 =	vld [tilespmem:s31+$0xFFFFFF90]  }
0x178: {  	v15 =	vld [tilespmem:s2+$0xFFFFFFA0]  }
0x179: {  	v14 =	vlaneseq.u32;
	v17 =	vld [tilespmem:s3+$0xFFFFFFD0]  }
0x17a: {  	v16 =	vimm.f32 $-Inf;
	v19 =	vadd.s32 $0x20, v14;
	v20 =	vld [tilespmem:s2+$0xFFFFFFB0]  }
0x17b: {  	v21 =	vadd.s32 $0x30, v14;
	v5 =	vadd.s32 $0x50, v14;
	v3 =	vadd.s32 $0x40, v14;
	v18 =	vld [tilespmem:s31+$0xFFFFFFB0]  }
0x17c: {  	v12 =	vsub.f32 v12, v11;
	vm0 =	veq.s32 v10, v1;
	v10 =	vadd.f32 v13, v11;
	v13 =	vld [tilespmem:s0+$0xFFFFFFC0]  }
0x17d: {  	v2 =	vadd.s32 $0x60, v14;
	v8 =	vadd.f32 v8, v15;
	v9 =	vsub.f32 v9, v15;
	v15 =	vld [tilespmem:s3+$0xFFFFFFE0]  }
0x17e: {  	v0 =	vadd.s32 $0x70, v14;
	v11 =	vadd.s32 $0x10, v14;
	vm1 =	veq.s32 v17, v1;
	v17 =	vld [tilespmem:s2+$0xFFFFFFC0]  }
0x17f: {  	v24 =	vld [tilespmem:s31+$0xFFFFFFC0];
	v6 =	vsub.f32 v6, v20;
	v12 =	vsel vm0, $0xFF800000, v12;
	v10 =	vnsel vm0, $0xFF800000, v10  }
0x180: {  	v7 =	vld [tilespmem:s31+$0xFFFFFFD0];
	v22 =	vnsel vm1, $0xFF800000, v8;
	v9 =	vsel vm1, $0xFF800000, v9;
	vm0 =	vgt.f32 v12, v16  }
0x181: {  	v8 =	vld [tilespmem:s3+$0xFFFFFFF0];
	vm2 =	vgt.f32 v10, v16;
	v12 =	vsel vm0, v12, v16;
	v23 =	vsel vm0, v14, v14  }
0x182: {  	v25 =	vld [tilespmem:s3+$0x0];
	v10 =	vsel vm2, v10, v16;
	v16 =	vadd.f32 v18, v20;
	v20 =	vsel vm2, v14, v14  }
0x183: {  	v18 =	vld [tilespmem:s0+$0xFFFFFFD0];
	vm0 =	vgt.f32 v9, v12;
	vm1 =	veq.s32 v15, v1;
	v13 =	vsub.f32 v13, v17  }
0x184: {  	v17 =	vadd.f32 v24, v17;
	v9 =	vsel vm0, v9, v12;
	v12 =	vld [tilespmem:s2+$0xFFFFFFD0];
	v6 =	vsel vm1, $0xFF800000, v6  }
0x185: {  	v15 =	vsel vm0, v11, v23;
	v23 =	vld [tilespmem:s0+$0x0];
	v16 =	vnsel vm1, $0xFF800000, v16;
	vm0 =	vgt.f32 v6, v9  }
0x186: {  	v63 =	vld [tilespmem:s31+$0xFFFFFFE0];
	vm1 =	veq.s32 v8, v1;
	v26 =	vsel vm0, v6, v9;
	v27 =	vsel vm0, v19, v15  }
0x187: {  	v8 =	vld [tilespmem:s0+$0xFFFFFFE0];
	vm0 =	vgt.f32 v22, v10;
	v13 =	vsel vm1, $0xFF800000, v13;
	v6 =	vadd.s32 $0x80, v14  }
0x188: {  	v9 =	vld [tilespmem:s2+$0xFFFFFFE0];
	v10 =	vsel vm0, v22, v10;
	vm2 =	vgt.f32 v13, v26;
	v11 =	vsel vm0, v11, v20  }
0x189: {  	v15 =	vld [tilespmem:s3+$0x10];
	vm0 =	vgt.f32 v16, v10;
	v13 =	vsel vm2, v13, v26;
	v14 =	vadd.f32 v7, v12  }
0x18a: {  	v7 =	vsub.f32 v23, v4;
	v20 =	vsel vm0, v16, v10;
	v12 =	vsub.f32 v18, v12;
	v16 =	vld [tilespmem:s31+$0xFFFFFFF0]  }
0x18b: {  	v10 =	vsel vm0, v19, v11;
	v18 =	vnsel vm1, $0xFF800000, v17;
	vm0 =	veq.s32 v25, v1;
	v11 =	vld [tilespmem:s2+$0xFFFFFFF0]  }
0x18c: {  	vm1 =	vgt.f32 v18, v20;
	v19 =	vnsel vm0, $0xFF800000, v14;
	v22 =	vsel vm0, $0xFF800000, v12;
	v14 =	vld [tilespmem:s0+$0xFFFFFFF0]  }
0x18d: {  	v17 =	vld [tilespmem:s3+$0x20];
	v12 =	vsel vm1, v21, v10;
	v10 =	vsel vm2, v21, v27;
	vm0 =	vgt.f32 v22, v13  }
0x18e: {  	s8 =	simm.s32 $0x13F0;
	s9 =	simm.s32 $0xC0;
	s2 =	simm.s32 $0x0;
	v21 =	vsel vm1, v18, v20;
	v20 =	vadd.f32 v63, v9;
	v18 =	vld [tilespmem:s31+$0x0];
	v13 =	vsel vm0, v22, v13  }
.LBB2_9:
0x18f: {  	v22 =	vld [tilespmem:s8+$0x0];
	s2 =	sadd.s32 $0x8, s2;
	vm1 =	vgt.f32 v19, v21;
	vm2 =	veq.s32 v15, v1;
	v8 =	vsub.f32 v8, v9;
	s0 =	sadd.s32 $0x200, s0;
	s31 =	sadd.s32 $0x200, s31  }
0x190: {  	v10 =	vsel vm0, v3, v10;
	p0 =	slt.u32 s2, $0xF8;
	v9 =	vsel vm1, v19, v21;
	v15 =	vadd.f32 v16, v11;
	v16 =	vld [tilespmem:s3+$0x30];
	s3 =	smov.u32 s9  }
0x191: {  	v20 =	vnsel vm2, $0xFF800000, v20;
	v19 =	vld [tilespmem:s31+$0xFFFFFFD0];
	v8 =	vsel vm2, $0xFF800000, v8;
	v11 =	vsub.f32 v14, v11  }
0x192: {  	v3 =	vsel vm1, v3, v12;
	vm0 =	vgt.f32 v20, v9;
	v14 =	vld [tilespmem:s0+$0xFFFFFFB0];
	vm1 =	vgt.f32 v8, v13  }
0x193: {  	v9 =	vsel vm0, v20, v9;
	vm2 =	veq.s32 v17, v1;
	v12 =	vld [tilespmem:s31+$0xFFFFFFA0];
	v8 =	vsel vm1, v8, v13  }
0x194: {  	v17 =	vsel vm0, v5, v3;
	v15 =	vnsel vm2, $0xFF800000, v15;
	v18 =	vadd.f32 v18, v4;
	v13 =	vld [tilespmem:s0+$0xFFFFFFA0];
	v4 =	vmovc v22  }
0x195: {  	v3 =	vadd.s32 $0x40, v6;
	vm0 =	vgt.f32 v15, v9;
	v20 =	vld [tilespmem:s9+$0xFFFFFFC0];
	vm3 =	veq.s32 v16, v1  }
0x196: {  	v11 =	vsel vm2, $0xFF800000, v11;
	v9 =	vsel vm0, v15, v9;
	v16 =	vld [tilespmem:s8+$0xFFFFFF90];
	v7 =	vsel vm3, $0xFF800000, v7  }
0x197: {  	v5 =	vsel vm1, v5, v10;
	vm1 =	vgt.f32 v11, v8;
	v10 =	vnsel vm3, $0xFF800000, v18;
	v15 =	vld [tilespmem:s0+$0xFFFFFF90]  }
0x198: {  	v8 =	vsel vm1, v11, v8;
	v5 =	vsel vm1, v2, v5;
	vm1 =	vgt.f32 v10, v9;
	v18 =	vld [tilespmem:s31+$0xFFFFFF90]  }
0x199: {  	v2 =	vsel vm0, v2, v17;
	vm0 =	vgt.f32 v7, v8;
	v9 =	vsel vm1, v10, v9;
	v11 =	vld [tilespmem:s8+$0xFFFFFFA0]  }
0x19a: {  	v17 =	vsel vm1, v0, v2;
	v7 =	vsel vm0, v7, v8;
	v8 =	vsel vm0, v0, v5;
	v10 =	vld [tilespmem:s9+$0xFFFFFFD0]  }
0x19b: {  	v5 =	vadd.s32 $0x50, v6;
	v2 =	vadd.s32 $0x60, v6;
	v0 =	vadd.s32 $0x70, v6;
	v21 =	vld [tilespmem:s31+$0xFFFFFFB0]  }
0x19c: {  	v24 =	vadd.s32 $0x30, v6;
	v22 =	vadd.s32 $0x20, v6;
	v15 =	vsub.f32 v15, v16;
	v23 =	vld [tilespmem:s8+$0xFFFFFFB0]  }
0x19d: {  	vm0 =	veq.s32 v20, v1;
	v16 =	vadd.f32 v18, v16;
	v18 =	vadd.s32 $0x10, v6;
	v20 =	vld [tilespmem:s0+$0xFFFFFFC0]  }
0x19e: {  	v15 =	vsel vm0, $0xFF800000, v15;
	v12 =	vadd.f32 v12, v11;
	v11 =	vsub.f32 v13, v11;
	v13 =	vld [tilespmem:s9+$0xFFFFFFE0]  }
0x19f: {  	v16 =	vnsel vm0, $0xFF800000, v16;
	vm0 =	vgt.f32 v15, v7;
	vm1 =	veq.s32 v10, v1;
	v10 =	vld [tilespmem:s8+$0xFFFFFFC0]  }
0x1a0: {  	vm2 =	vgt.f32 v16, v9;
	v7 =	vsel vm0, v15, v7;
	v12 =	vnsel vm1, $0xFF800000, v12;
	v15 =	vld [tilespmem:s9+$0xFFFFFFF0]  }
0x1a1: {  	v8 =	vsel vm0, v6, v8;
	v11 =	vsel vm1, $0xFF800000, v11;
	v14 =	vsub.f32 v14, v23;
	v25 =	vld [tilespmem:s31+$0xFFFFFFC0]  }
0x1a2: {  	v9 =	vsel vm2, v16, v9;
	vm0 =	vgt.f32 v11, v7;
	v16 =	vadd.f32 v21, v23;
	v21 =	vld [tilespmem:s0+$0xFFFFFFD0]  }
0x1a3: {  	v17 =	vsel vm2, v6, v17;
	v7 =	vsel vm0, v11, v7;
	vm1 =	veq.s32 v13, v1;
	v11 =	vld [tilespmem:s8+$0xFFFFFFD0]  }
0x1a4: {  	v8 =	vsel vm0, v18, v8;
	v13 =	vsel vm1, $0xFF800000, v14;
	v14 =	vsub.f32 v20, v10;
	v20 =	vld [tilespmem:s0+$0x0]  }
0x1a5: {  	v16 =	vnsel vm1, $0xFF800000, v16;
	vm0 =	vgt.f32 v13, v7;
	vm1 =	veq.s32 v15, v1;
	v23 =	vld [tilespmem:s9+$0x0]  }
0x1a6: {  	v13 =	vsel vm0, v13, v7;
	v26 =	vsel vm0, v22, v8;
	v10 =	vadd.f32 v25, v10;
	v25 =	vld [tilespmem:s31+$0xFFFFFFE0]  }
0x1a7: {  	v6 =	vadd.s32 $0x80, v6;
	vm0 =	vgt.f32 v12, v9;
	v14 =	vsel vm1, $0xFF800000, v14;
	v8 =	vld [tilespmem:s0+$0xFFFFFFE0]  }
0x1a8: {  	v12 =	vsel vm0, v12, v9;
	vm2 =	vgt.f32 v14, v13;
	v19 =	vadd.f32 v19, v11;
	v9 =	vld [tilespmem:s8+$0xFFFFFFE0]  }
0x1a9: {  	v17 =	vsel vm0, v18, v17;
	vm0 =	vgt.f32 v16, v12;
	v15 =	vld [tilespmem:s9+$0x10];
	v7 =	vsub.f32 v20, v4  }
.Ltmp3:
0x1aa: {  	v18 =	vsel vm0, v16, v12;
	v12 =	vsel vm0, v22, v17;
	v17 =	vsub.f32 v21, v11;
	v16 =	vld [tilespmem:s31+$0xFFFFFFF0];
	(pc) =	sbr.rel @p0 .LBB2_9-.Ltmp3, $4  }
0x1ab: {  	v13 =	vsel vm2, v14, v13;
	v20 =	vnsel vm1, $0xFF800000, v10;
	vm0 =	veq.s32 v23, v1;
	v11 =	vld [tilespmem:s8+$0xFFFFFFF0]  }
0x1ac: {  	vm1 =	vgt.f32 v20, v18;
	v19 =	vnsel vm0, $0xFF800000, v19;
	v22 =	vsel vm0, $0xFF800000, v17;
	v14 =	vld [tilespmem:s0+$0xFFFFFFF0]  }
0x1ad: {  	v10 =	vsel vm2, v24, v26;
	v12 =	vsel vm1, v24, v12;
	vm0 =	vgt.f32 v22, v13;
	v17 =	vld [tilespmem:s9+$0x20]  }
0x1ae: {  	v21 =	vsel vm1, v20, v18;
	s8 =	sadd.s32 $0x200, s8;
	v13 =	vsel vm0, v22, v13;
	v20 =	vadd.f32 v25, v9;
	s9 =	sadd.s32 $0x80, s9;
	v18 =	vld [tilespmem:s31+$0x0]  }
0x1af: {  	v6 =	vld [tilespmem:s3+$0x30]  }
0x1b0: {  	vm1 =	vgt.f32 v19, v21;
	vm2 =	veq.s32 v15, v1  }
0x1b1: {  	v15 =	vsel vm1, v19, v21;
	v16 =	vadd.f32 v16, v11;
	v19 =	vnsel vm2, $0xFF800000, v20  }
0x1b2: {  	vm3 =	vgt.f32 v19, v15;
	vm4 =	veq.s32 v17, v1  }
0x1b3: {  	v15 =	vsel vm3, v19, v15;
	v16 =	vnsel vm4, $0xFF800000, v16;
	v4 =	vadd.f32 v18, v4  }
0x1b4: {  	vm5 =	vgt.f32 v16, v15;
	vm6 =	veq.s32 v6, v1  }
0x1b5: {  	v1 =	vsel vm5, v16, v15;
	v4 =	vnsel vm6, $0xFF800000, v4  }
0x1b6: {  	vm7 =	vgt.f32 v4, v1  }
0x1b7: {  	v1 =	vsel vm7, v4, v1  }
0x1b8: {  	(xrf0) =	vmax.scan.msk.f32 $0xffff, v1;
	_ =	sdelay $0x2  }
0x1b9: {  	v4 =	vsub.f32 v8, v9  }
0x1ba: {  	v6 =	vsub.f32 v14, v11  }
0x1bb: {  	v8 =	vsel vm1, v3, v12;
	v4 =	vsel vm2, $0xFF800000, v4  }
0x1bc: {  	v6 =	vsel vm4, $0xFF800000, v6;
	v8 =	vsel vm3, v5, v8;
	vm1 =	vgt.f32 v4, v13;
	v9, _, _ =	vpop (xrf0)  }
0x1bd: {  	v8 =	vsel vm5, v2, v8;
	v4 =	vsel vm1, v4, v13;
	v9 =	vbroadcast v9, $0xF  }
0x1be: {  	v7 =	vsel vm6, $0xFF800000, v7;
	v8 =	vsel vm7, v0, v8;
	vm2 =	vgt.f32 v6, v4  }
0x1bf: {  	v4 =	vsel vm2, v6, v4;
	vm3 =	veq.f32 v1, v9;
	v1 =	vxor.u32 $0x80000000, v8  }
0x1c0: {  	v1 =	vnsel vm3, $0xC0000000, v1;
	vm3 =	vgt.f32 v7, v4  }
0x1c1: {  	v4 =	vsel vm3, v7, v4;
	(xrf0) =	vmin.scan.msk.u32 $0xffff, v1  }
0x1c2: {  	(xrf0) =	vmax.scan.msk.f32 $0xffff, v4;
	_ =	sdelay $0x4  }
0x1c3: {  	v3 =	vsel vm0, v3, v10;
	v1, _, _ =	vpop (xrf0)  }
0x1c4: {  	v3 =	vsel vm1, v5, v3;
	v5, _, _ =	vpop (xrf0)  }
0x1c5: {  	v2 =	vsel vm2, v2, v3;
	v3 =	vbroadcast v5, $0xF  }
0x1c6: {  	v0 =	vsel vm3, v0, v2  }
0x1c7: {  	v0 =	vxor.u32 $0x80000000, v0;
	vm0 =	veq.f32 v4, v3  }
0x1c8: {  	v0 =	vnsel vm0, $0xC0000000, v0  }
0x1c9: {  	(xrf0) =	vmin.scan.msk.u32 $0xffff, v0;
	_ =	sdelay $0x5  }
0x1ca: {  	v1 =	vbroadcast v1, $0xF;
	v0, _, _ =	vpop (xrf0)  }
0x1cb: {  	v0 =	vbroadcast v0, $0xF  }
0x1cc: {  	v2 =	vshll.u32 v1, $0x2  }
0x1cd: {  	v1 =	vand.u32 $0x7F, v1;
	v2 =	vand.u32 $0xFFFFFE00, v2;
	v3 =	vshll.u32 v0, $0x2  }
0x1ce: {  	v1 =	vor.u32 v2, v1;
	v0 =	vand.u32 $0x7F, v0;
	v2 =	vand.u32 $0xFFFFFE00, v3  }
0x1cf: {  	v1 =	vor.u32 $0x180, v1;
	v0 =	vor.u32 v2, v0  }
0x1d0: {  	v0 =	vor.u32 $0x180, v0;
	_ =	sdelay $0x3  }
0x1d1: {  	v1 =	vld.idx.msk [tilespmem:v1+s17+$0x0], $0xffff  }
0x1d2: {  	v0 =	vld.idx.msk [tilespmem:v0+s17+$0x0], $0xffff  }
0x1d3: {  	s0 =	sor.u32 $0x3, s29  }
0x1d4: {  	v2 =	vmov s0  }
0x1d5: {  	v2 =	vand.u32 $0xFFFFFFFB, v2  }
0x1d6: {  	v2 =	vbroadcast v2, $0x0  }
0x1d7: {  	s8 =	sadd.s32 $0x8, s30;
	v0 =	vsub.f32 v1, v0  }
0x1d8: {  	s0 =	smin.u32 s8, s11  }
0x1d9: {  	s2 =	sshll.u32 s0, $0x9;
	s0 =	sshll.u32 s0, $0x4;
	v0 =	vadd.f32 $2.000000030e-01, v0  }
0x1da: {  	s2 =	sand.u32 $0x1FF000, s2;
	s0 =	sand.u32 $0x40, s0  }
0x1db: {  	s0 =	sor.u32 s0, s2;
	v0 =	vmax.f32 v0, $0.0e+00  }
0x1dc: {  	s2 =	sadd.s32 s1, s0;
	[tilespmem:v2+s24+$0x0] =	vst.idx.msk $0x1, v0  }
0x1dd: {  	[tilespmem:s17], [sflag:$0x1] =	stream.strided.gather [hbm4b:s2+s15], $0x4000, s16, s15, $0x38;
	[tilespmem:$0x19080] =	vst v63  }
0x1de: {  	s9 =	sadd.s32 s5, s0  }
0x1df: {  	[tilespmem:s18], [sflag:$0x1] =	stream.strided.gather [hbm4b:s9+s15], $0x4000, s16, s15, $0x38;
	[tilespmem:$0x19080] =	vst v63  }
0x1e0: {  	s0 =	sadd.s32 s7, s0  }
0x1e1: {  	[tilespmem:s19], [sflag:$0x1] =	stream.strided.gather [hbm4b:s0+s15], $0x4000, s16, s15, $0x38;
	[tilespmem:$0x19080] =	vst v63  }
0x1e2: {  	s3 =	sor.u32 $0x4, s30;
	_ =	swait.ge [sflag:s25], $0x4000  }
0x1e3: {  	v0 =	vmov s3;
	[sflag:s25] =	ssyncset.done $0x0  }
0x1e4: {  	v0 =	vand.u32 $0xFFFFFFFC, v0;
	[sflag:s25] =	ssyncadd.s32 $0xFFFFC000  }
0x1e5: {  	v0 =	vbroadcast v0, $0x0;
	_ =	swait.ge [sflag:s25], $0x4000  }
0x1e6: {  	[sflag:s25] =	ssyncset.done $0x0  }
0x1e7: {  	[sflag:s25] =	ssyncadd.s32 $0xFFFFC000  }
0x1e8: {  	_ =	swait.ge [sflag:s25], $0x4000  }
0x1e9: {  	[sflag:s25] =	ssyncset.done $0x0  }
0x1ea: {  	[sflag:s25] =	ssyncadd.s32 $0xFFFFC000  }
0x1eb: {  	s8 =	simm.s32 $0x5040;
	v1 =	vld.idx.msk [tilespmem:v0+s4+$0x0], $0xffff  }
0x1ec: {  	s9 =	simm.s32 $0x15040;
	v4 =	vld [tilespmem:s8+$0x30]  }
0x1ed: {  	s31 =	simm.s32 $0xD040;
	v6 =	vld [tilespmem:s9+$0xFFFFFFE0]  }
0x1ee: {  	v8 =	vld [tilespmem:s31+$0xFFFFFFD0]  }
0x1ef: {  	s0 =	simm.s32 $0x40;
	v9 =	vld [tilespmem:s9+$0xFFFFFFD0]  }
0x1f0: {  	v10 =	vld [tilespmem:s0+$0xFFFFFFC0]  }
0x1f1: {  	v11 =	vld [tilespmem:s8+$0xFFFFFFC0]  }
0x1f2: {  	v12 =	vld [tilespmem:s9+$0xFFFFFFC0]  }
0x1f3: {  	v13 =	vld [tilespmem:s31+$0xFFFFFFC0]  }
0x1f4: {  	v15 =	vld [tilespmem:s8+$0xFFFFFFD0]  }
0x1f5: {  	v14 =	vlaneseq.u32;
	v17 =	vld [tilespmem:s0+$0xFFFFFFD0]  }
0x1f6: {  	v16 =	vimm.f32 $-Inf;
	v19 =	vadd.s32 $0x20, v14;
	v20 =	vld [tilespmem:s8+$0xFFFFFFE0]  }
0x1f7: {  	v21 =	vadd.s32 $0x30, v14;
	v5 =	vadd.s32 $0x50, v14;
	v3 =	vadd.s32 $0x40, v14;
	v18 =	vld [tilespmem:s31+$0xFFFFFFE0]  }
0x1f8: {  	v12 =	vsub.f32 v12, v11;
	vm0 =	veq.s32 v10, v1;
	v10 =	vadd.f32 v13, v11;
	v13 =	vld [tilespmem:s9+$0xFFFFFFF0]  }
0x1f9: {  	v2 =	vadd.s32 $0x60, v14;
	v8 =	vadd.f32 v8, v15;
	v9 =	vsub.f32 v9, v15;
	v15 =	vld [tilespmem:s0+$0xFFFFFFE0]  }
0x1fa: {  	v0 =	vadd.s32 $0x70, v14;
	v11 =	vadd.s32 $0x10, v14;
	vm1 =	veq.s32 v17, v1;
	v17 =	vld [tilespmem:s8+$0xFFFFFFF0]  }
0x1fb: {  	v24 =	vld [tilespmem:s31+$0xFFFFFFF0];
	v6 =	vsub.f32 v6, v20;
	v12 =	vsel vm0, $0xFF800000, v12;
	v10 =	vnsel vm0, $0xFF800000, v10  }
0x1fc: {  	v7 =	vld [tilespmem:s31+$0x0];
	v22 =	vnsel vm1, $0xFF800000, v8;
	v9 =	vsel vm1, $0xFF800000, v9;
	vm0 =	vgt.f32 v12, v16  }
0x1fd: {  	v8 =	vld [tilespmem:s0+$0xFFFFFFF0];
	vm2 =	vgt.f32 v10, v16;
	v12 =	vsel vm0, v12, v16;
	v23 =	vsel vm0, v14, v14  }
0x1fe: {  	v25 =	vld [tilespmem:s0+$0x0];
	v10 =	vsel vm2, v10, v16;
	v16 =	vadd.f32 v18, v20;
	v20 =	vsel vm2, v14, v14  }
0x1ff: {  	v18 =	vld [tilespmem:s9+$0x0];
	vm0 =	vgt.f32 v9, v12;
	vm1 =	veq.s32 v15, v1;
	v13 =	vsub.f32 v13, v17  }
0x200: {  	v17 =	vadd.f32 v24, v17;
	v9 =	vsel vm0, v9, v12;
	v12 =	vld [tilespmem:s8+$0x0];
	v6 =	vsel vm1, $0xFF800000, v6  }
0x201: {  	v15 =	vsel vm0, v11, v23;
	v23 =	vld [tilespmem:s9+$0x30];
	v16 =	vnsel vm1, $0xFF800000, v16;
	vm0 =	vgt.f32 v6, v9  }
0x202: {  	v63 =	vld [tilespmem:s31+$0x10];
	vm1 =	veq.s32 v8, v1;
	v26 =	vsel vm0, v6, v9;
	v27 =	vsel vm0, v19, v15  }
0x203: {  	v8 =	vld [tilespmem:s9+$0x10];
	vm0 =	vgt.f32 v22, v10;
	v13 =	vsel vm1, $0xFF800000, v13;
	v6 =	vadd.s32 $0x80, v14  }
0x204: {  	v9 =	vld [tilespmem:s8+$0x10];
	v10 =	vsel vm0, v22, v10;
	vm2 =	vgt.f32 v13, v26;
	v11 =	vsel vm0, v11, v20  }
0x205: {  	v15 =	vld [tilespmem:s0+$0x10];
	vm0 =	vgt.f32 v16, v10;
	v22 =	vsel vm2, v13, v26;
	v14 =	vadd.f32 v7, v12  }
0x206: {  	v7 =	vsub.f32 v23, v4;
	v20 =	vsel vm0, v16, v10;
	v12 =	vsub.f32 v18, v12;
	v16 =	vld [tilespmem:s31+$0x20]  }
0x207: {  	v11 =	vsel vm0, v19, v11;
	v18 =	vnsel vm1, $0xFF800000, v17;
	vm0 =	veq.s32 v25, v1;
	v10 =	vld [tilespmem:s8+$0x20]  }
0x208: {  	vm1 =	vgt.f32 v18, v20;
	v19 =	vnsel vm0, $0xFF800000, v14;
	v12 =	vsel vm0, $0xFF800000, v12;
	v14 =	vld [tilespmem:s9+$0x20]  }
0x209: {  	s3 =	simm.s32 $0x0;
	v17 =	vld [tilespmem:s0+$0x20];
	v13 =	vsel vm1, v21, v11;
	v11 =	vsel vm2, v21, v27;
	vm0 =	vgt.f32 v12, v22  }
0x20a: {  	s2 =	simm.s32 $0x15240;
	s8 =	simm.s32 $0x5240;
	v21 =	vsel vm1, v18, v20;
	v20 =	vadd.f32 v63, v9;
	v18 =	vld [tilespmem:s31+$0x30];
	s9 =	simm.s32 $0x40;
	v12 =	vsel vm0, v12, v22  }
.LBB2_11:
0x20b: {  	v22 =	vld [tilespmem:s8+$0x30];
	s3 =	sadd.s32 $0x8, s3;
	vm1 =	vgt.f32 v19, v21;
	vm2 =	veq.s32 v15, v1;
	v8 =	vsub.f32 v8, v9;
	s0 =	sadd.s32 $0x80, s0;
	s31 =	sadd.s32 $0x200, s31  }
0x20c: {  	v11 =	vsel vm0, v3, v11;
	p0 =	slt.u32 s3, $0xF8;
	v9 =	vsel vm1, v19, v21;
	v15 =	vadd.f32 v16, v10;
	v16 =	vld [tilespmem:s9+$0x30];
	s9 =	smov.u32 s0  }
0x20d: {  	v20 =	vnsel vm2, $0xFF800000, v20;
	v19 =	vld [tilespmem:s31+$0x0];
	v8 =	vsel vm2, $0xFF800000, v8;
	v10 =	vsub.f32 v14, v10  }
0x20e: {  	v3 =	vsel vm1, v3, v13;
	vm0 =	vgt.f32 v20, v9;
	v14 =	vld [tilespmem:s2+$0xFFFFFFE0];
	vm1 =	vgt.f32 v8, v12  }
0x20f: {  	v9 =	vsel vm0, v20, v9;
	vm2 =	veq.s32 v17, v1;
	v13 =	vld [tilespmem:s31+$0xFFFFFFD0];
	v8 =	vsel vm1, v8, v12  }
0x210: {  	v17 =	vsel vm0, v5, v3;
	v15 =	vnsel vm2, $0xFF800000, v15;
	v18 =	vadd.f32 v18, v4;
	v12 =	vld [tilespmem:s2+$0xFFFFFFD0];
	v4 =	vmovc v22  }
0x211: {  	v3 =	vadd.s32 $0x40, v6;
	vm0 =	vgt.f32 v15, v9;
	v20 =	vld [tilespmem:s0+$0xFFFFFFC0];
	vm3 =	veq.s32 v16, v1  }
0x212: {  	v10 =	vsel vm2, $0xFF800000, v10;
	v9 =	vsel vm0, v15, v9;
	v16 =	vld [tilespmem:s8+$0xFFFFFFC0];
	v7 =	vsel vm3, $0xFF800000, v7  }
0x213: {  	v5 =	vsel vm1, v5, v11;
	vm1 =	vgt.f32 v10, v8;
	v11 =	vnsel vm3, $0xFF800000, v18;
	v15 =	vld [tilespmem:s2+$0xFFFFFFC0]  }
0x214: {  	v8 =	vsel vm1, v10, v8;
	v5 =	vsel vm1, v2, v5;
	vm1 =	vgt.f32 v11, v9;
	v18 =	vld [tilespmem:s31+$0xFFFFFFC0]  }
0x215: {  	v2 =	vsel vm0, v2, v17;
	vm0 =	vgt.f32 v7, v8;
	v9 =	vsel vm1, v11, v9;
	v10 =	vld [tilespmem:s8+$0xFFFFFFD0]  }
0x216: {  	v17 =	vsel vm1, v0, v2;
	v7 =	vsel vm0, v7, v8;
	v8 =	vsel vm0, v0, v5;
	v11 =	vld [tilespmem:s0+$0xFFFFFFD0]  }
0x217: {  	v5 =	vadd.s32 $0x50, v6;
	v2 =	vadd.s32 $0x60, v6;
	v0 =	vadd.s32 $0x70, v6;
	v21 =	vld [tilespmem:s31+$0xFFFFFFE0]  }
0x218: {  	v24 =	vadd.s32 $0x30, v6;
	v22 =	vadd.s32 $0x20, v6;
	v15 =	vsub.f32 v15, v16;
	v23 =	vld [tilespmem:s8+$0xFFFFFFE0]  }
0x219: {  	vm0 =	veq.s32 v20, v1;
	v16 =	vadd.f32 v18, v16;
	v18 =	vadd.s32 $0x10, v6;
	v20 =	vld [tilespmem:s2+$0xFFFFFFF0]  }
0x21a: {  	v15 =	vsel vm0, $0xFF800000, v15;
	v13 =	vadd.f32 v13, v10;
	v10 =	vsub.f32 v12, v10;
	v12 =	vld [tilespmem:s0+$0xFFFFFFE0]  }
0x21b: {  	v16 =	vnsel vm0, $0xFF800000, v16;
	vm0 =	vgt.f32 v15, v7;
	vm1 =	veq.s32 v11, v1;
	v11 =	vld [tilespmem:s8+$0xFFFFFFF0]  }
0x21c: {  	vm2 =	vgt.f32 v16, v9;
	v7 =	vsel vm0, v15, v7;
	v13 =	vnsel vm1, $0xFF800000, v13;
	v15 =	vld [tilespmem:s0+$0xFFFFFFF0]  }
0x21d: {  	v8 =	vsel vm0, v6, v8;
	v10 =	vsel vm1, $0xFF800000, v10;
	v14 =	vsub.f32 v14, v23;
	v25 =	vld [tilespmem:s31+$0xFFFFFFF0]  }
0x21e: {  	v9 =	vsel vm2, v16, v9;
	vm0 =	vgt.f32 v10, v7;
	v16 =	vadd.f32 v21, v23;
	v21 =	vld [tilespmem:s2+$0x0]  }
0x21f: {  	v17 =	vsel vm2, v6, v17;
	v7 =	vsel vm0, v10, v7;
	vm1 =	veq.s32 v12, v1;
	v10 =	vld [tilespmem:s8+$0x0]  }
0x220: {  	v8 =	vsel vm0, v18, v8;
	v12 =	vsel vm1, $0xFF800000, v14;
	v14 =	vsub.f32 v20, v11;
	v20 =	vld [tilespmem:s2+$0x30]  }
0x221: {  	v16 =	vnsel vm1, $0xFF800000, v16;
	vm0 =	vgt.f32 v12, v7;
	vm1 =	veq.s32 v15, v1;
	v23 =	vld [tilespmem:s0+$0x0]  }
0x222: {  	v12 =	vsel vm0, v12, v7;
	v26 =	vsel vm0, v22, v8;
	v11 =	vadd.f32 v25, v11;
	v25 =	vld [tilespmem:s31+$0x10]  }
0x223: {  	v6 =	vadd.s32 $0x80, v6;
	vm0 =	vgt.f32 v13, v9;
	v14 =	vsel vm1, $0xFF800000, v14;
	v8 =	vld [tilespmem:s2+$0x10]  }
0x224: {  	v13 =	vsel vm0, v13, v9;
	vm2 =	vgt.f32 v14, v12;
	v19 =	vadd.f32 v19, v10;
	v9 =	vld [tilespmem:s8+$0x10]  }
0x225: {  	v17 =	vsel vm0, v18, v17;
	vm0 =	vgt.f32 v16, v13;
	v15 =	vld [tilespmem:s0+$0x10];
	v7 =	vsub.f32 v20, v4  }
.Ltmp4:
0x226: {  	v18 =	vsel vm0, v16, v13;
	v13 =	vsel vm0, v22, v17;
	v17 =	vsub.f32 v21, v10;
	v16 =	vld [tilespmem:s31+$0x20];
	(pc) =	sbr.rel @p0 .LBB2_11-.Ltmp4, $4  }
0x227: {  	v12 =	vsel vm2, v14, v12;
	v20 =	vnsel vm1, $0xFF800000, v11;
	vm0 =	veq.s32 v23, v1;
	v10 =	vld [tilespmem:s8+$0x20]  }
0x228: {  	vm1 =	vgt.f32 v20, v18;
	v19 =	vnsel vm0, $0xFF800000, v19;
	v22 =	vsel vm0, $0xFF800000, v17;
	v14 =	vld [tilespmem:s2+$0x20]  }
0x229: {  	v11 =	vsel vm2, v24, v26;
	v13 =	vsel vm1, v24, v13;
	vm0 =	vgt.f32 v22, v12;
	v17 =	vld [tilespmem:s0+$0x20]  }
0x22a: {  	v21 =	vsel vm1, v20, v18;
	s8 =	sadd.s32 $0x200, s8;
	s2 =	sadd.s32 $0x200, s2;
	v12 =	vsel vm0, v22, v12;
	v20 =	vadd.f32 v25, v9;
	v18 =	vld [tilespmem:s31+$0x30]  }
0x22b: {  	v6 =	vld [tilespmem:s9+$0x30]  }
0x22c: {  	vm1 =	vgt.f32 v19, v21;
	vm2 =	veq.s32 v15, v1  }
0x22d: {  	v15 =	vsel vm1, v19, v21;
	v16 =	vadd.f32 v16, v10;
	v19 =	vnsel vm2, $0xFF800000, v20  }
0x22e: {  	vm3 =	vgt.f32 v19, v15;
	vm4 =	veq.s32 v17, v1  }
0x22f: {  	v15 =	vsel vm3, v19, v15;
	v16 =	vnsel vm4, $0xFF800000, v16;
	v4 =	vadd.f32 v18, v4  }
0x230: {  	vm5 =	vgt.f32 v16, v15;
	vm6 =	veq.s32 v6, v1  }
0x231: {  	v1 =	vsel vm5, v16, v15;
	v4 =	vnsel vm6, $0xFF800000, v4  }
0x232: {  	vm7 =	vgt.f32 v4, v1  }
0x233: {  	v1 =	vsel vm7, v4, v1  }
0x234: {  	(xrf0) =	vmax.scan.msk.f32 $0xffff, v1;
	_ =	sdelay $0x2  }
0x235: {  	v4 =	vsub.f32 v8, v9  }
0x236: {  	v6 =	vsub.f32 v14, v10  }
0x237: {  	v8 =	vsel vm1, v3, v13;
	v4 =	vsel vm2, $0xFF800000, v4  }
0x238: {  	v6 =	vsel vm4, $0xFF800000, v6;
	v8 =	vsel vm3, v5, v8;
	vm1 =	vgt.f32 v4, v12;
	v9, _, _ =	vpop (xrf0)  }
0x239: {  	v8 =	vsel vm5, v2, v8;
	v4 =	vsel vm1, v4, v12;
	v9 =	vbroadcast v9, $0xF  }
0x23a: {  	v7 =	vsel vm6, $0xFF800000, v7;
	v8 =	vsel vm7, v0, v8;
	vm2 =	vgt.f32 v6, v4  }
0x23b: {  	v4 =	vsel vm2, v6, v4;
	vm3 =	veq.f32 v1, v9;
	v1 =	vxor.u32 $0x80000000, v8  }
0x23c: {  	v1 =	vnsel vm3, $0xC0000000, v1;
	vm3 =	vgt.f32 v7, v4  }
0x23d: {  	v4 =	vsel vm3, v7, v4;
	(xrf0) =	vmin.scan.msk.u32 $0xffff, v1  }
0x23e: {  	(xrf0) =	vmax.scan.msk.f32 $0xffff, v4;
	_ =	sdelay $0x4  }
0x23f: {  	v3 =	vsel vm0, v3, v11;
	v1, _, _ =	vpop (xrf0)  }
0x240: {  	v3 =	vsel vm1, v5, v3;
	v5, _, _ =	vpop (xrf0)  }
0x241: {  	v2 =	vsel vm2, v2, v3;
	v3 =	vbroadcast v5, $0xF  }
0x242: {  	v0 =	vsel vm3, v0, v2  }
0x243: {  	v0 =	vxor.u32 $0x80000000, v0;
	vm0 =	veq.f32 v4, v3  }
0x244: {  	v0 =	vnsel vm0, $0xC0000000, v0  }
0x245: {  	(xrf0) =	vmin.scan.msk.u32 $0xffff, v0;
	_ =	sdelay $0x5  }
0x246: {  	v1 =	vbroadcast v1, $0xF;
	v0, _, _ =	vpop (xrf0)  }
0x247: {  	v0 =	vbroadcast v0, $0xF  }
0x248: {  	v2 =	vshll.u32 v1, $0x2  }
0x249: {  	v1 =	vand.u32 $0x7F, v1;
	v2 =	vand.u32 $0xFFFFFE00, v2;
	v3 =	vshll.u32 v0, $0x2  }
0x24a: {  	v1 =	vor.u32 v1, v2;
	v0 =	vand.u32 $0x7F, v0;
	v2 =	vand.u32 $0xFFFFFE00, v3  }
0x24b: {  	v0 =	vor.u32 v0, v2;
	_ =	sdelay $0x3  }
0x24c: {  	v1 =	vld.idx.msk [tilespmem:v1+s20+$0x0], $0xffff  }
0x24d: {  	v0 =	vld.idx.msk [tilespmem:v0+s20+$0x0], $0xffff  }
0x24e: {  	s0 =	sor.u32 $0x4, s29  }
0x24f: {  	s9 =	sor.u32 $0x5, s30;
	v2 =	vmov s0  }
0x250: {  	v3 =	vmov s9;
	v2 =	vand.u32 $0xFFFFFFFC, v2  }
0x251: {  	v3 =	vand.u32 $0xFFFFFFFD, v3;
	v2 =	vbroadcast v2, $0x0  }
0x252: {  	v0 =	vsub.f32 v1, v0;
	v1 =	vbroadcast v3, $0x0;
	_ =	sdelay $0x1  }
0x253: {  	v0 =	vadd.f32 $2.000000030e-01, v0;
	_ =	sdelay $0x1  }
0x254: {  	v0 =	vmax.f32 v0, $0.0e+00  }
0x255: {  	[tilespmem:v2+s24+$0x0] =	vst.idx.msk $0x1, v0  }
0x256: {  	s2 =	simm.s32 $0x50F0;
	v1 =	vld.idx.msk [tilespmem:v1+s4+$0x0], $0xffff  }
0x257: {  	s0 =	simm.s32 $0x150F0;
	v4 =	vld [tilespmem:s2+$0x0]  }
0x258: {  	s31 =	simm.s32 $0xD0F0;
	v6 =	vld [tilespmem:s0+$0xFFFFFFB0]  }
0x259: {  	v8 =	vld [tilespmem:s31+$0xFFFFFFA0]  }
0x25a: {  	s3 =	simm.s32 $0x40;
	v9 =	vld [tilespmem:s0+$0xFFFFFFA0]  }
0x25b: {  	v10 =	vld [tilespmem:s3+$0xFFFFFFC0]  }
0x25c: {  	v11 =	vld [tilespmem:s2+$0xFFFFFF90]  }
0x25d: {  	v12 =	vld [tilespmem:s0+$0xFFFFFF90]  }
0x25e: {  	v13 =	vld [tilespmem:s31+$0xFFFFFF90]  }
0x25f: {  	v15 =	vld [tilespmem:s2+$0xFFFFFFA0]  }
0x260: {  	v14 =	vlaneseq.u32;
	v17 =	vld [tilespmem:s3+$0xFFFFFFD0]  }
0x261: {  	v16 =	vimm.f32 $-Inf;
	v19 =	vadd.s32 $0x20, v14;
	v20 =	vld [tilespmem:s2+$0xFFFFFFB0]  }
0x262: {  	v21 =	vadd.s32 $0x30, v14;
	v5 =	vadd.s32 $0x50, v14;
	v3 =	vadd.s32 $0x40, v14;
	v18 =	vld [tilespmem:s31+$0xFFFFFFB0]  }
0x263: {  	v12 =	vsub.f32 v12, v11;
	vm0 =	veq.s32 v10, v1;
	v10 =	vadd.f32 v13, v11;
	v13 =	vld [tilespmem:s0+$0xFFFFFFC0]  }
0x264: {  	v2 =	vadd.s32 $0x60, v14;
	v8 =	vadd.f32 v8, v15;
	v9 =	vsub.f32 v9, v15;
	v15 =	vld [tilespmem:s3+$0xFFFFFFE0]  }
0x265: {  	v0 =	vadd.s32 $0x70, v14;
	v11 =	vadd.s32 $0x10, v14;
	vm1 =	veq.s32 v17, v1;
	v17 =	vld [tilespmem:s2+$0xFFFFFFC0]  }
0x266: {  	v24 =	vld [tilespmem:s31+$0xFFFFFFC0];
	v6 =	vsub.f32 v6, v20;
	v12 =	vsel vm0, $0xFF800000, v12;
	v10 =	vnsel vm0, $0xFF800000, v10  }
0x267: {  	v7 =	vld [tilespmem:s31+$0xFFFFFFD0];
	v22 =	vnsel vm1, $0xFF800000, v8;
	v9 =	vsel vm1, $0xFF800000, v9;
	vm0 =	vgt.f32 v12, v16  }
0x268: {  	v8 =	vld [tilespmem:s3+$0xFFFFFFF0];
	vm2 =	vgt.f32 v10, v16;
	v12 =	vsel vm0, v12, v16;
	v23 =	vsel vm0, v14, v14  }
0x269: {  	v25 =	vld [tilespmem:s3+$0x0];
	v10 =	vsel vm2, v10, v16;
	v16 =	vadd.f32 v18, v20;
	v20 =	vsel vm2, v14, v14  }
0x26a: {  	v18 =	vld [tilespmem:s0+$0xFFFFFFD0];
	vm0 =	vgt.f32 v9, v12;
	vm1 =	veq.s32 v15, v1;
	v13 =	vsub.f32 v13, v17  }
0x26b: {  	v17 =	vadd.f32 v24, v17;
	v9 =	vsel vm0, v9, v12;
	v12 =	vld [tilespmem:s2+$0xFFFFFFD0];
	v6 =	vsel vm1, $0xFF800000, v6  }
0x26c: {  	v15 =	vsel vm0, v11, v23;
	v23 =	vld [tilespmem:s0+$0x0];
	v16 =	vnsel vm1, $0xFF800000, v16;
	vm0 =	vgt.f32 v6, v9  }
0x26d: {  	v63 =	vld [tilespmem:s31+$0xFFFFFFE0];
	vm1 =	veq.s32 v8, v1;
	v26 =	vsel vm0, v6, v9;
	v27 =	vsel vm0, v19, v15  }
0x26e: {  	v8 =	vld [tilespmem:s0+$0xFFFFFFE0];
	vm0 =	vgt.f32 v22, v10;
	v13 =	vsel vm1, $0xFF800000, v13;
	v6 =	vadd.s32 $0x80, v14  }
0x26f: {  	v9 =	vld [tilespmem:s2+$0xFFFFFFE0];
	v10 =	vsel vm0, v22, v10;
	vm2 =	vgt.f32 v13, v26;
	v11 =	vsel vm0, v11, v20  }
0x270: {  	v15 =	vld [tilespmem:s3+$0x10];
	vm0 =	vgt.f32 v16, v10;
	v13 =	vsel vm2, v13, v26;
	v14 =	vadd.f32 v7, v12  }
0x271: {  	v7 =	vsub.f32 v23, v4;
	v20 =	vsel vm0, v16, v10;
	v12 =	vsub.f32 v18, v12;
	v16 =	vld [tilespmem:s31+$0xFFFFFFF0]  }
0x272: {  	v10 =	vsel vm0, v19, v11;
	v18 =	vnsel vm1, $0xFF800000, v17;
	vm0 =	veq.s32 v25, v1;
	v11 =	vld [tilespmem:s2+$0xFFFFFFF0]  }
0x273: {  	vm1 =	vgt.f32 v18, v20;
	v19 =	vnsel vm0, $0xFF800000, v14;
	v22 =	vsel vm0, $0xFF800000, v12;
	v14 =	vld [tilespmem:s0+$0xFFFFFFF0]  }
0x274: {  	v17 =	vld [tilespmem:s3+$0x20];
	v12 =	vsel vm1, v21, v10;
	v10 =	vsel vm2, v21, v27;
	vm0 =	vgt.f32 v22, v13  }
0x275: {  	s8 =	simm.s32 $0x52F0;
	s9 =	simm.s32 $0xC0;
	s2 =	simm.s32 $0x0;
	v21 =	vsel vm1, v18, v20;
	v20 =	vadd.f32 v63, v9;
	v18 =	vld [tilespmem:s31+$0x0];
	v13 =	vsel vm0, v22, v13  }
.LBB2_13:
0x276: {  	v22 =	vld [tilespmem:s8+$0x0];
	s2 =	sadd.s32 $0x8, s2;
	vm1 =	vgt.f32 v19, v21;
	vm2 =	veq.s32 v15, v1;
	v8 =	vsub.f32 v8, v9;
	s0 =	sadd.s32 $0x200, s0;
	s31 =	sadd.s32 $0x200, s31  }
0x277: {  	v10 =	vsel vm0, v3, v10;
	p0 =	slt.u32 s2, $0xF8;
	v9 =	vsel vm1, v19, v21;
	v15 =	vadd.f32 v16, v11;
	v16 =	vld [tilespmem:s3+$0x30];
	s3 =	smov.u32 s9  }
0x278: {  	v20 =	vnsel vm2, $0xFF800000, v20;
	v19 =	vld [tilespmem:s31+$0xFFFFFFD0];
	v8 =	vsel vm2, $0xFF800000, v8;
	v11 =	vsub.f32 v14, v11  }
0x279: {  	v3 =	vsel vm1, v3, v12;
	vm0 =	vgt.f32 v20, v9;
	v14 =	vld [tilespmem:s0+$0xFFFFFFB0];
	vm1 =	vgt.f32 v8, v13  }
0x27a: {  	v9 =	vsel vm0, v20, v9;
	vm2 =	veq.s32 v17, v1;
	v12 =	vld [tilespmem:s31+$0xFFFFFFA0];
	v8 =	vsel vm1, v8, v13  }
0x27b: {  	v17 =	vsel vm0, v5, v3;
	v15 =	vnsel vm2, $0xFF800000, v15;
	v18 =	vadd.f32 v18, v4;
	v13 =	vld [tilespmem:s0+$0xFFFFFFA0];
	v4 =	vmovc v22  }
0x27c: {  	v3 =	vadd.s32 $0x40, v6;
	vm0 =	vgt.f32 v15, v9;
	v20 =	vld [tilespmem:s9+$0xFFFFFFC0];
	vm3 =	veq.s32 v16, v1  }
0x27d: {  	v11 =	vsel vm2, $0xFF800000, v11;
	v9 =	vsel vm0, v15, v9;
	v16 =	vld [tilespmem:s8+$0xFFFFFF90];
	v7 =	vsel vm3, $0xFF800000, v7  }
0x27e: {  	v5 =	vsel vm1, v5, v10;
	vm1 =	vgt.f32 v11, v8;
	v10 =	vnsel vm3, $0xFF800000, v18;
	v15 =	vld [tilespmem:s0+$0xFFFFFF90]  }
0x27f: {  	v8 =	vsel vm1, v11, v8;
	v5 =	vsel vm1, v2, v5;
	vm1 =	vgt.f32 v10, v9;
	v18 =	vld [tilespmem:s31+$0xFFFFFF90]  }
0x280: {  	v2 =	vsel vm0, v2, v17;
	vm0 =	vgt.f32 v7, v8;
	v9 =	vsel vm1, v10, v9;
	v11 =	vld [tilespmem:s8+$0xFFFFFFA0]  }
0x281: {  	v17 =	vsel vm1, v0, v2;
	v7 =	vsel vm0, v7, v8;
	v8 =	vsel vm0, v0, v5;
	v10 =	vld [tilespmem:s9+$0xFFFFFFD0]  }
0x282: {  	v5 =	vadd.s32 $0x50, v6;
	v2 =	vadd.s32 $0x60, v6;
	v0 =	vadd.s32 $0x70, v6;
	v21 =	vld [tilespmem:s31+$0xFFFFFFB0]  }
0x283: {  	v24 =	vadd.s32 $0x30, v6;
	v22 =	vadd.s32 $0x20, v6;
	v15 =	vsub.f32 v15, v16;
	v23 =	vld [tilespmem:s8+$0xFFFFFFB0]  }
0x284: {  	vm0 =	veq.s32 v20, v1;
	v16 =	vadd.f32 v18, v16;
	v18 =	vadd.s32 $0x10, v6;
	v20 =	vld [tilespmem:s0+$0xFFFFFFC0]  }
0x285: {  	v15 =	vsel vm0, $0xFF800000, v15;
	v12 =	vadd.f32 v12, v11;
	v11 =	vsub.f32 v13, v11;
	v13 =	vld [tilespmem:s9+$0xFFFFFFE0]  }
0x286: {  	v16 =	vnsel vm0, $0xFF800000, v16;
	vm0 =	vgt.f32 v15, v7;
	vm1 =	veq.s32 v10, v1;
	v10 =	vld [tilespmem:s8+$0xFFFFFFC0]  }
0x287: {  	vm2 =	vgt.f32 v16, v9;
	v7 =	vsel vm0, v15, v7;
	v12 =	vnsel vm1, $0xFF800000, v12;
	v15 =	vld [tilespmem:s9+$0xFFFFFFF0]  }
0x288: {  	v8 =	vsel vm0, v6, v8;
	v11 =	vsel vm1, $0xFF800000, v11;
	v14 =	vsub.f32 v14, v23;
	v25 =	vld [tilespmem:s31+$0xFFFFFFC0]  }
0x289: {  	v9 =	vsel vm2, v16, v9;
	vm0 =	vgt.f32 v11, v7;
	v16 =	vadd.f32 v21, v23;
	v21 =	vld [tilespmem:s0+$0xFFFFFFD0]  }
0x28a: {  	v17 =	vsel vm2, v6, v17;
	v7 =	vsel vm0, v11, v7;
	vm1 =	veq.s32 v13, v1;
	v11 =	vld [tilespmem:s8+$0xFFFFFFD0]  }
0x28b: {  	v8 =	vsel vm0, v18, v8;
	v13 =	vsel vm1, $0xFF800000, v14;
	v14 =	vsub.f32 v20, v10;
	v20 =	vld [tilespmem:s0+$0x0]  }
0x28c: {  	v16 =	vnsel vm1, $0xFF800000, v16;
	vm0 =	vgt.f32 v13, v7;
	vm1 =	veq.s32 v15, v1;
	v23 =	vld [tilespmem:s9+$0x0]  }
0x28d: {  	v13 =	vsel vm0, v13, v7;
	v26 =	vsel vm0, v22, v8;
	v10 =	vadd.f32 v25, v10;
	v25 =	vld [tilespmem:s31+$0xFFFFFFE0]  }
0x28e: {  	v6 =	vadd.s32 $0x80, v6;
	vm0 =	vgt.f32 v12, v9;
	v14 =	vsel vm1, $0xFF800000, v14;
	v8 =	vld [tilespmem:s0+$0xFFFFFFE0]  }
0x28f: {  	v12 =	vsel vm0, v12, v9;
	vm2 =	vgt.f32 v14, v13;
	v19 =	vadd.f32 v19, v11;
	v9 =	vld [tilespmem:s8+$0xFFFFFFE0]  }
0x290: {  	v17 =	vsel vm0, v18, v17;
	vm0 =	vgt.f32 v16, v12;
	v15 =	vld [tilespmem:s9+$0x10];
	v7 =	vsub.f32 v20, v4  }
.Ltmp5:
0x291: {  	v18 =	vsel vm0, v16, v12;
	v12 =	vsel vm0, v22, v17;
	v17 =	vsub.f32 v21, v11;
	v16 =	vld [tilespmem:s31+$0xFFFFFFF0];
	(pc) =	sbr.rel @p0 .LBB2_13-.Ltmp5, $4  }
0x292: {  	v13 =	vsel vm2, v14, v13;
	v20 =	vnsel vm1, $0xFF800000, v10;
	vm0 =	veq.s32 v23, v1;
	v11 =	vld [tilespmem:s8+$0xFFFFFFF0]  }
0x293: {  	vm1 =	vgt.f32 v20, v18;
	v19 =	vnsel vm0, $0xFF800000, v19;
	v22 =	vsel vm0, $0xFF800000, v17;
	v14 =	vld [tilespmem:s0+$0xFFFFFFF0]  }
0x294: {  	v10 =	vsel vm2, v24, v26;
	v12 =	vsel vm1, v24, v12;
	vm0 =	vgt.f32 v22, v13;
	v17 =	vld [tilespmem:s9+$0x20]  }
0x295: {  	v21 =	vsel vm1, v20, v18;
	s8 =	sadd.s32 $0x200, s8;
	v13 =	vsel vm0, v22, v13;
	v20 =	vadd.f32 v25, v9;
	s9 =	sadd.s32 $0x80, s9;
	v18 =	vld [tilespmem:s31+$0x0]  }
0x296: {  	v6 =	vld [tilespmem:s3+$0x30]  }
0x297: {  	vm1 =	vgt.f32 v19, v21;
	vm2 =	veq.s32 v15, v1  }
0x298: {  	v15 =	vsel vm1, v19, v21;
	v16 =	vadd.f32 v16, v11;
	v19 =	vnsel vm2, $0xFF800000, v20  }
0x299: {  	vm3 =	vgt.f32 v19, v15;
	vm4 =	veq.s32 v17, v1  }
0x29a: {  	v15 =	vsel vm3, v19, v15;
	v16 =	vnsel vm4, $0xFF800000, v16;
	v4 =	vadd.f32 v18, v4  }
0x29b: {  	vm5 =	vgt.f32 v16, v15;
	vm6 =	veq.s32 v6, v1  }
0x29c: {  	v1 =	vsel vm5, v16, v15;
	v4 =	vnsel vm6, $0xFF800000, v4  }
0x29d: {  	vm7 =	vgt.f32 v4, v1  }
0x29e: {  	v1 =	vsel vm7, v4, v1  }
0x29f: {  	(xrf0) =	vmax.scan.msk.f32 $0xffff, v1;
	_ =	sdelay $0x2  }
0x2a0: {  	v4 =	vsub.f32 v8, v9  }
0x2a1: {  	v6 =	vsub.f32 v14, v11  }
0x2a2: {  	v8 =	vsel vm1, v3, v12;
	v4 =	vsel vm2, $0xFF800000, v4  }
0x2a3: {  	v6 =	vsel vm4, $0xFF800000, v6;
	v8 =	vsel vm3, v5, v8;
	vm1 =	vgt.f32 v4, v13;
	v9, _, _ =	vpop (xrf0)  }
0x2a4: {  	v8 =	vsel vm5, v2, v8;
	v4 =	vsel vm1, v4, v13;
	v9 =	vbroadcast v9, $0xF  }
0x2a5: {  	v7 =	vsel vm6, $0xFF800000, v7;
	v8 =	vsel vm7, v0, v8;
	vm2 =	vgt.f32 v6, v4  }
0x2a6: {  	v4 =	vsel vm2, v6, v4;
	vm3 =	veq.f32 v1, v9;
	v1 =	vxor.u32 $0x80000000, v8  }
0x2a7: {  	v1 =	vnsel vm3, $0xC0000000, v1;
	vm3 =	vgt.f32 v7, v4  }
0x2a8: {  	v4 =	vsel vm3, v7, v4;
	(xrf0) =	vmin.scan.msk.u32 $0xffff, v1  }
0x2a9: {  	(xrf0) =	vmax.scan.msk.f32 $0xffff, v4;
	_ =	sdelay $0x4  }
0x2aa: {  	v3 =	vsel vm0, v3, v10;
	v1, _, _ =	vpop (xrf0)  }
0x2ab: {  	v3 =	vsel vm1, v5, v3;
	v5, _, _ =	vpop (xrf0)  }
0x2ac: {  	v2 =	vsel vm2, v2, v3;
	v3 =	vbroadcast v5, $0xF  }
0x2ad: {  	v0 =	vsel vm3, v0, v2  }
0x2ae: {  	v0 =	vxor.u32 $0x80000000, v0;
	vm0 =	veq.f32 v4, v3  }
0x2af: {  	v0 =	vnsel vm0, $0xC0000000, v0  }
0x2b0: {  	(xrf0) =	vmin.scan.msk.u32 $0xffff, v0;
	_ =	sdelay $0x5  }
0x2b1: {  	v1 =	vbroadcast v1, $0xF;
	v0, _, _ =	vpop (xrf0)  }
0x2b2: {  	v0 =	vbroadcast v0, $0xF  }
0x2b3: {  	v2 =	vshll.u32 v1, $0x2  }
0x2b4: {  	v1 =	vand.u32 $0x7F, v1;
	v2 =	vand.u32 $0xFFFFFE00, v2;
	v3 =	vshll.u32 v0, $0x2  }
0x2b5: {  	v1 =	vor.u32 v2, v1;
	v0 =	vand.u32 $0x7F, v0;
	v2 =	vand.u32 $0xFFFFFE00, v3  }
0x2b6: {  	v1 =	vor.u32 $0x80, v1;
	v0 =	vor.u32 v2, v0  }
0x2b7: {  	v0 =	vor.u32 $0x80, v0;
	_ =	sdelay $0x3  }
0x2b8: {  	v1 =	vld.idx.msk [tilespmem:v1+s20+$0x0], $0xffff  }
0x2b9: {  	v0 =	vld.idx.msk [tilespmem:v0+s20+$0x0], $0xffff  }
0x2ba: {  	s0 =	sor.u32 $0x5, s29  }
0x2bb: {  	s9 =	sor.u32 $0x6, s30;
	v2 =	vmov s0  }
0x2bc: {  	v3 =	vmov s9;
	v2 =	vand.u32 $0xFFFFFFFD, v2  }
0x2bd: {  	v3 =	vand.u32 $0xFFFFFFFE, v3;
	v2 =	vbroadcast v2, $0x0  }
0x2be: {  	v0 =	vsub.f32 v1, v0;
	v1 =	vbroadcast v3, $0x0;
	_ =	sdelay $0x1  }
0x2bf: {  	v0 =	vadd.f32 $2.000000030e-01, v0;
	_ =	sdelay $0x1  }
0x2c0: {  	v0 =	vmax.f32 v0, $0.0e+00  }
0x2c1: {  	[tilespmem:v2+s24+$0x0] =	vst.idx.msk $0x1, v0  }
0x2c2: {  	s2 =	simm.s32 $0x5170;
	v1 =	vld.idx.msk [tilespmem:v1+s4+$0x0], $0xffff  }
0x2c3: {  	s0 =	simm.s32 $0x15170;
	v4 =	vld [tilespmem:s2+$0x0]  }
0x2c4: {  	s31 =	simm.s32 $0xD170;
	v6 =	vld [tilespmem:s0+$0xFFFFFFB0]  }
0x2c5: {  	v8 =	vld [tilespmem:s31+$0xFFFFFFA0]  }
0x2c6: {  	s3 =	simm.s32 $0x40;
	v9 =	vld [tilespmem:s0+$0xFFFFFFA0]  }
0x2c7: {  	v10 =	vld [tilespmem:s3+$0xFFFFFFC0]  }
0x2c8: {  	v11 =	vld [tilespmem:s2+$0xFFFFFF90]  }
0x2c9: {  	v12 =	vld [tilespmem:s0+$0xFFFFFF90]  }
0x2ca: {  	v13 =	vld [tilespmem:s31+$0xFFFFFF90]  }
0x2cb: {  	v15 =	vld [tilespmem:s2+$0xFFFFFFA0]  }
0x2cc: {  	v14 =	vlaneseq.u32;
	v17 =	vld [tilespmem:s3+$0xFFFFFFD0]  }
0x2cd: {  	v16 =	vimm.f32 $-Inf;
	v19 =	vadd.s32 $0x20, v14;
	v20 =	vld [tilespmem:s2+$0xFFFFFFB0]  }
0x2ce: {  	v21 =	vadd.s32 $0x30, v14;
	v5 =	vadd.s32 $0x50, v14;
	v3 =	vadd.s32 $0x40, v14;
	v18 =	vld [tilespmem:s31+$0xFFFFFFB0]  }
0x2cf: {  	v12 =	vsub.f32 v12, v11;
	vm0 =	veq.s32 v10, v1;
	v10 =	vadd.f32 v13, v11;
	v13 =	vld [tilespmem:s0+$0xFFFFFFC0]  }
0x2d0: {  	v2 =	vadd.s32 $0x60, v14;
	v8 =	vadd.f32 v8, v15;
	v9 =	vsub.f32 v9, v15;
	v15 =	vld [tilespmem:s3+$0xFFFFFFE0]  }
0x2d1: {  	v0 =	vadd.s32 $0x70, v14;
	v11 =	vadd.s32 $0x10, v14;
	vm1 =	veq.s32 v17, v1;
	v17 =	vld [tilespmem:s2+$0xFFFFFFC0]  }
0x2d2: {  	v24 =	vld [tilespmem:s31+$0xFFFFFFC0];
	v6 =	vsub.f32 v6, v20;
	v12 =	vsel vm0, $0xFF800000, v12;
	v10 =	vnsel vm0, $0xFF800000, v10  }
0x2d3: {  	v7 =	vld [tilespmem:s31+$0xFFFFFFD0];
	v22 =	vnsel vm1, $0xFF800000, v8;
	v9 =	vsel vm1, $0xFF800000, v9;
	vm0 =	vgt.f32 v12, v16  }
0x2d4: {  	v8 =	vld [tilespmem:s3+$0xFFFFFFF0];
	vm2 =	vgt.f32 v10, v16;
	v12 =	vsel vm0, v12, v16;
	v23 =	vsel vm0, v14, v14  }
0x2d5: {  	v25 =	vld [tilespmem:s3+$0x0];
	v10 =	vsel vm2, v10, v16;
	v16 =	vadd.f32 v18, v20;
	v20 =	vsel vm2, v14, v14  }
0x2d6: {  	v18 =	vld [tilespmem:s0+$0xFFFFFFD0];
	vm0 =	vgt.f32 v9, v12;
	vm1 =	veq.s32 v15, v1;
	v13 =	vsub.f32 v13, v17  }
0x2d7: {  	v17 =	vadd.f32 v24, v17;
	v9 =	vsel vm0, v9, v12;
	v12 =	vld [tilespmem:s2+$0xFFFFFFD0];
	v6 =	vsel vm1, $0xFF800000, v6  }
0x2d8: {  	v15 =	vsel vm0, v11, v23;
	v23 =	vld [tilespmem:s0+$0x0];
	v16 =	vnsel vm1, $0xFF800000, v16;
	vm0 =	vgt.f32 v6, v9  }
0x2d9: {  	v63 =	vld [tilespmem:s31+$0xFFFFFFE0];
	vm1 =	veq.s32 v8, v1;
	v26 =	vsel vm0, v6, v9;
	v27 =	vsel vm0, v19, v15  }
0x2da: {  	v8 =	vld [tilespmem:s0+$0xFFFFFFE0];
	vm0 =	vgt.f32 v22, v10;
	v13 =	vsel vm1, $0xFF800000, v13;
	v6 =	vadd.s32 $0x80, v14  }
0x2db: {  	v9 =	vld [tilespmem:s2+$0xFFFFFFE0];
	v10 =	vsel vm0, v22, v10;
	vm2 =	vgt.f32 v13, v26;
	v11 =	vsel vm0, v11, v20  }
0x2dc: {  	v15 =	vld [tilespmem:s3+$0x10];
	vm0 =	vgt.f32 v16, v10;
	v13 =	vsel vm2, v13, v26;
	v14 =	vadd.f32 v7, v12  }
0x2dd: {  	v7 =	vsub.f32 v23, v4;
	v20 =	vsel vm0, v16, v10;
	v12 =	vsub.f32 v18, v12;
	v16 =	vld [tilespmem:s31+$0xFFFFFFF0]  }
0x2de: {  	v10 =	vsel vm0, v19, v11;
	v18 =	vnsel vm1, $0xFF800000, v17;
	vm0 =	veq.s32 v25, v1;
	v11 =	vld [tilespmem:s2+$0xFFFFFFF0]  }
0x2df: {  	vm1 =	vgt.f32 v18, v20;
	v19 =	vnsel vm0, $0xFF800000, v14;
	v22 =	vsel vm0, $0xFF800000, v12;
	v14 =	vld [tilespmem:s0+$0xFFFFFFF0]  }
0x2e0: {  	v17 =	vld [tilespmem:s3+$0x20];
	v12 =	vsel vm1, v21, v10;
	v10 =	vsel vm2, v21, v27;
	vm0 =	vgt.f32 v22, v13  }
0x2e1: {  	s8 =	simm.s32 $0x5370;
	s9 =	simm.s32 $0xC0;
	s2 =	simm.s32 $0x0;
	v21 =	vsel vm1, v18, v20;
	v20 =	vadd.f32 v63, v9;
	v18 =	vld [tilespmem:s31+$0x0];
	v13 =	vsel vm0, v22, v13  }
.LBB2_15:
0x2e2: {  	v22 =	vld [tilespmem:s8+$0x0];
	s2 =	sadd.s32 $0x8, s2;
	vm1 =	vgt.f32 v19, v21;
	vm2 =	veq.s32 v15, v1;
	v8 =	vsub.f32 v8, v9;
	s0 =	sadd.s32 $0x200, s0;
	s31 =	sadd.s32 $0x200, s31  }
0x2e3: {  	v10 =	vsel vm0, v3, v10;
	p0 =	slt.u32 s2, $0xF8;
	v9 =	vsel vm1, v19, v21;
	v15 =	vadd.f32 v16, v11;
	v16 =	vld [tilespmem:s3+$0x30];
	s3 =	smov.u32 s9  }
0x2e4: {  	v20 =	vnsel vm2, $0xFF800000, v20;
	v19 =	vld [tilespmem:s31+$0xFFFFFFD0];
	v8 =	vsel vm2, $0xFF800000, v8;
	v11 =	vsub.f32 v14, v11  }
0x2e5: {  	v3 =	vsel vm1, v3, v12;
	vm0 =	vgt.f32 v20, v9;
	v14 =	vld [tilespmem:s0+$0xFFFFFFB0];
	vm1 =	vgt.f32 v8, v13  }
0x2e6: {  	v9 =	vsel vm0, v20, v9;
	vm2 =	veq.s32 v17, v1;
	v12 =	vld [tilespmem:s31+$0xFFFFFFA0];
	v8 =	vsel vm1, v8, v13  }
0x2e7: {  	v17 =	vsel vm0, v5, v3;
	v15 =	vnsel vm2, $0xFF800000, v15;
	v18 =	vadd.f32 v18, v4;
	v13 =	vld [tilespmem:s0+$0xFFFFFFA0];
	v4 =	vmovc v22  }
0x2e8: {  	v3 =	vadd.s32 $0x40, v6;
	vm0 =	vgt.f32 v15, v9;
	v20 =	vld [tilespmem:s9+$0xFFFFFFC0];
	vm3 =	veq.s32 v16, v1  }
0x2e9: {  	v11 =	vsel vm2, $0xFF800000, v11;
	v9 =	vsel vm0, v15, v9;
	v16 =	vld [tilespmem:s8+$0xFFFFFF90];
	v7 =	vsel vm3, $0xFF800000, v7  }
0x2ea: {  	v5 =	vsel vm1, v5, v10;
	vm1 =	vgt.f32 v11, v8;
	v10 =	vnsel vm3, $0xFF800000, v18;
	v15 =	vld [tilespmem:s0+$0xFFFFFF90]  }
0x2eb: {  	v8 =	vsel vm1, v11, v8;
	v5 =	vsel vm1, v2, v5;
	vm1 =	vgt.f32 v10, v9;
	v18 =	vld [tilespmem:s31+$0xFFFFFF90]  }
0x2ec: {  	v2 =	vsel vm0, v2, v17;
	vm0 =	vgt.f32 v7, v8;
	v9 =	vsel vm1, v10, v9;
	v11 =	vld [tilespmem:s8+$0xFFFFFFA0]  }
0x2ed: {  	v17 =	vsel vm1, v0, v2;
	v7 =	vsel vm0, v7, v8;
	v8 =	vsel vm0, v0, v5;
	v10 =	vld [tilespmem:s9+$0xFFFFFFD0]  }
0x2ee: {  	v5 =	vadd.s32 $0x50, v6;
	v2 =	vadd.s32 $0x60, v6;
	v0 =	vadd.s32 $0x70, v6;
	v21 =	vld [tilespmem:s31+$0xFFFFFFB0]  }
0x2ef: {  	v24 =	vadd.s32 $0x30, v6;
	v22 =	vadd.s32 $0x20, v6;
	v15 =	vsub.f32 v15, v16;
	v23 =	vld [tilespmem:s8+$0xFFFFFFB0]  }
0x2f0: {  	vm0 =	veq.s32 v20, v1;
	v16 =	vadd.f32 v18, v16;
	v18 =	vadd.s32 $0x10, v6;
	v20 =	vld [tilespmem:s0+$0xFFFFFFC0]  }
0x2f1: {  	v15 =	vsel vm0, $0xFF800000, v15;
	v12 =	vadd.f32 v12, v11;
	v11 =	vsub.f32 v13, v11;
	v13 =	vld [tilespmem:s9+$0xFFFFFFE0]  }
0x2f2: {  	v16 =	vnsel vm0, $0xFF800000, v16;
	vm0 =	vgt.f32 v15, v7;
	vm1 =	veq.s32 v10, v1;
	v10 =	vld [tilespmem:s8+$0xFFFFFFC0]  }
0x2f3: {  	vm2 =	vgt.f32 v16, v9;
	v7 =	vsel vm0, v15, v7;
	v12 =	vnsel vm1, $0xFF800000, v12;
	v15 =	vld [tilespmem:s9+$0xFFFFFFF0]  }
0x2f4: {  	v8 =	vsel vm0, v6, v8;
	v11 =	vsel vm1, $0xFF800000, v11;
	v14 =	vsub.f32 v14, v23;
	v25 =	vld [tilespmem:s31+$0xFFFFFFC0]  }
0x2f5: {  	v9 =	vsel vm2, v16, v9;
	vm0 =	vgt.f32 v11, v7;
	v16 =	vadd.f32 v21, v23;
	v21 =	vld [tilespmem:s0+$0xFFFFFFD0]  }
0x2f6: {  	v17 =	vsel vm2, v6, v17;
	v7 =	vsel vm0, v11, v7;
	vm1 =	veq.s32 v13, v1;
	v11 =	vld [tilespmem:s8+$0xFFFFFFD0]  }
0x2f7: {  	v8 =	vsel vm0, v18, v8;
	v13 =	vsel vm1, $0xFF800000, v14;
	v14 =	vsub.f32 v20, v10;
	v20 =	vld [tilespmem:s0+$0x0]  }
0x2f8: {  	v16 =	vnsel vm1, $0xFF800000, v16;
	vm0 =	vgt.f32 v13, v7;
	vm1 =	veq.s32 v15, v1;
	v23 =	vld [tilespmem:s9+$0x0]  }
0x2f9: {  	v13 =	vsel vm0, v13, v7;
	v26 =	vsel vm0, v22, v8;
	v10 =	vadd.f32 v25, v10;
	v25 =	vld [tilespmem:s31+$0xFFFFFFE0]  }
0x2fa: {  	v6 =	vadd.s32 $0x80, v6;
	vm0 =	vgt.f32 v12, v9;
	v14 =	vsel vm1, $0xFF800000, v14;
	v8 =	vld [tilespmem:s0+$0xFFFFFFE0]  }
0x2fb: {  	v12 =	vsel vm0, v12, v9;
	vm2 =	vgt.f32 v14, v13;
	v19 =	vadd.f32 v19, v11;
	v9 =	vld [tilespmem:s8+$0xFFFFFFE0]  }
0x2fc: {  	v17 =	vsel vm0, v18, v17;
	vm0 =	vgt.f32 v16, v12;
	v15 =	vld [tilespmem:s9+$0x10];
	v7 =	vsub.f32 v20, v4  }
.Ltmp6:
0x2fd: {  	v18 =	vsel vm0, v16, v12;
	v12 =	vsel vm0, v22, v17;
	v17 =	vsub.f32 v21, v11;
	v16 =	vld [tilespmem:s31+$0xFFFFFFF0];
	(pc) =	sbr.rel @p0 .LBB2_15-.Ltmp6, $4  }
0x2fe: {  	v13 =	vsel vm2, v14, v13;
	v20 =	vnsel vm1, $0xFF800000, v10;
	vm0 =	veq.s32 v23, v1;
	v11 =	vld [tilespmem:s8+$0xFFFFFFF0]  }
0x2ff: {  	vm1 =	vgt.f32 v20, v18;
	v19 =	vnsel vm0, $0xFF800000, v19;
	v22 =	vsel vm0, $0xFF800000, v17;
	v14 =	vld [tilespmem:s0+$0xFFFFFFF0]  }
0x300: {  	v10 =	vsel vm2, v24, v26;
	v12 =	vsel vm1, v24, v12;
	vm0 =	vgt.f32 v22, v13;
	v17 =	vld [tilespmem:s9+$0x20]  }
0x301: {  	v21 =	vsel vm1, v20, v18;
	s8 =	sadd.s32 $0x200, s8;
	v13 =	vsel vm0, v22, v13;
	v20 =	vadd.f32 v25, v9;
	s9 =	sadd.s32 $0x80, s9;
	v18 =	vld [tilespmem:s31+$0x0]  }
0x302: {  	v6 =	vld [tilespmem:s3+$0x30]  }
0x303: {  	vm1 =	vgt.f32 v19, v21;
	vm2 =	veq.s32 v15, v1  }
0x304: {  	v15 =	vsel vm1, v19, v21;
	v16 =	vadd.f32 v16, v11;
	v19 =	vnsel vm2, $0xFF800000, v20  }
0x305: {  	vm3 =	vgt.f32 v19, v15;
	vm4 =	veq.s32 v17, v1  }
0x306: {  	v15 =	vsel vm3, v19, v15;
	v16 =	vnsel vm4, $0xFF800000, v16;
	v4 =	vadd.f32 v18, v4  }
0x307: {  	vm5 =	vgt.f32 v16, v15;
	vm6 =	veq.s32 v6, v1  }
0x308: {  	v1 =	vsel vm5, v16, v15;
	v4 =	vnsel vm6, $0xFF800000, v4  }
0x309: {  	vm7 =	vgt.f32 v4, v1  }
0x30a: {  	v1 =	vsel vm7, v4, v1  }
0x30b: {  	(xrf0) =	vmax.scan.msk.f32 $0xffff, v1;
	_ =	sdelay $0x2  }
0x30c: {  	v4 =	vsub.f32 v8, v9  }
0x30d: {  	v6 =	vsub.f32 v14, v11  }
0x30e: {  	v8 =	vsel vm1, v3, v12;
	v4 =	vsel vm2, $0xFF800000, v4  }
0x30f: {  	v6 =	vsel vm4, $0xFF800000, v6;
	v8 =	vsel vm3, v5, v8;
	vm1 =	vgt.f32 v4, v13;
	v9, _, _ =	vpop (xrf0)  }
0x310: {  	v8 =	vsel vm5, v2, v8;
	v4 =	vsel vm1, v4, v13;
	v9 =	vbroadcast v9, $0xF  }
0x311: {  	v7 =	vsel vm6, $0xFF800000, v7;
	v8 =	vsel vm7, v0, v8;
	vm2 =	vgt.f32 v6, v4  }
0x312: {  	v4 =	vsel vm2, v6, v4;
	vm3 =	veq.f32 v1, v9;
	v1 =	vxor.u32 $0x80000000, v8  }
0x313: {  	v1 =	vnsel vm3, $0xC0000000, v1;
	vm3 =	vgt.f32 v7, v4  }
0x314: {  	v4 =	vsel vm3, v7, v4;
	(xrf0) =	vmin.scan.msk.u32 $0xffff, v1  }
0x315: {  	(xrf0) =	vmax.scan.msk.f32 $0xffff, v4;
	_ =	sdelay $0x4  }
0x316: {  	v3 =	vsel vm0, v3, v10;
	v1, _, _ =	vpop (xrf0)  }
0x317: {  	v3 =	vsel vm1, v5, v3;
	v5, _, _ =	vpop (xrf0)  }
0x318: {  	v2 =	vsel vm2, v2, v3;
	v3 =	vbroadcast v5, $0xF  }
0x319: {  	v0 =	vsel vm3, v0, v2  }
0x31a: {  	v0 =	vxor.u32 $0x80000000, v0;
	vm0 =	veq.f32 v4, v3  }
0x31b: {  	v0 =	vnsel vm0, $0xC0000000, v0  }
0x31c: {  	(xrf0) =	vmin.scan.msk.u32 $0xffff, v0;
	_ =	sdelay $0x5  }
0x31d: {  	v1 =	vbroadcast v1, $0xF;
	v0, _, _ =	vpop (xrf0)  }
0x31e: {  	v0 =	vbroadcast v0, $0xF  }
0x31f: {  	v2 =	vshll.u32 v1, $0x2  }
0x320: {  	v1 =	vand.u32 $0x7F, v1;
	v2 =	vand.u32 $0xFFFFFE00, v2;
	v3 =	vshll.u32 v0, $0x2  }
0x321: {  	v1 =	vor.u32 v2, v1;
	v0 =	vand.u32 $0x7F, v0;
	v2 =	vand.u32 $0xFFFFFE00, v3  }
0x322: {  	v1 =	vor.u32 $0x100, v1;
	v0 =	vor.u32 v2, v0  }
0x323: {  	v0 =	vor.u32 $0x100, v0;
	_ =	sdelay $0x3  }
0x324: {  	v1 =	vld.idx.msk [tilespmem:v1+s20+$0x0], $0xffff  }
0x325: {  	v0 =	vld.idx.msk [tilespmem:v0+s20+$0x0], $0xffff  }
0x326: {  	s0 =	sor.u32 $0x6, s29  }
0x327: {  	v2 =	vmov s0  }
0x328: {  	v2 =	vand.u32 $0xFFFFFFFE, v2  }
0x329: {  	v2 =	vbroadcast v2, $0x0  }
0x32a: {  	s31 =	sor.u32 $0x7, s30;
	v0 =	vsub.f32 v1, v0  }
0x32b: {  	v1 =	vmov s31  }
0x32c: {  	v0 =	vadd.f32 $2.000000030e-01, v0;
	_ =	sdelay $0x1  }
0x32d: {  	v0 =	vmax.f32 v0, $0.0e+00  }
0x32e: {  	[tilespmem:v2+s24+$0x0] =	vst.idx.msk $0x1, v0  }
0x32f: {  	s2 =	simm.s32 $0x51F0;
	v1 =	vld.idx.msk [tilespmem:v1+s4+$0x0], $0xffff  }
0x330: {  	s0 =	simm.s32 $0x151F0;
	v4 =	vld [tilespmem:s2+$0x0]  }
0x331: {  	s30 =	simm.s32 $0xD1F0;
	v6 =	vld [tilespmem:s0+$0xFFFFFFB0]  }
0x332: {  	v8 =	vld [tilespmem:s30+$0xFFFFFFA0]  }
0x333: {  	s3 =	simm.s32 $0x40;
	v9 =	vld [tilespmem:s0+$0xFFFFFFA0]  }
0x334: {  	v10 =	vld [tilespmem:s3+$0xFFFFFFC0]  }
0x335: {  	v11 =	vld [tilespmem:s2+$0xFFFFFF90]  }
0x336: {  	v12 =	vld [tilespmem:s0+$0xFFFFFF90]  }
0x337: {  	v13 =	vld [tilespmem:s30+$0xFFFFFF90]  }
0x338: {  	v15 =	vld [tilespmem:s2+$0xFFFFFFA0]  }
0x339: {  	v14 =	vlaneseq.u32;
	v17 =	vld [tilespmem:s3+$0xFFFFFFD0]  }
0x33a: {  	v16 =	vimm.f32 $-Inf;
	v19 =	vadd.s32 $0x20, v14;
	v20 =	vld [tilespmem:s2+$0xFFFFFFB0]  }
0x33b: {  	v21 =	vadd.s32 $0x30, v14;
	v5 =	vadd.s32 $0x50, v14;
	v3 =	vadd.s32 $0x40, v14;
	v18 =	vld [tilespmem:s30+$0xFFFFFFB0]  }
0x33c: {  	v12 =	vsub.f32 v12, v11;
	vm0 =	veq.s32 v10, v1;
	v10 =	vadd.f32 v13, v11;
	v13 =	vld [tilespmem:s0+$0xFFFFFFC0]  }
0x33d: {  	v2 =	vadd.s32 $0x60, v14;
	v8 =	vadd.f32 v8, v15;
	v9 =	vsub.f32 v9, v15;
	v15 =	vld [tilespmem:s3+$0xFFFFFFE0]  }
0x33e: {  	v0 =	vadd.s32 $0x70, v14;
	v11 =	vadd.s32 $0x10, v14;
	vm1 =	veq.s32 v17, v1;
	v17 =	vld [tilespmem:s2+$0xFFFFFFC0]  }
0x33f: {  	v24 =	vld [tilespmem:s30+$0xFFFFFFC0];
	v6 =	vsub.f32 v6, v20;
	v12 =	vsel vm0, $0xFF800000, v12;
	v10 =	vnsel vm0, $0xFF800000, v10  }
0x340: {  	v7 =	vld [tilespmem:s30+$0xFFFFFFD0];
	v22 =	vnsel vm1, $0xFF800000, v8;
	v9 =	vsel vm1, $0xFF800000, v9;
	vm0 =	vgt.f32 v12, v16  }
0x341: {  	v8 =	vld [tilespmem:s3+$0xFFFFFFF0];
	vm2 =	vgt.f32 v10, v16;
	v12 =	vsel vm0, v12, v16;
	v23 =	vsel vm0, v14, v14  }
0x342: {  	v25 =	vld [tilespmem:s3+$0x0];
	v10 =	vsel vm2, v10, v16;
	v16 =	vadd.f32 v18, v20;
	v20 =	vsel vm2, v14, v14  }
0x343: {  	v18 =	vld [tilespmem:s0+$0xFFFFFFD0];
	vm0 =	vgt.f32 v9, v12;
	vm1 =	veq.s32 v15, v1;
	v13 =	vsub.f32 v13, v17  }
0x344: {  	v17 =	vadd.f32 v24, v17;
	v9 =	vsel vm0, v9, v12;
	v12 =	vld [tilespmem:s2+$0xFFFFFFD0];
	v6 =	vsel vm1, $0xFF800000, v6  }
0x345: {  	v15 =	vsel vm0, v11, v23;
	v23 =	vld [tilespmem:s0+$0x0];
	v16 =	vnsel vm1, $0xFF800000, v16;
	vm0 =	vgt.f32 v6, v9  }
0x346: {  	v63 =	vld [tilespmem:s30+$0xFFFFFFE0];
	vm1 =	veq.s32 v8, v1;
	v26 =	vsel vm0, v6, v9;
	v27 =	vsel vm0, v19, v15  }
0x347: {  	v8 =	vld [tilespmem:s0+$0xFFFFFFE0];
	vm0 =	vgt.f32 v22, v10;
	v13 =	vsel vm1, $0xFF800000, v13;
	v6 =	vadd.s32 $0x80, v14  }
0x348: {  	v9 =	vld [tilespmem:s2+$0xFFFFFFE0];
	v10 =	vsel vm0, v22, v10;
	vm2 =	vgt.f32 v13, v26;
	v11 =	vsel vm0, v11, v20  }
0x349: {  	v15 =	vld [tilespmem:s3+$0x10];
	vm0 =	vgt.f32 v16, v10;
	v13 =	vsel vm2, v13, v26;
	v14 =	vadd.f32 v7, v12  }
0x34a: {  	v7 =	vsub.f32 v23, v4;
	v20 =	vsel vm0, v16, v10;
	v12 =	vsub.f32 v18, v12;
	v16 =	vld [tilespmem:s30+$0xFFFFFFF0]  }
0x34b: {  	v10 =	vsel vm0, v19, v11;
	v18 =	vnsel vm1, $0xFF800000, v17;
	vm0 =	veq.s32 v25, v1;
	v11 =	vld [tilespmem:s2+$0xFFFFFFF0]  }
0x34c: {  	vm1 =	vgt.f32 v18, v20;
	v19 =	vnsel vm0, $0xFF800000, v14;
	v22 =	vsel vm0, $0xFF800000, v12;
	v14 =	vld [tilespmem:s0+$0xFFFFFFF0]  }
0x34d: {  	v17 =	vld [tilespmem:s3+$0x20];
	v12 =	vsel vm1, v21, v10;
	v10 =	vsel vm2, v21, v27;
	vm0 =	vgt.f32 v22, v13  }
0x34e: {  	s8 =	simm.s32 $0x53F0;
	s9 =	simm.s32 $0xC0;
	s2 =	simm.s32 $0x0;
	v21 =	vsel vm1, v18, v20;
	v20 =	vadd.f32 v63, v9;
	v18 =	vld [tilespmem:s30+$0x0];
	v13 =	vsel vm0, v22, v13  }
.LBB2_17:
0x34f: {  	v22 =	vld [tilespmem:s8+$0x0];
	s2 =	sadd.s32 $0x8, s2;
	vm1 =	vgt.f32 v19, v21;
	vm2 =	veq.s32 v15, v1;
	v8 =	vsub.f32 v8, v9;
	s0 =	sadd.s32 $0x200, s0;
	s30 =	sadd.s32 $0x200, s30  }
0x350: {  	v10 =	vsel vm0, v3, v10;
	p0 =	slt.u32 s2, $0xF8;
	v9 =	vsel vm1, v19, v21;
	v15 =	vadd.f32 v16, v11;
	v16 =	vld [tilespmem:s3+$0x30];
	s3 =	smov.u32 s9  }
0x351: {  	v20 =	vnsel vm2, $0xFF800000, v20;
	v19 =	vld [tilespmem:s30+$0xFFFFFFD0];
	v8 =	vsel vm2, $0xFF800000, v8;
	v11 =	vsub.f32 v14, v11  }
0x352: {  	v3 =	vsel vm1, v3, v12;
	vm0 =	vgt.f32 v20, v9;
	v14 =	vld [tilespmem:s0+$0xFFFFFFB0];
	vm1 =	vgt.f32 v8, v13  }
0x353: {  	v9 =	vsel vm0, v20, v9;
	vm2 =	veq.s32 v17, v1;
	v12 =	vld [tilespmem:s30+$0xFFFFFFA0];
	v8 =	vsel vm1, v8, v13  }
0x354: {  	v17 =	vsel vm0, v5, v3;
	v15 =	vnsel vm2, $0xFF800000, v15;
	v18 =	vadd.f32 v18, v4;
	v13 =	vld [tilespmem:s0+$0xFFFFFFA0];
	v4 =	vmovc v22  }
0x355: {  	v3 =	vadd.s32 $0x40, v6;
	vm0 =	vgt.f32 v15, v9;
	v20 =	vld [tilespmem:s9+$0xFFFFFFC0];
	vm3 =	veq.s32 v16, v1  }
0x356: {  	v11 =	vsel vm2, $0xFF800000, v11;
	v9 =	vsel vm0, v15, v9;
	v16 =	vld [tilespmem:s8+$0xFFFFFF90];
	v7 =	vsel vm3, $0xFF800000, v7  }
0x357: {  	v5 =	vsel vm1, v5, v10;
	vm1 =	vgt.f32 v11, v8;
	v10 =	vnsel vm3, $0xFF800000, v18;
	v15 =	vld [tilespmem:s0+$0xFFFFFF90]  }
0x358: {  	v8 =	vsel vm1, v11, v8;
	v5 =	vsel vm1, v2, v5;
	vm1 =	vgt.f32 v10, v9;
	v18 =	vld [tilespmem:s30+$0xFFFFFF90]  }
0x359: {  	v2 =	vsel vm0, v2, v17;
	vm0 =	vgt.f32 v7, v8;
	v9 =	vsel vm1, v10, v9;
	v11 =	vld [tilespmem:s8+$0xFFFFFFA0]  }
0x35a: {  	v17 =	vsel vm1, v0, v2;
	v7 =	vsel vm0, v7, v8;
	v8 =	vsel vm0, v0, v5;
	v10 =	vld [tilespmem:s9+$0xFFFFFFD0]  }
0x35b: {  	v5 =	vadd.s32 $0x50, v6;
	v2 =	vadd.s32 $0x60, v6;
	v0 =	vadd.s32 $0x70, v6;
	v21 =	vld [tilespmem:s30+$0xFFFFFFB0]  }
0x35c: {  	v24 =	vadd.s32 $0x30, v6;
	v22 =	vadd.s32 $0x20, v6;
	v15 =	vsub.f32 v15, v16;
	v23 =	vld [tilespmem:s8+$0xFFFFFFB0]  }
0x35d: {  	vm0 =	veq.s32 v20, v1;
	v16 =	vadd.f32 v18, v16;
	v18 =	vadd.s32 $0x10, v6;
	v20 =	vld [tilespmem:s0+$0xFFFFFFC0]  }
0x35e: {  	v15 =	vsel vm0, $0xFF800000, v15;
	v12 =	vadd.f32 v12, v11;
	v11 =	vsub.f32 v13, v11;
	v13 =	vld [tilespmem:s9+$0xFFFFFFE0]  }
0x35f: {  	v16 =	vnsel vm0, $0xFF800000, v16;
	vm0 =	vgt.f32 v15, v7;
	vm1 =	veq.s32 v10, v1;
	v10 =	vld [tilespmem:s8+$0xFFFFFFC0]  }
0x360: {  	vm2 =	vgt.f32 v16, v9;
	v7 =	vsel vm0, v15, v7;
	v12 =	vnsel vm1, $0xFF800000, v12;
	v15 =	vld [tilespmem:s9+$0xFFFFFFF0]  }
0x361: {  	v8 =	vsel vm0, v6, v8;
	v11 =	vsel vm1, $0xFF800000, v11;
	v14 =	vsub.f32 v14, v23;
	v25 =	vld [tilespmem:s30+$0xFFFFFFC0]  }
0x362: {  	v9 =	vsel vm2, v16, v9;
	vm0 =	vgt.f32 v11, v7;
	v16 =	vadd.f32 v21, v23;
	v21 =	vld [tilespmem:s0+$0xFFFFFFD0]  }
0x363: {  	v17 =	vsel vm2, v6, v17;
	v7 =	vsel vm0, v11, v7;
	vm1 =	veq.s32 v13, v1;
	v11 =	vld [tilespmem:s8+$0xFFFFFFD0]  }
0x364: {  	v8 =	vsel vm0, v18, v8;
	v13 =	vsel vm1, $0xFF800000, v14;
	v14 =	vsub.f32 v20, v10;
	v20 =	vld [tilespmem:s0+$0x0]  }
0x365: {  	v16 =	vnsel vm1, $0xFF800000, v16;
	vm0 =	vgt.f32 v13, v7;
	vm1 =	veq.s32 v15, v1;
	v23 =	vld [tilespmem:s9+$0x0]  }
0x366: {  	v13 =	vsel vm0, v13, v7;
	v26 =	vsel vm0, v22, v8;
	v10 =	vadd.f32 v25, v10;
	v25 =	vld [tilespmem:s30+$0xFFFFFFE0]  }
0x367: {  	v6 =	vadd.s32 $0x80, v6;
	vm0 =	vgt.f32 v12, v9;
	v14 =	vsel vm1, $0xFF800000, v14;
	v8 =	vld [tilespmem:s0+$0xFFFFFFE0]  }
0x368: {  	v12 =	vsel vm0, v12, v9;
	vm2 =	vgt.f32 v14, v13;
	v19 =	vadd.f32 v19, v11;
	v9 =	vld [tilespmem:s8+$0xFFFFFFE0]  }
0x369: {  	v17 =	vsel vm0, v18, v17;
	vm0 =	vgt.f32 v16, v12;
	v15 =	vld [tilespmem:s9+$0x10];
	v7 =	vsub.f32 v20, v4  }
.Ltmp7:
0x36a: {  	v18 =	vsel vm0, v16, v12;
	v12 =	vsel vm0, v22, v17;
	v17 =	vsub.f32 v21, v11;
	v16 =	vld [tilespmem:s30+$0xFFFFFFF0];
	(pc) =	sbr.rel @p0 .LBB2_17-.Ltmp7, $4  }
0x36b: {  	v13 =	vsel vm2, v14, v13;
	v20 =	vnsel vm1, $0xFF800000, v10;
	vm0 =	veq.s32 v23, v1;
	v11 =	vld [tilespmem:s8+$0xFFFFFFF0]  }
0x36c: {  	vm1 =	vgt.f32 v20, v18;
	v19 =	vnsel vm0, $0xFF800000, v19;
	v22 =	vsel vm0, $0xFF800000, v17;
	v14 =	vld [tilespmem:s0+$0xFFFFFFF0]  }
0x36d: {  	v10 =	vsel vm2, v24, v26;
	v12 =	vsel vm1, v24, v12;
	vm0 =	vgt.f32 v22, v13;
	v17 =	vld [tilespmem:s9+$0x20]  }
0x36e: {  	v21 =	vsel vm1, v20, v18;
	s8 =	sadd.s32 $0x200, s8;
	v13 =	vsel vm0, v22, v13;
	v20 =	vadd.f32 v25, v9;
	s9 =	sadd.s32 $0x80, s9;
	v18 =	vld [tilespmem:s30+$0x0]  }
0x36f: {  	v6 =	vld [tilespmem:s3+$0x30]  }
0x370: {  	vm1 =	veq.s32 v15, v1;
	vm2 =	vgt.f32 v19, v21  }
0x371: {  	v47 =	vsel vm2, v19, v21;
	v16 =	vadd.f32 v16, v11;
	v48 =	vnsel vm1, $0xFF800000, v20  }
0x372: {  	vm3 =	vgt.f32 v48, v47;
	vm4 =	veq.s32 v17, v1  }
0x373: {  	v15 =	vsel vm3, v48, v47;
	v16 =	vnsel vm4, $0xFF800000, v16;
	v4 =	vadd.f32 v18, v4  }
0x374: {  	vm5 =	vgt.f32 v16, v15;
	vm6 =	veq.s32 v6, v1  }
0x375: {  	v49 =	vsel vm5, v16, v15;
	v4 =	vnsel vm6, $0xFF800000, v4  }
0x376: {  	vm7 =	vgt.f32 v4, v49  }
0x377: {  	v1 =	vsel vm7, v4, v49  }
0x378: {  	(xrf0) =	vmax.scan.msk.f32 $0xffff, v1;
	_ =	sdelay $0x2  }
0x379: {  	v50 =	vsub.f32 v8, v9  }
0x37a: {  	v51 =	vsub.f32 v14, v11  }
0x37b: {  	v52 =	vsel vm2, v3, v12;
	v4 =	vsel vm1, $0xFF800000, v50  }
0x37c: {  	v8 =	vsel vm3, v5, v52;
	v6 =	vsel vm4, $0xFF800000, v51;
	vm1 =	vgt.f32 v4, v13;
	v53, _, _ =	vpop (xrf0)  }
0x37d: {  	v8 =	vsel vm5, v2, v8;
	v4 =	vsel vm1, v4, v13;
	v9 =	vbroadcast v53, $0xF  }
0x37e: {  	v7 =	vsel vm6, $0xFF800000, v7;
	v8 =	vsel vm7, v0, v8;
	vm12 =	vgt.f32 v6, v4  }
0x37f: {  	v54 =	vxor.u32 $0x80000000, v8;
	v4 =	vsel vm12, v6, v4;
	vm13 =	veq.f32 v1, v9  }
0x380: {  	vm14 =	vgt.f32 v7, v4;
	v1 =	vnsel vm13, $0xC0000000, v54  }
0x381: {  	v4 =	vsel vm14, v7, v4;
	(xrf0) =	vmin.scan.msk.u32 $0xffff, v1  }
0x382: {  	(xrf0) =	vmax.scan.msk.f32 $0xffff, v4;
	_ =	sdelay $0x4  }
0x383: {  	v55 =	vsel vm0, v3, v10;
	v1, _, _ =	vpop (xrf0)  }
0x384: {  	v3 =	vsel vm1, v5, v55;
	v56, _, _ =	vpop (xrf0)  }
0x385: {  	v57 =	vsel vm12, v2, v3;
	v58 =	vbroadcast v56, $0xF  }
0x386: {  	v59 =	vsel vm14, v0, v57  }
0x387: {  	v0 =	vxor.u32 $0x80000000, v59;
	vm15 =	veq.f32 v4, v58  }
0x388: {  	v0 =	vnsel vm15, $0xC0000000, v0  }
0x389: {  	(xrf0) =	vmin.scan.msk.u32 $0xffff, v0;
	_ =	sdelay $0x5  }
0x38a: {  	v1 =	vbroadcast v1, $0xF;
	v0, _, _ =	vpop (xrf0)  }
0x38b: {  	v0 =	vbroadcast v0, $0xF  }
0x38c: {  	v60 =	vshll.u32 v1, $0x2  }
0x38d: {  	v1 =	vand.u32 $0x7F, v1;
	v2 =	vand.u32 $0xFFFFFE00, v60;
	v61 =	vshll.u32 v0, $0x2  }
0x38e: {  	v1 =	vor.u32 v2, v1;
	v0 =	vand.u32 $0x7F, v0;
	v62 =	vand.u32 $0xFFFFFE00, v61  }
0x38f: {  	v1 =	vor.u32 $0x180, v1;
	v0 =	vor.u32 v62, v0  }
0x390: {  	v0 =	vor.u32 $0x180, v0;
	_ =	sdelay $0x3  }
0x391: {  	v1 =	vld.idx.msk [tilespmem:v1+s20+$0x0], $0xffff  }
0x392: {  	v0 =	vld.idx.msk [tilespmem:v0+s20+$0x0], $0xffff;
	_ =	sdelay $0x3  }
0x393: {  	s0 =	sor.u32 $0x7, s29;
	s28 =	sadd.s32 $0x1, s28  }
0x394: {  	v63 =	vmov s0;
	p0 =	sne.s32 s28, $0x10;
	v0 =	vsub.f32 v1, v0  }
.Ltmp8:
0x395: {  	_ = 	snop;
	(pc) =	sbr.rel @p0 .LBB2_2-.Ltmp8, $3  }
0x396: {  	v0 =	vadd.f32 $2.000000030e-01, v0;
	_ =	sdelay $0x1  }
0x397: {  	v0 =	vmax.f32 v0, $0.0e+00  }
0x398: {  	[tilespmem:v63+s24+$0x0] =	vst.idx.msk $0x1, v0  }
0x399: {  	_ =	swait.ge [sflag:s23], $0x4000  }
0x39a: {  	[sflag:s23] =	ssyncset.done $0x0  }
0x39b: {  	[sflag:s23] =	ssyncadd.s32 $0xFFFFC000  }
0x39c: {  	_ =	swait.ge [sflag:s23], $0x4000  }
0x39d: {  	[sflag:s23] =	ssyncset.done $0x0  }
0x39e: {  	[sflag:s23] =	ssyncadd.s32 $0xFFFFC000  }
0x39f: {  	s26 =	sadd.s32 $0x1, s26;
	_ =	swait.ge [sflag:s23], $0x4000  }
0x3a0: {  	p0 =	sne.s32 s26, s13;
	[sflag:s23] =	ssyncset.done $0x0  }
.Ltmp9:
0x3a1: {  	[sflag:s23] =	ssyncadd.s32 $0xFFFFC000;
	(pc) =	sbr.rel @p0 .LBB2_1-.Ltmp9, $4  }
0x3a2: {  	[hbm4b:s12+s4] =	stream.linear.scatter [tilespmem:s24], [sflag:$0x3], $0x80, $0x38;
	[tilespmem:$0x19080] =	vst v63  }
0x3a3: {  	_ =	swait.ge [sflag:s14], $0x80  }
0x3a4: {  	[sflag:s14] =	ssyncset.done $0x0  }
0x3a5: {  	[sflag:s14] =	ssyncadd.s32 $0xFFFFFF80  }
0x3a6: {  	_ =	sfence.sel $0x180000  }
0x3a7: {  	[bflag:$0x0] =	sbarrier.arrive $0xFFFF  }
0x3a8: {  	_ =	strace $0x90000047  }
0x3a9: {  	s0 =	stileid.u32;
	[bflag:$0x2] =	sbarrier.arrive $0xFFFF  }
0x3aa: {  	p0 =	sne.s32 s0, $0x0;
	s0 =	rddreg [dreg:$0x4]  }
0x3ab: {  	s0 =	sadd.s32 @!p0 $0x100000, s0  }
0x3ac: {  	[sflag:s0] =	ssyncadd.tile.s32 @!p0 $0x1;
	_ =	shalt  }
.Lfunc_end2:
_tile_overlayer_lowered:
.L_overlay_start_2:
0x3ad: {  	(tag) =	ssettag $0x2  }
0x3ae: {  	s0 =	rddreg [dreg:$0x0];
	s2 =	stileid.u32  }
0x3af: {  	s1 =	rddreg [dreg:$0x1];
	p0 =	sne.s32 s2, $0x0  }
0x3b0: {  	s3 =	rddreg [dreg:$0x2];
	[bflag:$0x3] =	sbarrier.arrive $0xFFFF;
	s2 =	simm.s32 @!p0 $0x1C03  }
0x3b1: {  	[timem:s3], [sflag:s2] =	dma.local @!p0 [hbm:s0], s1  }
0x3b2: {  	s0 =	simm.s32 @!p0 $0x3  }
0x3b3: {  	_ =	swait.ge @!p0 [sflag:s0], s1  }
0x3b4: {  	s1 =	ssub.s32 @!p0 $0x0, s1;
	[sflag:s0] =	ssyncset.done @!p0 $0x0  }
0x3b5: {  	[sflag:s0] =	ssyncadd.s32 @!p0 s1  }
0x3b6: {  	[bflag:$0x3] =	sbarrier.arrive $0xFFFF  }
0x3b7: {  	_ =	shalt  }

</sc_bundles>
